<compile_context>
chip_gen: v7x
topology: tpu7x:2x2x1
jax: 0.10.2.dev20260603
libtpu: 0.0.44.dev20260713+nightly
codegen_flags: <defaults>
</compile_context>

<pallas_src>
import functools

import numpy as np

import jax
import jax.numpy as jnp
from jax import lax
from jax.experimental import pallas as pl
from jax.experimental.pallas import tpu as pltpu
from jax.experimental.pallas import tpu_sc as plsc

N_NODES = 10000
N_EDGES = 320000
D = 128
DH = 64

NC = 2
NS = 16
L = 16

C = 80
NBUF = 4
NCHUNK = 250
EPT = NCHUNK * C
NGRP = NCHUNK // NBUF

WPT = 624
TAIL = N_NODES - NS * WPT
ZR = 104

MROWS = 1000

_ph = np.empty(64, np.int32)
for _k in range(2):
    for _j in range(16):
        _ph[32 * _k + 2 * _j] = 32 * _k + _j
        _ph[32 * _k + 2 * _j + 1] = 32 * _k + 16 + _j
PERM = np.concatenate([_ph, 64 + _ph])


def _tc_body(x_ref, wt_ref, b_ref, o0_ref, o1_ref):
    y = jnp.dot(x_ref[...], wt_ref[...], preferred_element_type=jnp.float32)
    y = y + b_ref[...]
    o0_ref[...] = y[:, :DH].astype(jnp.bfloat16)
    o1_ref[...] = y[:, DH:].astype(jnp.bfloat16)


def _tc_linear(layer_input, wt, b2d):
    return pl.pallas_call(
        _tc_body,
        grid=(N_NODES // MROWS,),
        in_specs=[
            pl.BlockSpec((MROWS, D), lambda i: (i, 0)),
            pl.BlockSpec((D, D), lambda i: (0, 0)),
            pl.BlockSpec((1, D), lambda i: (0, 0)),
        ],
        out_specs=[
            pl.BlockSpec((MROWS, DH), lambda i: (i, 0)),
            pl.BlockSpec((MROWS, DH), lambda i: (i, 0)),
        ],
        out_shape=[
            jax.ShapeDtypeStruct((N_NODES, DH), jnp.bfloat16),
            jax.ShapeDtypeStruct((N_NODES, DH), jnp.bfloat16),
        ],
    )(layer_input, wt, b2d)


_sc_mesh = plsc.VectorSubcoreMesh(
    core_axis_name="c", subcore_axis_name="s", num_cores=NC, num_subcores=NS)


@functools.partial(
    pl.kernel,
    out_type=jax.ShapeDtypeStruct((N_NODES, D), jnp.float32),
    mesh=_sc_mesh,
    compiler_params=pltpu.CompilerParams(
        needs_layout_passes=False, use_tc_tiling_on_sc=False),
    scratch_types=[
        pltpu.VMEM((NCHUNK, C), jnp.int32),
        pltpu.VMEM((NCHUNK, C), jnp.int32),
        pltpu.VMEM((EPT,), jnp.float32),
        [pltpu.VMEM((C, DH), jnp.bfloat16) for _ in range(NBUF)],
        [pltpu.VMEM((C, DH), jnp.float32) for _ in range(2)],
        pltpu.VMEM((ZR, DH), jnp.float32),
        pltpu.VMEM_SHARED((N_NODES, DH), jnp.float32),
        [pltpu.SemaphoreType.DMA for _ in range(NBUF)],
        [pltpu.SemaphoreType.DMA for _ in range(2)],
    ],
)
def _sc_aggregate(x0_hbm, x1_hbm, src_hbm, dst_hbm, adj_hbm, out_hbm,
                  src_v, dst_v, adj_v, rows_v, scal_v, zero_v, acc_sh,
                  gsem, ssem):
    c = lax.axis_index("c")
    s = lax.axis_index("s")

    pltpu.sync_copy(src_hbm.at[s], src_v)
    pltpu.sync_copy(dst_hbm.at[s], dst_v)
    pltpu.sync_copy(adj_hbm.at[s], adj_v)

    @plsc.parallel_loop(0, ZR, unroll=8)
    def _zrow(i):
        for k in range(DH // L):
            zero_v[i, pl.ds(k * L, L)] = jnp.zeros((L,), jnp.float32)
    for j in range(WPT // ZR):
        pltpu.sync_copy(zero_v, acc_sh.at[pl.ds(s * WPT + j * ZR, ZR)])

    @pl.when(s == 0)
    def _():
        pltpu.sync_copy(zero_v.at[pl.ds(0, TAIL)],
                        acc_sh.at[pl.ds(NS * WPT, TAIL)])
    plsc.subcore_barrier()

    def _issue(i, buf, sem):
        @pl.when(c == 0)
        def _():
            pltpu.async_copy(x0_hbm.at[src_v.at[i]], buf, sem)

        @pl.when(c == 1)
        def _():
            pltpu.async_copy(x1_hbm.at[src_v.at[i]], buf, sem)

    def _wait_gather(i, buf, sem):
        @pl.when(c == 0)
        def _():
            pltpu.make_async_copy(x0_hbm.at[src_v.at[i]], buf, sem).wait()

        @pl.when(c == 1)
        def _():
            pltpu.make_async_copy(x1_hbm.at[src_v.at[i]], buf, sem).wait()

    def _wait_scatter(i, scal, sem):
        pltpu.make_async_copy(scal, acc_sh.at[dst_v.at[i]], sem).wait()

    for b in range(NBUF):
        _issue(b, rows_v[b], gsem[b])

    def _group(g, carry):
        for b in range(NBUF):
            i = g * NBUF + b
            _wait_gather(i, rows_v[b], gsem[b])

            if b >= 2:
                _wait_scatter(i - 2, scal_v[b % 2], ssem[b % 2])
            else:
                @pl.when(g > 0)
                def _(i=i, b=b):
                    _wait_scatter(i - 2, scal_v[b % 2], ssem[b % 2])

            buf = rows_v[b]
            scal = scal_v[b % 2]

            @plsc.parallel_loop(0, C, unroll=8)
            def _edge(e, i=i, buf=buf, scal=scal):
                a = plsc.load_gather(
                    adj_v, [jnp.full((L,), i * C + e, jnp.int32)])
                for k in range(DH // (2 * L)):
                    v = buf[e, pl.ds(k * 2 * L, 2 * L)]
                    lo, hi = plsc.unpack(
                        v, format=plsc.PackFormat.INTERLEAVED,
                        preferred_element_type=jnp.float32)
                    scal[e, pl.ds(k * 2 * L, L)] = lo * a
                    scal[e, pl.ds(k * 2 * L + L, L)] = hi * a

            pltpu.async_copy(scal, acc_sh.at[dst_v.at[i]], ssem[b % 2],
                             add=True)

            if b < NCHUNK - NGRP * NBUF:
                _issue(i + NBUF, rows_v[b], gsem[b])
            else:
                @pl.when(g < NGRP - 1)
                def _(i=i, b=b):
                    _issue(i + NBUF, rows_v[b], gsem[b])
        return carry
    lax.fori_loop(0, NGRP, _group, 0)

    for b in range(NCHUNK - NGRP * NBUF):
        i = NGRP * NBUF + b
        _wait_gather(i, rows_v[b], gsem[b])
        _wait_scatter(i - 2, scal_v[b % 2], ssem[b % 2])
        buf = rows_v[b]
        scal = scal_v[b % 2]

        @plsc.parallel_loop(0, C, unroll=8)
        def _edge(e, i=i, buf=buf, scal=scal):
            a = plsc.load_gather(
                adj_v, [jnp.full((L,), i * C + e, jnp.int32)])
            for k in range(DH // (2 * L)):
                v = buf[e, pl.ds(k * 2 * L, 2 * L)]
                lo, hi = plsc.unpack(
                    v, format=plsc.PackFormat.INTERLEAVED,
                    preferred_element_type=jnp.float32)
                scal[e, pl.ds(k * 2 * L, L)] = lo * a
                scal[e, pl.ds(k * 2 * L + L, L)] = hi * a

        pltpu.async_copy(scal, acc_sh.at[dst_v.at[i]], ssem[b % 2], add=True)

    for i in (NCHUNK - 2, NCHUNK - 1):
        _wait_scatter(i, scal_v[i % 2], ssem[i % 2])

    plsc.subcore_barrier()
    pltpu.sync_copy(acc_sh.at[pl.ds(s * WPT, WPT)],
                    out_hbm.at[pl.ds(s * WPT, WPT), pl.ds(c * DH, DH)])

    @pl.when(s == 0)
    def _():
        pltpu.sync_copy(acc_sh.at[pl.ds(NS * WPT, TAIL)],
                        out_hbm.at[pl.ds(NS * WPT, TAIL), pl.ds(c * DH, DH)])


def kernel(layer_input, edge_index, adj_values, W, b):
    x0, x1 = _tc_linear(layer_input, W[PERM].T, b[PERM].reshape(1, D))
    ei = edge_index.astype(jnp.int32)
    return _sc_aggregate(x0, x1,
                         ei[1].reshape(NS, NCHUNK, C),
                         ei[0].reshape(NS, NCHUNK, C),
                         adj_values.reshape(NS, EPT))

# --- scband reference (transcript-rebuilt; emitter-appended) ---
"""Pipeline reference for scband-gcn-layer-37520834297961 (READ-ONLY COPY).

The authoritative reference and input builder live on the scoring server;
editing this copy changes nothing except your own understanding.
"""

import jax, jax.numpy as jnp
import numpy as np

N_NODES = 10000
N_EDGES = 320000
D_IN = 128
D_OUT = 128


def setup_inputs(seed: int = 0) -> dict:
    key = jax.random.key(seed)
    k1, k2, k3, k4, k5 = jax.random.split(key, 5)
    layer_input = jax.random.normal(k1, (N_NODES, D_IN), dtype=jnp.float32)
    edge_index = jax.random.randint(k2, (2, N_EDGES), 0, N_NODES, dtype=jnp.int64)
    adj_values = jax.random.uniform(k3, (N_EDGES,), dtype=jnp.float32)
    # Linear layer params (torch nn.Linear: y = x @ W.T + b)
    bound = 1.0 / np.sqrt(D_IN)
    W = jax.random.uniform(k4, (D_OUT, D_IN), dtype=jnp.float32, minval=-bound, maxval=bound)
    b = jax.random.uniform(k5, (D_OUT,), dtype=jnp.float32, minval=-bound, maxval=bound)
    return {"layer_input": layer_input, "edge_index": edge_index, "adj_values": adj_values, "W": W, "b": b}


def reference(layer_input, edge_index, adj_values, W, b):
    # x = self.lin(layer_input)
    x = layer_input @ W.T + b
    # x = torch.sparse.mm(adj, x)
    # adj is sparse [N, N] with rows = edge_index[0] (dst), cols = edge_index[1] (src)
    dst = edge_index[0]
    src = edge_index[1]
    gathered = jnp.take(x, src, axis=0) * adj_values[:, None]
    out = jax.ops.segment_sum(gathered, dst, num_segments=N_NODES)
    return out

if __name__ == "__main__":
    import jax
    _d = setup_inputs()
    print(jax.jit(kernel)(*tuple(_d.values())))

</pallas_src>

<mosaic_0001>
#map = affine_map<(d0, d1) -> (0, 0)>
#map1 = affine_map<(d0, d1) -> (0, 0, 0)>
module attributes {stable_mosaic.version = 14 : i64} {
  func.func @_sc_aggregate(%arg0: i32, %arg1: i32, %arg2: memref<10000x64xbf16, #tpu.memory_space<hbm>>, %arg3: memref<10000x64xbf16, #tpu.memory_space<hbm>>, %arg4: memref<16x250x80xi32, #tpu.memory_space<hbm>>, %arg5: memref<16x250x80xi32, #tpu.memory_space<hbm>>, %arg6: memref<16x20000xf32, #tpu.memory_space<hbm>>, %arg7: memref<10000x128xf32, #tpu.memory_space<hbm>>, %arg8: memref<250x80xi32, #tpu.memory_space<vmem>>, %arg9: memref<250x80xi32, #tpu.memory_space<vmem>>, %arg10: memref<20000xf32, #tpu.memory_space<vmem>>, %arg11: memref<80x64xbf16, #tpu.memory_space<vmem>>, %arg12: memref<80x64xbf16, #tpu.memory_space<vmem>>, %arg13: memref<80x64xbf16, #tpu.memory_space<vmem>>, %arg14: memref<80x64xbf16, #tpu.memory_space<vmem>>, %arg15: memref<80x64xf32, #tpu.memory_space<vmem>>, %arg16: memref<80x64xf32, #tpu.memory_space<vmem>>, %arg17: memref<104x64xf32, #tpu.memory_space<vmem>>, %arg18: memref<10000x64xf32, #tpu.memory_space<vmem_shared>>, %arg19: memref<!tpu.dma_semaphore, #tpu.memory_space<semaphore_mem>>, %arg20: memref<!tpu.dma_semaphore, #tpu.memory_space<semaphore_mem>>, %arg21: memref<!tpu.dma_semaphore, #tpu.memory_space<semaphore_mem>>, %arg22: memref<!tpu.dma_semaphore, #tpu.memory_space<semaphore_mem>>, %arg23: memref<!tpu.dma_semaphore, #tpu.memory_space<semaphore_mem>>, %arg24: memref<!tpu.dma_semaphore, #tpu.memory_space<semaphore_mem>>) attributes {dimension_semantics = [#tpu.dimension_semantics<core_parallel>, #tpu.dimension_semantics<subcore_parallel>], iteration_bounds = array<i64: 2, 16>, scalar_prefetch = 0 : i64, scratch_operands = 17 : i64, tpu.core_type = #tpu.core_type<sc_vector_subcore>, window_params = [{transform_indices = #map}, {transform_indices = #map}, {transform_indices = #map1}, {transform_indices = #map1}, {transform_indices = #map}, {transform_indices = #map}]} {
    "tpu.region"() ({
      %run_scoped3A = tpu.sem_alloc : memref<!tpu.dma_semaphore, #tpu.memory_space<semaphore_mem>>
      %dma_start3A_149 = arith.constant 0 : i32
      %dma_start3A_150 = arith.constant 0 : i32
      %dma_start3A_151 = tpu.memref_slice %arg4[%arg1, %dma_start3A_149, %dma_start3A_150] : memref<16x250x80xi32, #tpu.memory_space<hbm>> -> memref<1x250x80xi32, #tpu.memory_space<hbm>>
      %dma_start3A_152 = tpu.memref_squeeze %dma_start3A_151 : memref<1x250x80xi32, #tpu.memory_space<hbm>> -> memref<250x80xi32, #tpu.memory_space<hbm>>
      %dma_start3A_153 = arith.constant 0 : i32
      %dma_start3A_154 = arith.constant 0 : i32
      %dma_start3A_155 = tpu.memref_slice %arg4[%arg1, %dma_start3A_153, %dma_start3A_154] : memref<16x250x80xi32, #tpu.memory_space<hbm>> -> memref<1x250x80xi32, #tpu.memory_space<hbm>>
      %dma_start3A_156 = tpu.memref_squeeze %dma_start3A_155 : memref<1x250x80xi32, #tpu.memory_space<hbm>> -> memref<250x80xi32, #tpu.memory_space<hbm>>
      tpu.enqueue_dma source(%dma_start3A_156 : memref<250x80xi32, #tpu.memory_space<hbm>>) target(%arg8 : memref<250x80xi32, #tpu.memory_space<vmem>>) target_semaphore(%run_scoped3A : memref<!tpu.dma_semaphore, #tpu.memory_space<semaphore_mem>>)
      %dma_wait3A_157 = arith.constant 0 : i32
      %dma_wait3A_158 = arith.constant 0 : i32
      %dma_wait3A_159 = tpu.memref_slice %arg4[%arg1, %dma_wait3A_157, %dma_wait3A_158] : memref<16x250x80xi32, #tpu.memory_space<hbm>> -> memref<1x250x80xi32, #tpu.memory_space<hbm>>
      %dma_wait3A_160 = tpu.memref_squeeze %dma_wait3A_159 : memref<1x250x80xi32, #tpu.memory_space<hbm>> -> memref<250x80xi32, #tpu.memory_space<hbm>>
      %dma_wait3A_161 = arith.constant 0 : i32
      %dma_wait3A_162 = arith.constant 0 : i32
      %dma_wait3A_163 = tpu.memref_slice %arg4[%arg1, %dma_wait3A_161, %dma_wait3A_162] : memref<16x250x80xi32, #tpu.memory_space<hbm>> -> memref<1x250x80xi32, #tpu.memory_space<hbm>>
      %dma_wait3A_164 = tpu.memref_squeeze %dma_wait3A_163 : memref<1x250x80xi32, #tpu.memory_space<hbm>> -> memref<250x80xi32, #tpu.memory_space<hbm>>
      tpu.wait_dma2 semaphore(%run_scoped3A : memref<!tpu.dma_semaphore, #tpu.memory_space<semaphore_mem>>) src(%dma_wait3A_164 : memref<250x80xi32, #tpu.memory_space<hbm>>) dst(%arg8 : memref<250x80xi32, #tpu.memory_space<vmem>>)
      tpu.yield
    }) : () -> ()
    "tpu.region"() ({
      %run_scoped3A = tpu.sem_alloc : memref<!tpu.dma_semaphore, #tpu.memory_space<semaphore_mem>>
      %dma_start3A_149 = arith.constant 0 : i32
      %dma_start3A_150 = arith.constant 0 : i32
      %dma_start3A_151 = tpu.memref_slice %arg5[%arg1, %dma_start3A_149, %dma_start3A_150] : memref<16x250x80xi32, #tpu.memory_space<hbm>> -> memref<1x250x80xi32, #tpu.memory_space<hbm>>
      %dma_start3A_152 = tpu.memref_squeeze %dma_start3A_151 : memref<1x250x80xi32, #tpu.memory_space<hbm>> -> memref<250x80xi32, #tpu.memory_space<hbm>>
      %dma_start3A_153 = arith.constant 0 : i32
      %dma_start3A_154 = arith.constant 0 : i32
      %dma_start3A_155 = tpu.memref_slice %arg5[%arg1, %dma_start3A_153, %dma_start3A_154] : memref<16x250x80xi32, #tpu.memory_space<hbm>> -> memref<1x250x80xi32, #tpu.memory_space<hbm>>
      %dma_start3A_156 = tpu.memref_squeeze %dma_start3A_155 : memref<1x250x80xi32, #tpu.memory_space<hbm>> -> memref<250x80xi32, #tpu.memory_space<hbm>>
      tpu.enqueue_dma source(%dma_start3A_156 : memref<250x80xi32, #tpu.memory_space<hbm>>) target(%arg9 : memref<250x80xi32, #tpu.memory_space<vmem>>) target_semaphore(%run_scoped3A : memref<!tpu.dma_semaphore, #tpu.memory_space<semaphore_mem>>)
      %dma_wait3A_157 = arith.constant 0 : i32
      %dma_wait3A_158 = arith.constant 0 : i32
      %dma_wait3A_159 = tpu.memref_slice %arg5[%arg1, %dma_wait3A_157, %dma_wait3A_158] : memref<16x250x80xi32, #tpu.memory_space<hbm>> -> memref<1x250x80xi32, #tpu.memory_space<hbm>>
      %dma_wait3A_160 = tpu.memref_squeeze %dma_wait3A_159 : memref<1x250x80xi32, #tpu.memory_space<hbm>> -> memref<250x80xi32, #tpu.memory_space<hbm>>
      %dma_wait3A_161 = arith.constant 0 : i32
      %dma_wait3A_162 = arith.constant 0 : i32
      %dma_wait3A_163 = tpu.memref_slice %arg5[%arg1, %dma_wait3A_161, %dma_wait3A_162] : memref<16x250x80xi32, #tpu.memory_space<hbm>> -> memref<1x250x80xi32, #tpu.memory_space<hbm>>
      %dma_wait3A_164 = tpu.memref_squeeze %dma_wait3A_163 : memref<1x250x80xi32, #tpu.memory_space<hbm>> -> memref<250x80xi32, #tpu.memory_space<hbm>>
      tpu.wait_dma2 semaphore(%run_scoped3A : memref<!tpu.dma_semaphore, #tpu.memory_space<semaphore_mem>>) src(%dma_wait3A_164 : memref<250x80xi32, #tpu.memory_space<hbm>>) dst(%arg9 : memref<250x80xi32, #tpu.memory_space<vmem>>)
      tpu.yield
    }) : () -> ()
    "tpu.region"() ({
      %run_scoped3A = tpu.sem_alloc : memref<!tpu.dma_semaphore, #tpu.memory_space<semaphore_mem>>
      %dma_start3A_149 = arith.constant 0 : i32
      %dma_start3A_150 = tpu.memref_slice %arg6[%arg1, %dma_start3A_149] : memref<16x20000xf32, #tpu.memory_space<hbm>> -> memref<1x20000xf32, #tpu.memory_space<hbm>>
      %dma_start3A_151 = tpu.memref_squeeze %dma_start3A_150 : memref<1x20000xf32, #tpu.memory_space<hbm>> -> memref<20000xf32, #tpu.memory_space<hbm>>
      %dma_start3A_152 = arith.constant 0 : i32
      %dma_start3A_153 = tpu.memref_slice %arg6[%arg1, %dma_start3A_152] : memref<16x20000xf32, #tpu.memory_space<hbm>> -> memref<1x20000xf32, #tpu.memory_space<hbm>>
      %dma_start3A_154 = tpu.memref_squeeze %dma_start3A_153 : memref<1x20000xf32, #tpu.memory_space<hbm>> -> memref<20000xf32, #tpu.memory_space<hbm>>
      tpu.enqueue_dma source(%dma_start3A_154 : memref<20000xf32, #tpu.memory_space<hbm>>) target(%arg10 : memref<20000xf32, #tpu.memory_space<vmem>>) target_semaphore(%run_scoped3A : memref<!tpu.dma_semaphore, #tpu.memory_space<semaphore_mem>>)
      %dma_wait3A_155 = arith.constant 0 : i32
      %dma_wait3A_156 = tpu.memref_slice %arg6[%arg1, %dma_wait3A_155] : memref<16x20000xf32, #tpu.memory_space<hbm>> -> memref<1x20000xf32, #tpu.memory_space<hbm>>
      %dma_wait3A_157 = tpu.memref_squeeze %dma_wait3A_156 : memref<1x20000xf32, #tpu.memory_space<hbm>> -> memref<20000xf32, #tpu.memory_space<hbm>>
      %dma_wait3A_158 = arith.constant 0 : i32
      %dma_wait3A_159 = tpu.memref_slice %arg6[%arg1, %dma_wait3A_158] : memref<16x20000xf32, #tpu.memory_space<hbm>> -> memref<1x20000xf32, #tpu.memory_space<hbm>>
      %dma_wait3A_160 = tpu.memref_squeeze %dma_wait3A_159 : memref<1x20000xf32, #tpu.memory_space<hbm>> -> memref<20000xf32, #tpu.memory_space<hbm>>
      tpu.wait_dma2 semaphore(%run_scoped3A : memref<!tpu.dma_semaphore, #tpu.memory_space<semaphore_mem>>) src(%dma_wait3A_160 : memref<20000xf32, #tpu.memory_space<hbm>>) dst(%arg10 : memref<20000xf32, #tpu.memory_space<vmem>>)
      tpu.yield
    }) : () -> ()
    %parallel_loop3A = arith.constant 0 : i32
    %parallel_loop3A_0 = arith.constant 104 : i32
    %parallel_loop3A_1 = arith.constant 1 : i32
    scf.for %parallel_loop3A_149 = %parallel_loop3A to %parallel_loop3A_0 step %parallel_loop3A_1  : i32 {
      %parallel_loop3A_150 = arith.constant 0.000000e+00 : f32
      %parallel_loop3A_151 = vector.broadcast %parallel_loop3A_150 : f32 to vector<16xf32>
      %parallel_loop3A_152 = arith.index_cast %parallel_loop3A_149 : i32 to index
      %parallel_loop3A_153 = arith.constant 0 : index
      %parallel_loop3A_154 = tpu.vector_load %arg17[%parallel_loop3A_152, %parallel_loop3A_153] {strides = array<i32>} : memref<104x64xf32, #tpu.memory_space<vmem>>, vector<16xf32>,
      tpu.vector_store %arg17[%parallel_loop3A_152, %parallel_loop3A_153], %parallel_loop3A_151 {strides = array<i32>} : memref<104x64xf32, #tpu.memory_space<vmem>>, vector<16xf32>,
      %parallel_loop3A_155 = arith.constant 0.000000e+00 : f32
      %parallel_loop3A_156 = vector.broadcast %parallel_loop3A_155 : f32 to vector<16xf32>
      %parallel_loop3A_157 = arith.index_cast %parallel_loop3A_149 : i32 to index
      %parallel_loop3A_158 = arith.constant 16 : index
      %parallel_loop3A_159 = tpu.vector_load %arg17[%parallel_loop3A_157, %parallel_loop3A_158] {strides = array<i32>} : memref<104x64xf32, #tpu.memory_space<vmem>>, vector<16xf32>,
      tpu.vector_store %arg17[%parallel_loop3A_157, %parallel_loop3A_158], %parallel_loop3A_156 {strides = array<i32>} : memref<104x64xf32, #tpu.memory_space<vmem>>, vector<16xf32>,
      %parallel_loop3A_160 = arith.constant 0.000000e+00 : f32
      %parallel_loop3A_161 = vector.broadcast %parallel_loop3A_160 : f32 to vector<16xf32>
      %parallel_loop3A_162 = arith.index_cast %parallel_loop3A_149 : i32 to index
      %parallel_loop3A_163 = arith.constant 32 : index
      %parallel_loop3A_164 = tpu.vector_load %arg17[%parallel_loop3A_162, %parallel_loop3A_163] {strides = array<i32>} : memref<104x64xf32, #tpu.memory_space<vmem>>, vector<16xf32>,
      tpu.vector_store %arg17[%parallel_loop3A_162, %parallel_loop3A_163], %parallel_loop3A_161 {strides = array<i32>} : memref<104x64xf32, #tpu.memory_space<vmem>>, vector<16xf32>,
      %parallel_loop3A_165 = arith.constant 0.000000e+00 : f32
      %parallel_loop3A_166 = vector.broadcast %parallel_loop3A_165 : f32 to vector<16xf32>
      %parallel_loop3A_167 = arith.index_cast %parallel_loop3A_149 : i32 to index
      %parallel_loop3A_168 = arith.constant 48 : index
      %parallel_loop3A_169 = tpu.vector_load %arg17[%parallel_loop3A_167, %parallel_loop3A_168] {strides = array<i32>} : memref<104x64xf32, #tpu.memory_space<vmem>>, vector<16xf32>,
      tpu.vector_store %arg17[%parallel_loop3A_167, %parallel_loop3A_168], %parallel_loop3A_166 {strides = array<i32>} : memref<104x64xf32, #tpu.memory_space<vmem>>, vector<16xf32>,
    } {sc.loop_unroll_factor = 8 : i64, sc.parallel_access}
    %mul3A = arith.constant 624 : i32
    %mul3A_2 = arith.muli %arg1, %mul3A : i32
    %add3A = arith.constant 0 : i32
    %add3A_3 = arith.addi %mul3A_2, %add3A : i32
    "tpu.region"() ({
      %run_scoped3A = tpu.sem_alloc : memref<!tpu.dma_semaphore, #tpu.memory_space<semaphore_mem>>
      %dma_start3A_149 = arith.constant 0 : i32
      %dma_start3A_150 = tpu.memref_slice %arg18[%add3A_3, %dma_start3A_149] : memref<10000x64xf32, #tpu.memory_space<vmem_shared>> -> memref<104x64xf32, #tpu.memory_space<vmem_shared>>
      %dma_start3A_151 = arith.constant 0 : i32
      %dma_start3A_152 = tpu.memref_slice %arg18[%add3A_3, %dma_start3A_151] : memref<10000x64xf32, #tpu.memory_space<vmem_shared>> -> memref<104x64xf32, #tpu.memory_space<vmem_shared>>
      tpu.enqueue_dma source(%arg17 : memref<104x64xf32, #tpu.memory_space<vmem>>) target(%dma_start3A_152 : memref<104x64xf32, #tpu.memory_space<vmem_shared>>) target_semaphore(%run_scoped3A : memref<!tpu.dma_semaphore, #tpu.memory_space<semaphore_mem>>)
      %dma_wait3A_153 = arith.constant 0 : i32
      %dma_wait3A_154 = tpu.memref_slice %arg18[%add3A_3, %dma_wait3A_153] : memref<10000x64xf32, #tpu.memory_space<vmem_shared>> -> memref<104x64xf32, #tpu.memory_space<vmem_shared>>
      %dma_wait3A_155 = arith.constant 0 : i32
      %dma_wait3A_156 = tpu.memref_slice %arg18[%add3A_3, %dma_wait3A_155] : memref<10000x64xf32, #tpu.memory_space<vmem_shared>> -> memref<104x64xf32, #tpu.memory_space<vmem_shared>>
      tpu.wait_dma2 semaphore(%run_scoped3A : memref<!tpu.dma_semaphore, #tpu.memory_space<semaphore_mem>>) src(%arg17 : memref<104x64xf32, #tpu.memory_space<vmem>>) dst(%dma_wait3A_156 : memref<104x64xf32, #tpu.memory_space<vmem_shared>>)
      tpu.yield
    }) : () -> ()
    %mul3A_4 = arith.constant 624 : i32
    %mul3A_5 = arith.muli %arg1, %mul3A_4 : i32
    %add3A_6 = arith.constant 104 : i32
    %add3A_7 = arith.addi %mul3A_5, %add3A_6 : i32
    "tpu.region"() ({
      %run_scoped3A = tpu.sem_alloc : memref<!tpu.dma_semaphore, #tpu.memory_space<semaphore_mem>>
      %dma_start3A_149 = arith.constant 0 : i32
      %dma_start3A_150 = tpu.memref_slice %arg18[%add3A_7, %dma_start3A_149] : memref<10000x64xf32, #tpu.memory_space<vmem_shared>> -> memref<104x64xf32, #tpu.memory_space<vmem_shared>>
      %dma_start3A_151 = arith.constant 0 : i32
      %dma_start3A_152 = tpu.memref_slice %arg18[%add3A_7, %dma_start3A_151] : memref<10000x64xf32, #tpu.memory_space<vmem_shared>> -> memref<104x64xf32, #tpu.memory_space<vmem_shared>>
      tpu.enqueue_dma source(%arg17 : memref<104x64xf32, #tpu.memory_space<vmem>>) target(%dma_start3A_152 : memref<104x64xf32, #tpu.memory_space<vmem_shared>>) target_semaphore(%run_scoped3A : memref<!tpu.dma_semaphore, #tpu.memory_space<semaphore_mem>>)
      %dma_wait3A_153 = arith.constant 0 : i32
      %dma_wait3A_154 = tpu.memref_slice %arg18[%add3A_7, %dma_wait3A_153] : memref<10000x64xf32, #tpu.memory_space<vmem_shared>> -> memref<104x64xf32, #tpu.memory_space<vmem_shared>>
      %dma_wait3A_155 = arith.constant 0 : i32
      %dma_wait3A_156 = tpu.memref_slice %arg18[%add3A_7, %dma_wait3A_155] : memref<10000x64xf32, #tpu.memory_space<vmem_shared>> -> memref<104x64xf32, #tpu.memory_space<vmem_shared>>
      tpu.wait_dma2 semaphore(%run_scoped3A : memref<!tpu.dma_semaphore, #tpu.memory_space<semaphore_mem>>) src(%arg17 : memref<104x64xf32, #tpu.memory_space<vmem>>) dst(%dma_wait3A_156 : memref<104x64xf32, #tpu.memory_space<vmem_shared>>)
      tpu.yield
    }) : () -> ()
    %mul3A_8 = arith.constant 624 : i32
    %mul3A_9 = arith.muli %arg1, %mul3A_8 : i32
    %add3A_10 = arith.constant 208 : i32
    %add3A_11 = arith.addi %mul3A_9, %add3A_10 : i32
    "tpu.region"() ({
      %run_scoped3A = tpu.sem_alloc : memref<!tpu.dma_semaphore, #tpu.memory_space<semaphore_mem>>
      %dma_start3A_149 = arith.constant 0 : i32
      %dma_start3A_150 = tpu.memref_slice %arg18[%add3A_11, %dma_start3A_149] : memref<10000x64xf32, #tpu.memory_space<vmem_shared>> -> memref<104x64xf32, #tpu.memory_space<vmem_shared>>
      %dma_start3A_151 = arith.constant 0 : i32
      %dma_start3A_152 = tpu.memref_slice %arg18[%add3A_11, %dma_start3A_151] : memref<10000x64xf32, #tpu.memory_space<vmem_shared>> -> memref<104x64xf32, #tpu.memory_space<vmem_shared>>
      tpu.enqueue_dma source(%arg17 : memref<104x64xf32, #tpu.memory_space<vmem>>) target(%dma_start3A_152 : memref<104x64xf32, #tpu.memory_space<vmem_shared>>) target_semaphore(%run_scoped3A : memref<!tpu.dma_semaphore, #tpu.memory_space<semaphore_mem>>)
      %dma_wait3A_153 = arith.constant 0 : i32
      %dma_wait3A_154 = tpu.memref_slice %arg18[%add3A_11, %dma_wait3A_153] : memref<10000x64xf32, #tpu.memory_space<vmem_shared>> -> memref<104x64xf32, #tpu.memory_space<vmem_shared>>
      %dma_wait3A_155 = arith.constant 0 : i32
      %dma_wait3A_156 = tpu.memref_slice %arg18[%add3A_11, %dma_wait3A_155] : memref<10000x64xf32, #tpu.memory_space<vmem_shared>> -> memref<104x64xf32, #tpu.memory_space<vmem_shared>>
      tpu.wait_dma2 semaphore(%run_scoped3A : memref<!tpu.dma_semaphore, #tpu.memory_space<semaphore_mem>>) src(%arg17 : memref<104x64xf32, #tpu.memory_space<vmem>>) dst(%dma_wait3A_156 : memref<104x64xf32, #tpu.memory_space<vmem_shared>>)
      tpu.yield
    }) : () -> ()
    %mul3A_12 = arith.constant 624 : i32
    %mul3A_13 = arith.muli %arg1, %mul3A_12 : i32
    %add3A_14 = arith.constant 312 : i32
    %add3A_15 = arith.addi %mul3A_13, %add3A_14 : i32
    "tpu.region"() ({
      %run_scoped3A = tpu.sem_alloc : memref<!tpu.dma_semaphore, #tpu.memory_space<semaphore_mem>>
      %dma_start3A_149 = arith.constant 0 : i32
      %dma_start3A_150 = tpu.memref_slice %arg18[%add3A_15, %dma_start3A_149] : memref<10000x64xf32, #tpu.memory_space<vmem_shared>> -> memref<104x64xf32, #tpu.memory_space<vmem_shared>>
      %dma_start3A_151 = arith.constant 0 : i32
      %dma_start3A_152 = tpu.memref_slice %arg18[%add3A_15, %dma_start3A_151] : memref<10000x64xf32, #tpu.memory_space<vmem_shared>> -> memref<104x64xf32, #tpu.memory_space<vmem_shared>>
      tpu.enqueue_dma source(%arg17 : memref<104x64xf32, #tpu.memory_space<vmem>>) target(%dma_start3A_152 : memref<104x64xf32, #tpu.memory_space<vmem_shared>>) target_semaphore(%run_scoped3A : memref<!tpu.dma_semaphore, #tpu.memory_space<semaphore_mem>>)
      %dma_wait3A_153 = arith.constant 0 : i32
      %dma_wait3A_154 = tpu.memref_slice %arg18[%add3A_15, %dma_wait3A_153] : memref<10000x64xf32, #tpu.memory_space<vmem_shared>> -> memref<104x64xf32, #tpu.memory_space<vmem_shared>>
      %dma_wait3A_155 = arith.constant 0 : i32
      %dma_wait3A_156 = tpu.memref_slice %arg18[%add3A_15, %dma_wait3A_155] : memref<10000x64xf32, #tpu.memory_space<vmem_shared>> -> memref<104x64xf32, #tpu.memory_space<vmem_shared>>
      tpu.wait_dma2 semaphore(%run_scoped3A : memref<!tpu.dma_semaphore, #tpu.memory_space<semaphore_mem>>) src(%arg17 : memref<104x64xf32, #tpu.memory_space<vmem>>) dst(%dma_wait3A_156 : memref<104x64xf32, #tpu.memory_space<vmem_shared>>)
      tpu.yield
    }) : () -> ()
    %mul3A_16 = arith.constant 624 : i32
    %mul3A_17 = arith.muli %arg1, %mul3A_16 : i32
    %add3A_18 = arith.constant 416 : i32
    %add3A_19 = arith.addi %mul3A_17, %add3A_18 : i32
    "tpu.region"() ({
      %run_scoped3A = tpu.sem_alloc : memref<!tpu.dma_semaphore, #tpu.memory_space<semaphore_mem>>
      %dma_start3A_149 = arith.constant 0 : i32
      %dma_start3A_150 = tpu.memref_slice %arg18[%add3A_19, %dma_start3A_149] : memref<10000x64xf32, #tpu.memory_space<vmem_shared>> -> memref<104x64xf32, #tpu.memory_space<vmem_shared>>
      %dma_start3A_151 = arith.constant 0 : i32
      %dma_start3A_152 = tpu.memref_slice %arg18[%add3A_19, %dma_start3A_151] : memref<10000x64xf32, #tpu.memory_space<vmem_shared>> -> memref<104x64xf32, #tpu.memory_space<vmem_shared>>
      tpu.enqueue_dma source(%arg17 : memref<104x64xf32, #tpu.memory_space<vmem>>) target(%dma_start3A_152 : memref<104x64xf32, #tpu.memory_space<vmem_shared>>) target_semaphore(%run_scoped3A : memref<!tpu.dma_semaphore, #tpu.memory_space<semaphore_mem>>)
      %dma_wait3A_153 = arith.constant 0 : i32
      %dma_wait3A_154 = tpu.memref_slice %arg18[%add3A_19, %dma_wait3A_153] : memref<10000x64xf32, #tpu.memory_space<vmem_shared>> -> memref<104x64xf32, #tpu.memory_space<vmem_shared>>
      %dma_wait3A_155 = arith.constant 0 : i32
      %dma_wait3A_156 = tpu.memref_slice %arg18[%add3A_19, %dma_wait3A_155] : memref<10000x64xf32, #tpu.memory_space<vmem_shared>> -> memref<104x64xf32, #tpu.memory_space<vmem_shared>>
      tpu.wait_dma2 semaphore(%run_scoped3A : memref<!tpu.dma_semaphore, #tpu.memory_space<semaphore_mem>>) src(%arg17 : memref<104x64xf32, #tpu.memory_space<vmem>>) dst(%dma_wait3A_156 : memref<104x64xf32, #tpu.memory_space<vmem_shared>>)
      tpu.yield
    }) : () -> ()
    %mul3A_20 = arith.constant 624 : i32
    %mul3A_21 = arith.muli %arg1, %mul3A_20 : i32
    %add3A_22 = arith.constant 520 : i32
    %add3A_23 = arith.addi %mul3A_21, %add3A_22 : i32
    "tpu.region"() ({
      %run_scoped3A = tpu.sem_alloc : memref<!tpu.dma_semaphore, #tpu.memory_space<semaphore_mem>>
      %dma_start3A_149 = arith.constant 0 : i32
      %dma_start3A_150 = tpu.memref_slice %arg18[%add3A_23, %dma_start3A_149] : memref<10000x64xf32, #tpu.memory_space<vmem_shared>> -> memref<104x64xf32, #tpu.memory_space<vmem_shared>>
      %dma_start3A_151 = arith.constant 0 : i32
      %dma_start3A_152 = tpu.memref_slice %arg18[%add3A_23, %dma_start3A_151] : memref<10000x64xf32, #tpu.memory_space<vmem_shared>> -> memref<104x64xf32, #tpu.memory_space<vmem_shared>>
      tpu.enqueue_dma source(%arg17 : memref<104x64xf32, #tpu.memory_space<vmem>>) target(%dma_start3A_152 : memref<104x64xf32, #tpu.memory_space<vmem_shared>>) target_semaphore(%run_scoped3A : memref<!tpu.dma_semaphore, #tpu.memory_space<semaphore_mem>>)
      %dma_wait3A_153 = arith.constant 0 : i32
      %dma_wait3A_154 = tpu.memref_slice %arg18[%add3A_23, %dma_wait3A_153] : memref<10000x64xf32, #tpu.memory_space<vmem_shared>> -> memref<104x64xf32, #tpu.memory_space<vmem_shared>>
      %dma_wait3A_155 = arith.constant 0 : i32
      %dma_wait3A_156 = tpu.memref_slice %arg18[%add3A_23, %dma_wait3A_155] : memref<10000x64xf32, #tpu.memory_space<vmem_shared>> -> memref<104x64xf32, #tpu.memory_space<vmem_shared>>
      tpu.wait_dma2 semaphore(%run_scoped3A : memref<!tpu.dma_semaphore, #tpu.memory_space<semaphore_mem>>) src(%arg17 : memref<104x64xf32, #tpu.memory_space<vmem>>) dst(%dma_wait3A_156 : memref<104x64xf32, #tpu.memory_space<vmem_shared>>)
      tpu.yield
    }) : () -> ()
    %eq3A = arith.constant 0 : i32
    %eq3A_24 = arith.cmpi eq, %arg1, %eq3A : i32
    %convert_element_type3A = arith.extui %eq3A_24 : i1 to i32
    %cond3A = arith.constant 0 : i32
    %cond3A_25 = arith.cmpi ne, %convert_element_type3A, %cond3A : i32
    scf.if %cond3A_25 {
      "tpu.region"() ({
        %run_scoped3A = tpu.sem_alloc : memref<!tpu.dma_semaphore, #tpu.memory_space<semaphore_mem>>
        %dma_start3A_149 = arith.constant 0 : i32
        %dma_start3A_150 = arith.constant 0 : i32
        %dma_start3A_151 = tpu.memref_slice %arg17[%dma_start3A_149, %dma_start3A_150] : memref<104x64xf32, #tpu.memory_space<vmem>> -> memref<16x64xf32, #tpu.memory_space<vmem>>
        %dma_start3A_152 = arith.constant 9984 : i32
        %dma_start3A_153 = arith.constant 0 : i32
        %dma_start3A_154 = tpu.memref_slice %arg18[%dma_start3A_152, %dma_start3A_153] : memref<10000x64xf32, #tpu.memory_space<vmem_shared>> -> memref<16x64xf32, #tpu.memory_space<vmem_shared>>
        %dma_start3A_155 = arith.constant 9984 : i32
        %dma_start3A_156 = arith.constant 0 : i32
        %dma_start3A_157 = tpu.memref_slice %arg18[%dma_start3A_155, %dma_start3A_156] : memref<10000x64xf32, #tpu.memory_space<vmem_shared>> -> memref<16x64xf32, #tpu.memory_space<vmem_shared>>
        %dma_start3A_158 = arith.constant 0 : i32
        %dma_start3A_159 = arith.constant 0 : i32
        %dma_start3A_160 = tpu.memref_slice %arg17[%dma_start3A_158, %dma_start3A_159] : memref<104x64xf32, #tpu.memory_space<vmem>> -> memref<16x64xf32, #tpu.memory_space<vmem>>
        tpu.enqueue_dma source(%dma_start3A_160 : memref<16x64xf32, #tpu.memory_space<vmem>>) target(%dma_start3A_157 : memref<16x64xf32, #tpu.memory_space<vmem_shared>>) target_semaphore(%run_scoped3A : memref<!tpu.dma_semaphore, #tpu.memory_space<semaphore_mem>>)
        %dma_wait3A_161 = arith.constant 0 : i32
        %dma_wait3A_162 = arith.constant 0 : i32
        %dma_wait3A_163 = tpu.memref_slice %arg17[%dma_wait3A_161, %dma_wait3A_162] : memref<104x64xf32, #tpu.memory_space<vmem>> -> memref<16x64xf32, #tpu.memory_space<vmem>>
        %dma_wait3A_164 = arith.constant 9984 : i32
        %dma_wait3A_165 = arith.constant 0 : i32
        %dma_wait3A_166 = tpu.memref_slice %arg18[%dma_wait3A_164, %dma_wait3A_165] : memref<10000x64xf32, #tpu.memory_space<vmem_shared>> -> memref<16x64xf32, #tpu.memory_space<vmem_shared>>
        %dma_wait3A_167 = arith.constant 9984 : i32
        %dma_wait3A_168 = arith.constant 0 : i32
        %dma_wait3A_169 = tpu.memref_slice %arg18[%dma_wait3A_167, %dma_wait3A_168] : memref<10000x64xf32, #tpu.memory_space<vmem_shared>> -> memref<16x64xf32, #tpu.memory_space<vmem_shared>>
        %dma_wait3A_170 = arith.constant 0 : i32
        %dma_wait3A_171 = arith.constant 0 : i32
        %dma_wait3A_172 = tpu.memref_slice %arg17[%dma_wait3A_170, %dma_wait3A_171] : memref<104x64xf32, #tpu.memory_space<vmem>> -> memref<16x64xf32, #tpu.memory_space<vmem>>
        tpu.wait_dma2 semaphore(%run_scoped3A : memref<!tpu.dma_semaphore, #tpu.memory_space<semaphore_mem>>) src(%dma_wait3A_172 : memref<16x64xf32, #tpu.memory_space<vmem>>) dst(%dma_wait3A_169 : memref<16x64xf32, #tpu.memory_space<vmem_shared>>)
        tpu.yield
      }) : () -> ()
    } else {
    }
    %barrier3A = arith.constant 0 : index
    tpu.barrier barrier_id(%barrier3A)
    %eq3A_26 = arith.constant 0 : i32
    %eq3A_27 = arith.cmpi eq, %arg0, %eq3A_26 : i32
    %convert_element_type3A_28 = arith.extui %eq3A_27 : i1 to i32
    %cond3A_29 = arith.constant 0 : i32
    %cond3A_30 = arith.cmpi ne, %convert_element_type3A_28, %cond3A_29 : i32
    scf.if %cond3A_30 {
      %dma_start3A_149 = arith.constant 0 : i32
      %dma_start3A_150 = arith.constant 0 : i32
      %dma_start3A_151 = tpu.memref_slice %arg8[%dma_start3A_149, %dma_start3A_150] : memref<250x80xi32, #tpu.memory_space<vmem>> -> memref<1x80xi32, #tpu.memory_space<vmem>>
      %dma_start3A_152 = tpu.memref_squeeze %dma_start3A_151 : memref<1x80xi32, #tpu.memory_space<vmem>> -> memref<80xi32, #tpu.memory_space<vmem>>
      %dma_start3A_153 = arith.constant 0 : i32
      %dma_start3A_154 = arith.constant 0 : i32
      %dma_start3A_155 = tpu.memref_slice %arg2[%dma_start3A_153, %dma_start3A_154] : memref<10000x64xbf16, #tpu.memory_space<hbm>> -> memref<10000x64xbf16, #tpu.memory_space<hbm>>
      tpu.enqueue_indirect_dma source(%dma_start3A_155 : memref<10000x64xbf16, #tpu.memory_space<hbm>>) target(%arg11 : memref<80x64xbf16, #tpu.memory_space<vmem>>) offsets(%dma_start3A_152 : memref<80xi32, #tpu.memory_space<vmem>>) semaphore(%arg19 : memref<!tpu.dma_semaphore, #tpu.memory_space<semaphore_mem>>)
    } else {
    }
    %eq3A_31 = arith.constant 1 : i32
    %eq3A_32 = arith.cmpi eq, %arg0, %eq3A_31 : i32
    %convert_element_type3A_33 = arith.extui %eq3A_32 : i1 to i32
    %cond3A_34 = arith.constant 0 : i32
    %cond3A_35 = arith.cmpi ne, %convert_element_type3A_33, %cond3A_34 : i32
    scf.if %cond3A_35 {
      %dma_start3A_149 = arith.constant 0 : i32
      %dma_start3A_150 = arith.constant 0 : i32
      %dma_start3A_151 = tpu.memref_slice %arg8[%dma_start3A_149, %dma_start3A_150] : memref<250x80xi32, #tpu.memory_space<vmem>> -> memref<1x80xi32, #tpu.memory_space<vmem>>
      %dma_start3A_152 = tpu.memref_squeeze %dma_start3A_151 : memref<1x80xi32, #tpu.memory_space<vmem>> -> memref<80xi32, #tpu.memory_space<vmem>>
      %dma_start3A_153 = arith.constant 0 : i32
      %dma_start3A_154 = arith.constant 0 : i32
      %dma_start3A_155 = tpu.memref_slice %arg3[%dma_start3A_153, %dma_start3A_154] : memref<10000x64xbf16, #tpu.memory_space<hbm>> -> memref<10000x64xbf16, #tpu.memory_space<hbm>>
      tpu.enqueue_indirect_dma source(%dma_start3A_155 : memref<10000x64xbf16, #tpu.memory_space<hbm>>) target(%arg11 : memref<80x64xbf16, #tpu.memory_space<vmem>>) offsets(%dma_start3A_152 : memref<80xi32, #tpu.memory_space<vmem>>) semaphore(%arg19 : memref<!tpu.dma_semaphore, #tpu.memory_space<semaphore_mem>>)
    } else {
    }
    %eq3A_36 = arith.constant 0 : i32
    %eq3A_37 = arith.cmpi eq, %arg0, %eq3A_36 : i32
    %convert_element_type3A_38 = arith.extui %eq3A_37 : i1 to i32
    %cond3A_39 = arith.constant 0 : i32
    %cond3A_40 = arith.cmpi ne, %convert_element_type3A_38, %cond3A_39 : i32
    scf.if %cond3A_40 {
      %dma_start3A_149 = arith.constant 1 : i32
      %dma_start3A_150 = arith.constant 0 : i32
      %dma_start3A_151 = tpu.memref_slice %arg8[%dma_start3A_149, %dma_start3A_150] : memref<250x80xi32, #tpu.memory_space<vmem>> -> memref<1x80xi32, #tpu.memory_space<vmem>>
      %dma_start3A_152 = tpu.memref_squeeze %dma_start3A_151 : memref<1x80xi32, #tpu.memory_space<vmem>> -> memref<80xi32, #tpu.memory_space<vmem>>
      %dma_start3A_153 = arith.constant 0 : i32
      %dma_start3A_154 = arith.constant 0 : i32
      %dma_start3A_155 = tpu.memref_slice %arg2[%dma_start3A_153, %dma_start3A_154] : memref<10000x64xbf16, #tpu.memory_space<hbm>> -> memref<10000x64xbf16, #tpu.memory_space<hbm>>
      tpu.enqueue_indirect_dma source(%dma_start3A_155 : memref<10000x64xbf16, #tpu.memory_space<hbm>>) target(%arg12 : memref<80x64xbf16, #tpu.memory_space<vmem>>) offsets(%dma_start3A_152 : memref<80xi32, #tpu.memory_space<vmem>>) semaphore(%arg20 : memref<!tpu.dma_semaphore, #tpu.memory_space<semaphore_mem>>)
    } else {
    }
    %eq3A_41 = arith.constant 1 : i32
    %eq3A_42 = arith.cmpi eq, %arg0, %eq3A_41 : i32
    %convert_element_type3A_43 = arith.extui %eq3A_42 : i1 to i32
    %cond3A_44 = arith.constant 0 : i32
    %cond3A_45 = arith.cmpi ne, %convert_element_type3A_43, %cond3A_44 : i32
    scf.if %cond3A_45 {
      %dma_start3A_149 = arith.constant 1 : i32
      %dma_start3A_150 = arith.constant 0 : i32
      %dma_start3A_151 = tpu.memref_slice %arg8[%dma_start3A_149, %dma_start3A_150] : memref<250x80xi32, #tpu.memory_space<vmem>> -> memref<1x80xi32, #tpu.memory_space<vmem>>
      %dma_start3A_152 = tpu.memref_squeeze %dma_start3A_151 : memref<1x80xi32, #tpu.memory_space<vmem>> -> memref<80xi32, #tpu.memory_space<vmem>>
      %dma_start3A_153 = arith.constant 0 : i32
      %dma_start3A_154 = arith.constant 0 : i32
      %dma_start3A_155 = tpu.memref_slice %arg3[%dma_start3A_153, %dma_start3A_154] : memref<10000x64xbf16, #tpu.memory_space<hbm>> -> memref<10000x64xbf16, #tpu.memory_space<hbm>>
      tpu.enqueue_indirect_dma source(%dma_start3A_155 : memref<10000x64xbf16, #tpu.memory_space<hbm>>) target(%arg12 : memref<80x64xbf16, #tpu.memory_space<vmem>>) offsets(%dma_start3A_152 : memref<80xi32, #tpu.memory_space<vmem>>) semaphore(%arg20 : memref<!tpu.dma_semaphore, #tpu.memory_space<semaphore_mem>>)
    } else {
    }
    %eq3A_46 = arith.constant 0 : i32
    %eq3A_47 = arith.cmpi eq, %arg0, %eq3A_46 : i32
    %convert_element_type3A_48 = arith.extui %eq3A_47 : i1 to i32
    %cond3A_49 = arith.constant 0 : i32
    %cond3A_50 = arith.cmpi ne, %convert_element_type3A_48, %cond3A_49 : i32
    scf.if %cond3A_50 {
      %dma_start3A_149 = arith.constant 2 : i32
      %dma_start3A_150 = arith.constant 0 : i32
      %dma_start3A_151 = tpu.memref_slice %arg8[%dma_start3A_149, %dma_start3A_150] : memref<250x80xi32, #tpu.memory_space<vmem>> -> memref<1x80xi32, #tpu.memory_space<vmem>>
      %dma_start3A_152 = tpu.memref_squeeze %dma_start3A_151 : memref<1x80xi32, #tpu.memory_space<vmem>> -> memref<80xi32, #tpu.memory_space<vmem>>
      %dma_start3A_153 = arith.constant 0 : i32
      %dma_start3A_154 = arith.constant 0 : i32
      %dma_start3A_155 = tpu.memref_slice %arg2[%dma_start3A_153, %dma_start3A_154] : memref<10000x64xbf16, #tpu.memory_space<hbm>> -> memref<10000x64xbf16, #tpu.memory_space<hbm>>
      tpu.enqueue_indirect_dma source(%dma_start3A_155 : memref<10000x64xbf16, #tpu.memory_space<hbm>>) target(%arg13 : memref<80x64xbf16, #tpu.memory_space<vmem>>) offsets(%dma_start3A_152 : memref<80xi32, #tpu.memory_space<vmem>>) semaphore(%arg21 : memref<!tpu.dma_semaphore, #tpu.memory_space<semaphore_mem>>)
    } else {
    }
    %eq3A_51 = arith.constant 1 : i32
    %eq3A_52 = arith.cmpi eq, %arg0, %eq3A_51 : i32
    %convert_element_type3A_53 = arith.extui %eq3A_52 : i1 to i32
    %cond3A_54 = arith.constant 0 : i32
    %cond3A_55 = arith.cmpi ne, %convert_element_type3A_53, %cond3A_54 : i32
    scf.if %cond3A_55 {
      %dma_start3A_149 = arith.constant 2 : i32
      %dma_start3A_150 = arith.constant 0 : i32
      %dma_start3A_151 = tpu.memref_slice %arg8[%dma_start3A_149, %dma_start3A_150] : memref<250x80xi32, #tpu.memory_space<vmem>> -> memref<1x80xi32, #tpu.memory_space<vmem>>
      %dma_start3A_152 = tpu.memref_squeeze %dma_start3A_151 : memref<1x80xi32, #tpu.memory_space<vmem>> -> memref<80xi32, #tpu.memory_space<vmem>>
      %dma_start3A_153 = arith.constant 0 : i32
      %dma_start3A_154 = arith.constant 0 : i32
      %dma_start3A_155 = tpu.memref_slice %arg3[%dma_start3A_153, %dma_start3A_154] : memref<10000x64xbf16, #tpu.memory_space<hbm>> -> memref<10000x64xbf16, #tpu.memory_space<hbm>>
      tpu.enqueue_indirect_dma source(%dma_start3A_155 : memref<10000x64xbf16, #tpu.memory_space<hbm>>) target(%arg13 : memref<80x64xbf16, #tpu.memory_space<vmem>>) offsets(%dma_start3A_152 : memref<80xi32, #tpu.memory_space<vmem>>) semaphore(%arg21 : memref<!tpu.dma_semaphore, #tpu.memory_space<semaphore_mem>>)
    } else {
    }
    %eq3A_56 = arith.constant 0 : i32
    %eq3A_57 = arith.cmpi eq, %arg0, %eq3A_56 : i32
    %convert_element_type3A_58 = arith.extui %eq3A_57 : i1 to i32
    %cond3A_59 = arith.constant 0 : i32
    %cond3A_60 = arith.cmpi ne, %convert_element_type3A_58, %cond3A_59 : i32
    scf.if %cond3A_60 {
      %dma_start3A_149 = arith.constant 3 : i32
      %dma_start3A_150 = arith.constant 0 : i32
      %dma_start3A_151 = tpu.memref_slice %arg8[%dma_start3A_149, %dma_start3A_150] : memref<250x80xi32, #tpu.memory_space<vmem>> -> memref<1x80xi32, #tpu.memory_space<vmem>>
      %dma_start3A_152 = tpu.memref_squeeze %dma_start3A_151 : memref<1x80xi32, #tpu.memory_space<vmem>> -> memref<80xi32, #tpu.memory_space<vmem>>
      %dma_start3A_153 = arith.constant 0 : i32
      %dma_start3A_154 = arith.constant 0 : i32
      %dma_start3A_155 = tpu.memref_slice %arg2[%dma_start3A_153, %dma_start3A_154] : memref<10000x64xbf16, #tpu.memory_space<hbm>> -> memref<10000x64xbf16, #tpu.memory_space<hbm>>
      tpu.enqueue_indirect_dma source(%dma_start3A_155 : memref<10000x64xbf16, #tpu.memory_space<hbm>>) target(%arg14 : memref<80x64xbf16, #tpu.memory_space<vmem>>) offsets(%dma_start3A_152 : memref<80xi32, #tpu.memory_space<vmem>>) semaphore(%arg22 : memref<!tpu.dma_semaphore, #tpu.memory_space<semaphore_mem>>)
    } else {
    }
    %eq3A_61 = arith.constant 1 : i32
    %eq3A_62 = arith.cmpi eq, %arg0, %eq3A_61 : i32
    %convert_element_type3A_63 = arith.extui %eq3A_62 : i1 to i32
    %cond3A_64 = arith.constant 0 : i32
    %cond3A_65 = arith.cmpi ne, %convert_element_type3A_63, %cond3A_64 : i32
    scf.if %cond3A_65 {
      %dma_start3A_149 = arith.constant 3 : i32
      %dma_start3A_150 = arith.constant 0 : i32
      %dma_start3A_151 = tpu.memref_slice %arg8[%dma_start3A_149, %dma_start3A_150] : memref<250x80xi32, #tpu.memory_space<vmem>> -> memref<1x80xi32, #tpu.memory_space<vmem>>
      %dma_start3A_152 = tpu.memref_squeeze %dma_start3A_151 : memref<1x80xi32, #tpu.memory_space<vmem>> -> memref<80xi32, #tpu.memory_space<vmem>>
      %dma_start3A_153 = arith.constant 0 : i32
      %dma_start3A_154 = arith.constant 0 : i32
      %dma_start3A_155 = tpu.memref_slice %arg3[%dma_start3A_153, %dma_start3A_154] : memref<10000x64xbf16, #tpu.memory_space<hbm>> -> memref<10000x64xbf16, #tpu.memory_space<hbm>>
      tpu.enqueue_indirect_dma source(%dma_start3A_155 : memref<10000x64xbf16, #tpu.memory_space<hbm>>) target(%arg14 : memref<80x64xbf16, #tpu.memory_space<vmem>>) offsets(%dma_start3A_152 : memref<80xi32, #tpu.memory_space<vmem>>) semaphore(%arg22 : memref<!tpu.dma_semaphore, #tpu.memory_space<semaphore_mem>>)
    } else {
    }
    %scan3A = arith.constant 0 : i32
    %scan3A_66 = arith.constant 0 : i32
    %scan3A_67 = arith.constant 62 : i32
    %scan3A_68 = arith.addi %scan3A_66, %scan3A_67 : i32
    %scan3A_69 = arith.constant 1 : i32
    scf.for %scan3A_149 = %scan3A_66 to %scan3A_68 step %scan3A_69  : i32 {
      %mul3A_150 = arith.constant 4 : i32
      %mul3A_151 = arith.muli %scan3A_149, %mul3A_150 : i32
      %add3A_152 = arith.constant 0 : i32
      %add3A_153 = arith.addi %mul3A_151, %add3A_152 : i32
      %eq3A_154 = arith.constant 0 : i32
      %eq3A_155 = arith.cmpi eq, %arg0, %eq3A_154 : i32
      %convert_element_type3A_156 = arith.extui %eq3A_155 : i1 to i32
      %cond3A_157 = arith.constant 0 : i32
      %cond3A_158 = arith.cmpi ne, %convert_element_type3A_156, %cond3A_157 : i32
      scf.if %cond3A_158 {
        %dma_wait3A_299 = arith.constant 0 : i32
        %dma_wait3A_300 = tpu.memref_slice %arg8[%add3A_153, %dma_wait3A_299] : memref<250x80xi32, #tpu.memory_space<vmem>> -> memref<1x80xi32, #tpu.memory_space<vmem>>
        %dma_wait3A_301 = tpu.memref_squeeze %dma_wait3A_300 : memref<1x80xi32, #tpu.memory_space<vmem>> -> memref<80xi32, #tpu.memory_space<vmem>>
        %dma_wait3A_302 = arith.constant 0 : i32
        %dma_wait3A_303 = arith.constant 0 : i32
        %dma_wait3A_304 = tpu.memref_slice %arg2[%dma_wait3A_302, %dma_wait3A_303] : memref<10000x64xbf16, #tpu.memory_space<hbm>> -> memref<10000x64xbf16, #tpu.memory_space<hbm>>
        tpu.wait_indirect_dma semaphore(%arg19 : memref<!tpu.dma_semaphore, #tpu.memory_space<semaphore_mem>>) src(%dma_wait3A_304 : memref<10000x64xbf16, #tpu.memory_space<hbm>>) dst(%arg11 : memref<80x64xbf16, #tpu.memory_space<vmem>>)
      } else {
      }
      %eq3A_159 = arith.constant 1 : i32
      %eq3A_160 = arith.cmpi eq, %arg0, %eq3A_159 : i32
      %convert_element_type3A_161 = arith.extui %eq3A_160 : i1 to i32
      %cond3A_162 = arith.constant 0 : i32
      %cond3A_163 = arith.cmpi ne, %convert_element_type3A_161, %cond3A_162 : i32
      scf.if %cond3A_163 {
        %dma_wait3A_299 = arith.constant 0 : i32
        %dma_wait3A_300 = tpu.memref_slice %arg8[%add3A_153, %dma_wait3A_299] : memref<250x80xi32, #tpu.memory_space<vmem>> -> memref<1x80xi32, #tpu.memory_space<vmem>>
        %dma_wait3A_301 = tpu.memref_squeeze %dma_wait3A_300 : memref<1x80xi32, #tpu.memory_space<vmem>> -> memref<80xi32, #tpu.memory_space<vmem>>
        %dma_wait3A_302 = arith.constant 0 : i32
        %dma_wait3A_303 = arith.constant 0 : i32
        %dma_wait3A_304 = tpu.memref_slice %arg3[%dma_wait3A_302, %dma_wait3A_303] : memref<10000x64xbf16, #tpu.memory_space<hbm>> -> memref<10000x64xbf16, #tpu.memory_space<hbm>>
        tpu.wait_indirect_dma semaphore(%arg19 : memref<!tpu.dma_semaphore, #tpu.memory_space<semaphore_mem>>) src(%dma_wait3A_304 : memref<10000x64xbf16, #tpu.memory_space<hbm>>) dst(%arg11 : memref<80x64xbf16, #tpu.memory_space<vmem>>)
      } else {
      }
      %gt3A = arith.constant 0 : i32
      %gt3A_164 = arith.cmpi sgt, %scan3A_149, %gt3A : i32
      %convert_element_type3A_165 = arith.extui %gt3A_164 : i1 to i32
      %cond3A_166 = arith.constant 0 : i32
      %cond3A_167 = arith.cmpi ne, %convert_element_type3A_165, %cond3A_166 : i32
      scf.if %cond3A_167 {
        %sub3A_299 = arith.constant 2 : i32
        %sub3A_300 = arith.subi %add3A_153, %sub3A_299 : i32
        %dma_wait3A_301 = arith.constant 0 : i32
        %dma_wait3A_302 = tpu.memref_slice %arg9[%sub3A_300, %dma_wait3A_301] : memref<250x80xi32, #tpu.memory_space<vmem>> -> memref<1x80xi32, #tpu.memory_space<vmem>>
        %dma_wait3A_303 = tpu.memref_squeeze %dma_wait3A_302 : memref<1x80xi32, #tpu.memory_space<vmem>> -> memref<80xi32, #tpu.memory_space<vmem>>
        %dma_wait3A_304 = arith.constant 0 : i32
        %dma_wait3A_305 = arith.constant 0 : i32
        %dma_wait3A_306 = tpu.memref_slice %arg18[%dma_wait3A_304, %dma_wait3A_305] : memref<10000x64xf32, #tpu.memory_space<vmem_shared>> -> memref<10000x64xf32, #tpu.memory_space<vmem_shared>>
        tpu.wait_indirect_dma semaphore(%arg23 : memref<!tpu.dma_semaphore, #tpu.memory_space<semaphore_mem>>) src(%arg15 : memref<80x64xf32, #tpu.memory_space<vmem>>) dst(%dma_wait3A_306 : memref<10000x64xf32, #tpu.memory_space<vmem_shared>>)
      } else {
      }
      %parallel_loop3A_168 = arith.constant 0 : i32
      %parallel_loop3A_169 = arith.constant 80 : i32
      %parallel_loop3A_170 = arith.constant 1 : i32
      scf.for %parallel_loop3A_299 = %parallel_loop3A_168 to %parallel_loop3A_169 step %parallel_loop3A_170  : i32 {
        %parallel_loop3A_300 = arith.constant 80 : i32
        %parallel_loop3A_301 = arith.muli %add3A_153, %parallel_loop3A_300 : i32
        %parallel_loop3A_302 = arith.addi %parallel_loop3A_301, %parallel_loop3A_299 : i32
        %parallel_loop3A_303 = vector.broadcast %parallel_loop3A_302 : i32 to vector<16xi32>
        %parallel_loop3A_304 = tpu.vector_load_idx %arg10[%parallel_loop3A_303] : memref<20000xf32, #tpu.memory_space<vmem>>[vector<16xi32>], vector<16xf32>,
        %parallel_loop3A_305 = arith.index_cast %parallel_loop3A_299 : i32 to index
        %parallel_loop3A_306 = arith.constant 0 : index
        %parallel_loop3A_307 = tpu.vector_load %arg11[%parallel_loop3A_305, %parallel_loop3A_306] {strides = array<i32>} : memref<80x64xbf16, #tpu.memory_space<vmem>>, vector<32xbf16>,
        %parallel_loop3A_308 = tpu.unpack_subelements %parallel_loop3A_307, 0 {pack_format = #tpu.pack_format<interleaved>} : vector<32xbf16> -> vector<16xf32>
        %parallel_loop3A_309 = tpu.unpack_subelements %parallel_loop3A_307, 1 {pack_format = #tpu.pack_format<interleaved>} : vector<32xbf16> -> vector<16xf32>
        %parallel_loop3A_310 = arith.mulf %parallel_loop3A_308, %parallel_loop3A_304 : vector<16xf32>
        %parallel_loop3A_311 = arith.index_cast %parallel_loop3A_299 : i32 to index
        %parallel_loop3A_312 = arith.constant 0 : index
        %parallel_loop3A_313 = tpu.vector_load %arg15[%parallel_loop3A_311, %parallel_loop3A_312] {strides = array<i32>} : memref<80x64xf32, #tpu.memory_space<vmem>>, vector<16xf32>,
        tpu.vector_store %arg15[%parallel_loop3A_311, %parallel_loop3A_312], %parallel_loop3A_310 {strides = array<i32>} : memref<80x64xf32, #tpu.memory_space<vmem>>, vector<16xf32>,
        %parallel_loop3A_314 = arith.mulf %parallel_loop3A_309, %parallel_loop3A_304 : vector<16xf32>
        %parallel_loop3A_315 = arith.index_cast %parallel_loop3A_299 : i32 to index
        %parallel_loop3A_316 = arith.constant 16 : index
        %parallel_loop3A_317 = tpu.vector_load %arg15[%parallel_loop3A_315, %parallel_loop3A_316] {strides = array<i32>} : memref<80x64xf32, #tpu.memory_space<vmem>>, vector<16xf32>,
        tpu.vector_store %arg15[%parallel_loop3A_315, %parallel_loop3A_316], %parallel_loop3A_314 {strides = array<i32>} : memref<80x64xf32, #tpu.memory_space<vmem>>, vector<16xf32>,
        %parallel_loop3A_318 = arith.index_cast %parallel_loop3A_299 : i32 to index
        %parallel_loop3A_319 = arith.constant 32 : index
        %parallel_loop3A_320 = tpu.vector_load %arg11[%parallel_loop3A_318, %parallel_loop3A_319] {strides = array<i32>} : memref<80x64xbf16, #tpu.memory_space<vmem>>, vector<32xbf16>,
        %parallel_loop3A_321 = tpu.unpack_subelements %parallel_loop3A_320, 0 {pack_format = #tpu.pack_format<interleaved>} : vector<32xbf16> -> vector<16xf32>
        %parallel_loop3A_322 = tpu.unpack_subelements %parallel_loop3A_320, 1 {pack_format = #tpu.pack_format<interleaved>} : vector<32xbf16> -> vector<16xf32>
        %parallel_loop3A_323 = arith.mulf %parallel_loop3A_321, %parallel_loop3A_304 : vector<16xf32>
        %parallel_loop3A_324 = arith.index_cast %parallel_loop3A_299 : i32 to index
        %parallel_loop3A_325 = arith.constant 32 : index
        %parallel_loop3A_326 = tpu.vector_load %arg15[%parallel_loop3A_324, %parallel_loop3A_325] {strides = array<i32>} : memref<80x64xf32, #tpu.memory_space<vmem>>, vector<16xf32>,
        tpu.vector_store %arg15[%parallel_loop3A_324, %parallel_loop3A_325], %parallel_loop3A_323 {strides = array<i32>} : memref<80x64xf32, #tpu.memory_space<vmem>>, vector<16xf32>,
        %parallel_loop3A_327 = arith.mulf %parallel_loop3A_322, %parallel_loop3A_304 : vector<16xf32>
        %parallel_loop3A_328 = arith.index_cast %parallel_loop3A_299 : i32 to index
        %parallel_loop3A_329 = arith.constant 48 : index
        %parallel_loop3A_330 = tpu.vector_load %arg15[%parallel_loop3A_328, %parallel_loop3A_329] {strides = array<i32>} : memref<80x64xf32, #tpu.memory_space<vmem>>, vector<16xf32>,
        tpu.vector_store %arg15[%parallel_loop3A_328, %parallel_loop3A_329], %parallel_loop3A_327 {strides = array<i32>} : memref<80x64xf32, #tpu.memory_space<vmem>>, vector<16xf32>,
      } {sc.loop_unroll_factor = 8 : i64, sc.parallel_access}
      %dma_start3A_171 = arith.constant 0 : i32
      %dma_start3A_172 = tpu.memref_slice %arg9[%add3A_153, %dma_start3A_171] : memref<250x80xi32, #tpu.memory_space<vmem>> -> memref<1x80xi32, #tpu.memory_space<vmem>>
      %dma_start3A_173 = tpu.memref_squeeze %dma_start3A_172 : memref<1x80xi32, #tpu.memory_space<vmem>> -> memref<80xi32, #tpu.memory_space<vmem>>
      %dma_start3A_174 = arith.constant 0 : i32
      %dma_start3A_175 = arith.constant 0 : i32
      %dma_start3A_176 = tpu.memref_slice %arg18[%dma_start3A_174, %dma_start3A_175] : memref<10000x64xf32, #tpu.memory_space<vmem_shared>> -> memref<10000x64xf32, #tpu.memory_space<vmem_shared>>
      tpu.enqueue_indirect_dma source(%arg15 : memref<80x64xf32, #tpu.memory_space<vmem>>) target(%dma_start3A_176 : memref<10000x64xf32, #tpu.memory_space<vmem_shared>>) offsets(%dma_start3A_173 : memref<80xi32, #tpu.memory_space<vmem>>) semaphore(%arg23 : memref<!tpu.dma_semaphore, #tpu.memory_space<semaphore_mem>>) {add = true}
      %add3A_177 = arith.constant 4 : i32
      %add3A_178 = arith.addi %add3A_153, %add3A_177 : i32
      %eq3A_179 = arith.constant 0 : i32
      %eq3A_180 = arith.cmpi eq, %arg0, %eq3A_179 : i32
      %convert_element_type3A_181 = arith.extui %eq3A_180 : i1 to i32
      %cond3A_182 = arith.constant 0 : i32
      %cond3A_183 = arith.cmpi ne, %convert_element_type3A_181, %cond3A_182 : i32
      scf.if %cond3A_183 {
        %dma_start3A_299 = arith.constant 0 : i32
        %dma_start3A_300 = tpu.memref_slice %arg8[%add3A_178, %dma_start3A_299] : memref<250x80xi32, #tpu.memory_space<vmem>> -> memref<1x80xi32, #tpu.memory_space<vmem>>
        %dma_start3A_301 = tpu.memref_squeeze %dma_start3A_300 : memref<1x80xi32, #tpu.memory_space<vmem>> -> memref<80xi32, #tpu.memory_space<vmem>>
        %dma_start3A_302 = arith.constant 0 : i32
        %dma_start3A_303 = arith.constant 0 : i32
        %dma_start3A_304 = tpu.memref_slice %arg2[%dma_start3A_302, %dma_start3A_303] : memref<10000x64xbf16, #tpu.memory_space<hbm>> -> memref<10000x64xbf16, #tpu.memory_space<hbm>>
        tpu.enqueue_indirect_dma source(%dma_start3A_304 : memref<10000x64xbf16, #tpu.memory_space<hbm>>) target(%arg11 : memref<80x64xbf16, #tpu.memory_space<vmem>>) offsets(%dma_start3A_301 : memref<80xi32, #tpu.memory_space<vmem>>) semaphore(%arg19 : memref<!tpu.dma_semaphore, #tpu.memory_space<semaphore_mem>>)
      } else {
      }
      %eq3A_184 = arith.constant 1 : i32
      %eq3A_185 = arith.cmpi eq, %arg0, %eq3A_184 : i32
      %convert_element_type3A_186 = arith.extui %eq3A_185 : i1 to i32
      %cond3A_187 = arith.constant 0 : i32
      %cond3A_188 = arith.cmpi ne, %convert_element_type3A_186, %cond3A_187 : i32
      scf.if %cond3A_188 {
        %dma_start3A_299 = arith.constant 0 : i32
        %dma_start3A_300 = tpu.memref_slice %arg8[%add3A_178, %dma_start3A_299] : memref<250x80xi32, #tpu.memory_space<vmem>> -> memref<1x80xi32, #tpu.memory_space<vmem>>
        %dma_start3A_301 = tpu.memref_squeeze %dma_start3A_300 : memref<1x80xi32, #tpu.memory_space<vmem>> -> memref<80xi32, #tpu.memory_space<vmem>>
        %dma_start3A_302 = arith.constant 0 : i32
        %dma_start3A_303 = arith.constant 0 : i32
        %dma_start3A_304 = tpu.memref_slice %arg3[%dma_start3A_302, %dma_start3A_303] : memref<10000x64xbf16, #tpu.memory_space<hbm>> -> memref<10000x64xbf16, #tpu.memory_space<hbm>>
        tpu.enqueue_indirect_dma source(%dma_start3A_304 : memref<10000x64xbf16, #tpu.memory_space<hbm>>) target(%arg11 : memref<80x64xbf16, #tpu.memory_space<vmem>>) offsets(%dma_start3A_301 : memref<80xi32, #tpu.memory_space<vmem>>) semaphore(%arg19 : memref<!tpu.dma_semaphore, #tpu.memory_space<semaphore_mem>>)
      } else {
      }
      %mul3A_189 = arith.constant 4 : i32
      %mul3A_190 = arith.muli %scan3A_149, %mul3A_189 : i32
      %add3A_191 = arith.constant 1 : i32
      %add3A_192 = arith.addi %mul3A_190, %add3A_191 : i32
      %eq3A_193 = arith.constant 0 : i32
      %eq3A_194 = arith.cmpi eq, %arg0, %eq3A_193 : i32
      %convert_element_type3A_195 = arith.extui %eq3A_194 : i1 to i32
      %cond3A_196 = arith.constant 0 : i32
      %cond3A_197 = arith.cmpi ne, %convert_element_type3A_195, %cond3A_196 : i32
      scf.if %cond3A_197 {
        %dma_wait3A_299 = arith.constant 0 : i32
        %dma_wait3A_300 = tpu.memref_slice %arg8[%add3A_192, %dma_wait3A_299] : memref<250x80xi32, #tpu.memory_space<vmem>> -> memref<1x80xi32, #tpu.memory_space<vmem>>
        %dma_wait3A_301 = tpu.memref_squeeze %dma_wait3A_300 : memref<1x80xi32, #tpu.memory_space<vmem>> -> memref<80xi32, #tpu.memory_space<vmem>>
        %dma_wait3A_302 = arith.constant 0 : i32
        %dma_wait3A_303 = arith.constant 0 : i32
        %dma_wait3A_304 = tpu.memref_slice %arg2[%dma_wait3A_302, %dma_wait3A_303] : memref<10000x64xbf16, #tpu.memory_space<hbm>> -> memref<10000x64xbf16, #tpu.memory_space<hbm>>
        tpu.wait_indirect_dma semaphore(%arg20 : memref<!tpu.dma_semaphore, #tpu.memory_space<semaphore_mem>>) src(%dma_wait3A_304 : memref<10000x64xbf16, #tpu.memory_space<hbm>>) dst(%arg12 : memref<80x64xbf16, #tpu.memory_space<vmem>>)
      } else {
      }
      %eq3A_198 = arith.constant 1 : i32
      %eq3A_199 = arith.cmpi eq, %arg0, %eq3A_198 : i32
      %convert_element_type3A_200 = arith.extui %eq3A_199 : i1 to i32
      %cond3A_201 = arith.constant 0 : i32
      %cond3A_202 = arith.cmpi ne, %convert_element_type3A_200, %cond3A_201 : i32
      scf.if %cond3A_202 {
        %dma_wait3A_299 = arith.constant 0 : i32
        %dma_wait3A_300 = tpu.memref_slice %arg8[%add3A_192, %dma_wait3A_299] : memref<250x80xi32, #tpu.memory_space<vmem>> -> memref<1x80xi32, #tpu.memory_space<vmem>>
        %dma_wait3A_301 = tpu.memref_squeeze %dma_wait3A_300 : memref<1x80xi32, #tpu.memory_space<vmem>> -> memref<80xi32, #tpu.memory_space<vmem>>
        %dma_wait3A_302 = arith.constant 0 : i32
        %dma_wait3A_303 = arith.constant 0 : i32
        %dma_wait3A_304 = tpu.memref_slice %arg3[%dma_wait3A_302, %dma_wait3A_303] : memref<10000x64xbf16, #tpu.memory_space<hbm>> -> memref<10000x64xbf16, #tpu.memory_space<hbm>>
        tpu.wait_indirect_dma semaphore(%arg20 : memref<!tpu.dma_semaphore, #tpu.memory_space<semaphore_mem>>) src(%dma_wait3A_304 : memref<10000x64xbf16, #tpu.memory_space<hbm>>) dst(%arg12 : memref<80x64xbf16, #tpu.memory_space<vmem>>)
      } else {
      }
      %gt3A_203 = arith.constant 0 : i32
      %gt3A_204 = arith.cmpi sgt, %scan3A_149, %gt3A_203 : i32
      %convert_element_type3A_205 = arith.extui %gt3A_204 : i1 to i32
      %cond3A_206 = arith.constant 0 : i32
      %cond3A_207 = arith.cmpi ne, %convert_element_type3A_205, %cond3A_206 : i32
      scf.if %cond3A_207 {
        %sub3A_299 = arith.constant 2 : i32
        %sub3A_300 = arith.subi %add3A_192, %sub3A_299 : i32
        %dma_wait3A_301 = arith.constant 0 : i32
        %dma_wait3A_302 = tpu.memref_slice %arg9[%sub3A_300, %dma_wait3A_301] : memref<250x80xi32, #tpu.memory_space<vmem>> -> memref<1x80xi32, #tpu.memory_space<vmem>>
        %dma_wait3A_303 = tpu.memref_squeeze %dma_wait3A_302 : memref<1x80xi32, #tpu.memory_space<vmem>> -> memref<80xi32, #tpu.memory_space<vmem>>
        %dma_wait3A_304 = arith.constant 0 : i32
        %dma_wait3A_305 = arith.constant 0 : i32
        %dma_wait3A_306 = tpu.memref_slice %arg18[%dma_wait3A_304, %dma_wait3A_305] : memref<10000x64xf32, #tpu.memory_space<vmem_shared>> -> memref<10000x64xf32, #tpu.memory_space<vmem_shared>>
        tpu.wait_indirect_dma semaphore(%arg24 : memref<!tpu.dma_semaphore, #tpu.memory_space<semaphore_mem>>) src(%arg16 : memref<80x64xf32, #tpu.memory_space<vmem>>) dst(%dma_wait3A_306 : memref<10000x64xf32, #tpu.memory_space<vmem_shared>>)
      } else {
      }
      %parallel_loop3A_208 = arith.constant 0 : i32
      %parallel_loop3A_209 = arith.constant 80 : i32
      %parallel_loop3A_210 = arith.constant 1 : i32
      scf.for %parallel_loop3A_299 = %parallel_loop3A_208 to %parallel_loop3A_209 step %parallel_loop3A_210  : i32 {
        %parallel_loop3A_300 = arith.constant 80 : i32
        %parallel_loop3A_301 = arith.muli %add3A_192, %parallel_loop3A_300 : i32
        %parallel_loop3A_302 = arith.addi %parallel_loop3A_301, %parallel_loop3A_299 : i32
        %parallel_loop3A_303 = vector.broadcast %parallel_loop3A_302 : i32 to vector<16xi32>
        %parallel_loop3A_304 = tpu.vector_load_idx %arg10[%parallel_loop3A_303] : memref<20000xf32, #tpu.memory_space<vmem>>[vector<16xi32>], vector<16xf32>,
        %parallel_loop3A_305 = arith.index_cast %parallel_loop3A_299 : i32 to index
        %parallel_loop3A_306 = arith.constant 0 : index
        %parallel_loop3A_307 = tpu.vector_load %arg12[%parallel_loop3A_305, %parallel_loop3A_306] {strides = array<i32>} : memref<80x64xbf16, #tpu.memory_space<vmem>>, vector<32xbf16>,
        %parallel_loop3A_308 = tpu.unpack_subelements %parallel_loop3A_307, 0 {pack_format = #tpu.pack_format<interleaved>} : vector<32xbf16> -> vector<16xf32>
        %parallel_loop3A_309 = tpu.unpack_subelements %parallel_loop3A_307, 1 {pack_format = #tpu.pack_format<interleaved>} : vector<32xbf16> -> vector<16xf32>
        %parallel_loop3A_310 = arith.mulf %parallel_loop3A_308, %parallel_loop3A_304 : vector<16xf32>
        %parallel_loop3A_311 = arith.index_cast %parallel_loop3A_299 : i32 to index
        %parallel_loop3A_312 = arith.constant 0 : index
        %parallel_loop3A_313 = tpu.vector_load %arg16[%parallel_loop3A_311, %parallel_loop3A_312] {strides = array<i32>} : memref<80x64xf32, #tpu.memory_space<vmem>>, vector<16xf32>,
        tpu.vector_store %arg16[%parallel_loop3A_311, %parallel_loop3A_312], %parallel_loop3A_310 {strides = array<i32>} : memref<80x64xf32, #tpu.memory_space<vmem>>, vector<16xf32>,
        %parallel_loop3A_314 = arith.mulf %parallel_loop3A_309, %parallel_loop3A_304 : vector<16xf32>
        %parallel_loop3A_315 = arith.index_cast %parallel_loop3A_299 : i32 to index
        %parallel_loop3A_316 = arith.constant 16 : index
        %parallel_loop3A_317 = tpu.vector_load %arg16[%parallel_loop3A_315, %parallel_loop3A_316] {strides = array<i32>} : memref<80x64xf32, #tpu.memory_space<vmem>>, vector<16xf32>,
        tpu.vector_store %arg16[%parallel_loop3A_315, %parallel_loop3A_316], %parallel_loop3A_314 {strides = array<i32>} : memref<80x64xf32, #tpu.memory_space<vmem>>, vector<16xf32>,
        %parallel_loop3A_318 = arith.index_cast %parallel_loop3A_299 : i32 to index
        %parallel_loop3A_319 = arith.constant 32 : index
        %parallel_loop3A_320 = tpu.vector_load %arg12[%parallel_loop3A_318, %parallel_loop3A_319] {strides = array<i32>} : memref<80x64xbf16, #tpu.memory_space<vmem>>, vector<32xbf16>,
        %parallel_loop3A_321 = tpu.unpack_subelements %parallel_loop3A_320, 0 {pack_format = #tpu.pack_format<interleaved>} : vector<32xbf16> -> vector<16xf32>
        %parallel_loop3A_322 = tpu.unpack_subelements %parallel_loop3A_320, 1 {pack_format = #tpu.pack_format<interleaved>} : vector<32xbf16> -> vector<16xf32>
        %parallel_loop3A_323 = arith.mulf %parallel_loop3A_321, %parallel_loop3A_304 : vector<16xf32>
        %parallel_loop3A_324 = arith.index_cast %parallel_loop3A_299 : i32 to index
        %parallel_loop3A_325 = arith.constant 32 : index
        %parallel_loop3A_326 = tpu.vector_load %arg16[%parallel_loop3A_324, %parallel_loop3A_325] {strides = array<i32>} : memref<80x64xf32, #tpu.memory_space<vmem>>, vector<16xf32>,
        tpu.vector_store %arg16[%parallel_loop3A_324, %parallel_loop3A_325], %parallel_loop3A_323 {strides = array<i32>} : memref<80x64xf32, #tpu.memory_space<vmem>>, vector<16xf32>,
        %parallel_loop3A_327 = arith.mulf %parallel_loop3A_322, %parallel_loop3A_304 : vector<16xf32>
        %parallel_loop3A_328 = arith.index_cast %parallel_loop3A_299 : i32 to index
        %parallel_loop3A_329 = arith.constant 48 : index
        %parallel_loop3A_330 = tpu.vector_load %arg16[%parallel_loop3A_328, %parallel_loop3A_329] {strides = array<i32>} : memref<80x64xf32, #tpu.memory_space<vmem>>, vector<16xf32>,
        tpu.vector_store %arg16[%parallel_loop3A_328, %parallel_loop3A_329], %parallel_loop3A_327 {strides = array<i32>} : memref<80x64xf32, #tpu.memory_space<vmem>>, vector<16xf32>,
      } {sc.loop_unroll_factor = 8 : i64, sc.parallel_access}
      %dma_start3A_211 = arith.constant 0 : i32
      %dma_start3A_212 = tpu.memref_slice %arg9[%add3A_192, %dma_start3A_211] : memref<250x80xi32, #tpu.memory_space<vmem>> -> memref<1x80xi32, #tpu.memory_space<vmem>>
      %dma_start3A_213 = tpu.memref_squeeze %dma_start3A_212 : memref<1x80xi32, #tpu.memory_space<vmem>> -> memref<80xi32, #tpu.memory_space<vmem>>
      %dma_start3A_214 = arith.constant 0 : i32
      %dma_start3A_215 = arith.constant 0 : i32
      %dma_start3A_216 = tpu.memref_slice %arg18[%dma_start3A_214, %dma_start3A_215] : memref<10000x64xf32, #tpu.memory_space<vmem_shared>> -> memref<10000x64xf32, #tpu.memory_space<vmem_shared>>
      tpu.enqueue_indirect_dma source(%arg16 : memref<80x64xf32, #tpu.memory_space<vmem>>) target(%dma_start3A_216 : memref<10000x64xf32, #tpu.memory_space<vmem_shared>>) offsets(%dma_start3A_213 : memref<80xi32, #tpu.memory_space<vmem>>) semaphore(%arg24 : memref<!tpu.dma_semaphore, #tpu.memory_space<semaphore_mem>>) {add = true}
      %add3A_217 = arith.constant 4 : i32
      %add3A_218 = arith.addi %add3A_192, %add3A_217 : i32
      %eq3A_219 = arith.constant 0 : i32
      %eq3A_220 = arith.cmpi eq, %arg0, %eq3A_219 : i32
      %convert_element_type3A_221 = arith.extui %eq3A_220 : i1 to i32
      %cond3A_222 = arith.constant 0 : i32
      %cond3A_223 = arith.cmpi ne, %convert_element_type3A_221, %cond3A_222 : i32
      scf.if %cond3A_223 {
        %dma_start3A_299 = arith.constant 0 : i32
        %dma_start3A_300 = tpu.memref_slice %arg8[%add3A_218, %dma_start3A_299] : memref<250x80xi32, #tpu.memory_space<vmem>> -> memref<1x80xi32, #tpu.memory_space<vmem>>
        %dma_start3A_301 = tpu.memref_squeeze %dma_start3A_300 : memref<1x80xi32, #tpu.memory_space<vmem>> -> memref<80xi32, #tpu.memory_space<vmem>>
        %dma_start3A_302 = arith.constant 0 : i32
        %dma_start3A_303 = arith.constant 0 : i32
        %dma_start3A_304 = tpu.memref_slice %arg2[%dma_start3A_302, %dma_start3A_303] : memref<10000x64xbf16, #tpu.memory_space<hbm>> -> memref<10000x64xbf16, #tpu.memory_space<hbm>>
        tpu.enqueue_indirect_dma source(%dma_start3A_304 : memref<10000x64xbf16, #tpu.memory_space<hbm>>) target(%arg12 : memref<80x64xbf16, #tpu.memory_space<vmem>>) offsets(%dma_start3A_301 : memref<80xi32, #tpu.memory_space<vmem>>) semaphore(%arg20 : memref<!tpu.dma_semaphore, #tpu.memory_space<semaphore_mem>>)
      } else {
      }
      %eq3A_224 = arith.constant 1 : i32
      %eq3A_225 = arith.cmpi eq, %arg0, %eq3A_224 : i32
      %convert_element_type3A_226 = arith.extui %eq3A_225 : i1 to i32
      %cond3A_227 = arith.constant 0 : i32
      %cond3A_228 = arith.cmpi ne, %convert_element_type3A_226, %cond3A_227 : i32
      scf.if %cond3A_228 {
        %dma_start3A_299 = arith.constant 0 : i32
        %dma_start3A_300 = tpu.memref_slice %arg8[%add3A_218, %dma_start3A_299] : memref<250x80xi32, #tpu.memory_space<vmem>> -> memref<1x80xi32, #tpu.memory_space<vmem>>
        %dma_start3A_301 = tpu.memref_squeeze %dma_start3A_300 : memref<1x80xi32, #tpu.memory_space<vmem>> -> memref<80xi32, #tpu.memory_space<vmem>>
        %dma_start3A_302 = arith.constant 0 : i32
        %dma_start3A_303 = arith.constant 0 : i32
        %dma_start3A_304 = tpu.memref_slice %arg3[%dma_start3A_302, %dma_start3A_303] : memref<10000x64xbf16, #tpu.memory_space<hbm>> -> memref<10000x64xbf16, #tpu.memory_space<hbm>>
        tpu.enqueue_indirect_dma source(%dma_start3A_304 : memref<10000x64xbf16, #tpu.memory_space<hbm>>) target(%arg12 : memref<80x64xbf16, #tpu.memory_space<vmem>>) offsets(%dma_start3A_301 : memref<80xi32, #tpu.memory_space<vmem>>) semaphore(%arg20 : memref<!tpu.dma_semaphore, #tpu.memory_space<semaphore_mem>>)
      } else {
      }
      %mul3A_229 = arith.constant 4 : i32
      %mul3A_230 = arith.muli %scan3A_149, %mul3A_229 : i32
      %add3A_231 = arith.constant 2 : i32
      %add3A_232 = arith.addi %mul3A_230, %add3A_231 : i32
      %eq3A_233 = arith.constant 0 : i32
      %eq3A_234 = arith.cmpi eq, %arg0, %eq3A_233 : i32
      %convert_element_type3A_235 = arith.extui %eq3A_234 : i1 to i32
      %cond3A_236 = arith.constant 0 : i32
      %cond3A_237 = arith.cmpi ne, %convert_element_type3A_235, %cond3A_236 : i32
      scf.if %cond3A_237 {
        %dma_wait3A_299 = arith.constant 0 : i32
        %dma_wait3A_300 = tpu.memref_slice %arg8[%add3A_232, %dma_wait3A_299] : memref<250x80xi32, #tpu.memory_space<vmem>> -> memref<1x80xi32, #tpu.memory_space<vmem>>
        %dma_wait3A_301 = tpu.memref_squeeze %dma_wait3A_300 : memref<1x80xi32, #tpu.memory_space<vmem>> -> memref<80xi32, #tpu.memory_space<vmem>>
        %dma_wait3A_302 = arith.constant 0 : i32
        %dma_wait3A_303 = arith.constant 0 : i32
        %dma_wait3A_304 = tpu.memref_slice %arg2[%dma_wait3A_302, %dma_wait3A_303] : memref<10000x64xbf16, #tpu.memory_space<hbm>> -> memref<10000x64xbf16, #tpu.memory_space<hbm>>
        tpu.wait_indirect_dma semaphore(%arg21 : memref<!tpu.dma_semaphore, #tpu.memory_space<semaphore_mem>>) src(%dma_wait3A_304 : memref<10000x64xbf16, #tpu.memory_space<hbm>>) dst(%arg13 : memref<80x64xbf16, #tpu.memory_space<vmem>>)
      } else {
      }
      %eq3A_238 = arith.constant 1 : i32
      %eq3A_239 = arith.cmpi eq, %arg0, %eq3A_238 : i32
      %convert_element_type3A_240 = arith.extui %eq3A_239 : i1 to i32
      %cond3A_241 = arith.constant 0 : i32
      %cond3A_242 = arith.cmpi ne, %convert_element_type3A_240, %cond3A_241 : i32
      scf.if %cond3A_242 {
        %dma_wait3A_299 = arith.constant 0 : i32
        %dma_wait3A_300 = tpu.memref_slice %arg8[%add3A_232, %dma_wait3A_299] : memref<250x80xi32, #tpu.memory_space<vmem>> -> memref<1x80xi32, #tpu.memory_space<vmem>>
        %dma_wait3A_301 = tpu.memref_squeeze %dma_wait3A_300 : memref<1x80xi32, #tpu.memory_space<vmem>> -> memref<80xi32, #tpu.memory_space<vmem>>
        %dma_wait3A_302 = arith.constant 0 : i32
        %dma_wait3A_303 = arith.constant 0 : i32
        %dma_wait3A_304 = tpu.memref_slice %arg3[%dma_wait3A_302, %dma_wait3A_303] : memref<10000x64xbf16, #tpu.memory_space<hbm>> -> memref<10000x64xbf16, #tpu.memory_space<hbm>>
        tpu.wait_indirect_dma semaphore(%arg21 : memref<!tpu.dma_semaphore, #tpu.memory_space<semaphore_mem>>) src(%dma_wait3A_304 : memref<10000x64xbf16, #tpu.memory_space<hbm>>) dst(%arg13 : memref<80x64xbf16, #tpu.memory_space<vmem>>)
      } else {
      }
      %sub3A = arith.constant 2 : i32
      %sub3A_243 = arith.subi %add3A_232, %sub3A : i32
      %dma_wait3A_244 = arith.constant 0 : i32
      %dma_wait3A_245 = tpu.memref_slice %arg9[%sub3A_243, %dma_wait3A_244] : memref<250x80xi32, #tpu.memory_space<vmem>> -> memref<1x80xi32, #tpu.memory_space<vmem>>
      %dma_wait3A_246 = tpu.memref_squeeze %dma_wait3A_245 : memref<1x80xi32, #tpu.memory_space<vmem>> -> memref<80xi32, #tpu.memory_space<vmem>>
      %dma_wait3A_247 = arith.constant 0 : i32
      %dma_wait3A_248 = arith.constant 0 : i32
      %dma_wait3A_249 = tpu.memref_slice %arg18[%dma_wait3A_247, %dma_wait3A_248] : memref<10000x64xf32, #tpu.memory_space<vmem_shared>> -> memref<10000x64xf32, #tpu.memory_space<vmem_shared>>
      tpu.wait_indirect_dma semaphore(%arg23 : memref<!tpu.dma_semaphore, #tpu.memory_space<semaphore_mem>>) src(%arg15 : memref<80x64xf32, #tpu.memory_space<vmem>>) dst(%dma_wait3A_249 : memref<10000x64xf32, #tpu.memory_space<vmem_shared>>)
      %parallel_loop3A_250 = arith.constant 0 : i32
      %parallel_loop3A_251 = arith.constant 80 : i32
      %parallel_loop3A_252 = arith.constant 1 : i32
      scf.for %parallel_loop3A_299 = %parallel_loop3A_250 to %parallel_loop3A_251 step %parallel_loop3A_252  : i32 {
        %parallel_loop3A_300 = arith.constant 80 : i32
        %parallel_loop3A_301 = arith.muli %add3A_232, %parallel_loop3A_300 : i32
        %parallel_loop3A_302 = arith.addi %parallel_loop3A_301, %parallel_loop3A_299 : i32
        %parallel_loop3A_303 = vector.broadcast %parallel_loop3A_302 : i32 to vector<16xi32>
        %parallel_loop3A_304 = tpu.vector_load_idx %arg10[%parallel_loop3A_303] : memref<20000xf32, #tpu.memory_space<vmem>>[vector<16xi32>], vector<16xf32>,
        %parallel_loop3A_305 = arith.index_cast %parallel_loop3A_299 : i32 to index
        %parallel_loop3A_306 = arith.constant 0 : index
        %parallel_loop3A_307 = tpu.vector_load %arg13[%parallel_loop3A_305, %parallel_loop3A_306] {strides = array<i32>} : memref<80x64xbf16, #tpu.memory_space<vmem>>, vector<32xbf16>,
        %parallel_loop3A_308 = tpu.unpack_subelements %parallel_loop3A_307, 0 {pack_format = #tpu.pack_format<interleaved>} : vector<32xbf16> -> vector<16xf32>
        %parallel_loop3A_309 = tpu.unpack_subelements %parallel_loop3A_307, 1 {pack_format = #tpu.pack_format<interleaved>} : vector<32xbf16> -> vector<16xf32>
        %parallel_loop3A_310 = arith.mulf %parallel_loop3A_308, %parallel_loop3A_304 : vector<16xf32>
        %parallel_loop3A_311 = arith.index_cast %parallel_loop3A_299 : i32 to index
        %parallel_loop3A_312 = arith.constant 0 : index
        %parallel_loop3A_313 = tpu.vector_load %arg15[%parallel_loop3A_311, %parallel_loop3A_312] {strides = array<i32>} : memref<80x64xf32, #tpu.memory_space<vmem>>, vector<16xf32>,
        tpu.vector_store %arg15[%parallel_loop3A_311, %parallel_loop3A_312], %parallel_loop3A_310 {strides = array<i32>} : memref<80x64xf32, #tpu.memory_space<vmem>>, vector<16xf32>,
        %parallel_loop3A_314 = arith.mulf %parallel_loop3A_309, %parallel_loop3A_304 : vector<16xf32>
        %parallel_loop3A_315 = arith.index_cast %parallel_loop3A_299 : i32 to index
        %parallel_loop3A_316 = arith.constant 16 : index
        %parallel_loop3A_317 = tpu.vector_load %arg15[%parallel_loop3A_315, %parallel_loop3A_316] {strides = array<i32>} : memref<80x64xf32, #tpu.memory_space<vmem>>, vector<16xf32>,
        tpu.vector_store %arg15[%parallel_loop3A_315, %parallel_loop3A_316], %parallel_loop3A_314 {strides = array<i32>} : memref<80x64xf32, #tpu.memory_space<vmem>>, vector<16xf32>,
        %parallel_loop3A_318 = arith.index_cast %parallel_loop3A_299 : i32 to index
        %parallel_loop3A_319 = arith.constant 32 : index
        %parallel_loop3A_320 = tpu.vector_load %arg13[%parallel_loop3A_318, %parallel_loop3A_319] {strides = array<i32>} : memref<80x64xbf16, #tpu.memory_space<vmem>>, vector<32xbf16>,
        %parallel_loop3A_321 = tpu.unpack_subelements %parallel_loop3A_320, 0 {pack_format = #tpu.pack_format<interleaved>} : vector<32xbf16> -> vector<16xf32>
        %parallel_loop3A_322 = tpu.unpack_subelements %parallel_loop3A_320, 1 {pack_format = #tpu.pack_format<interleaved>} : vector<32xbf16> -> vector<16xf32>
        %parallel_loop3A_323 = arith.mulf %parallel_loop3A_321, %parallel_loop3A_304 : vector<16xf32>
        %parallel_loop3A_324 = arith.index_cast %parallel_loop3A_299 : i32 to index
        %parallel_loop3A_325 = arith.constant 32 : index
        %parallel_loop3A_326 = tpu.vector_load %arg15[%parallel_loop3A_324, %parallel_loop3A_325] {strides = array<i32>} : memref<80x64xf32, #tpu.memory_space<vmem>>, vector<16xf32>,
        tpu.vector_store %arg15[%parallel_loop3A_324, %parallel_loop3A_325], %parallel_loop3A_323 {strides = array<i32>} : memref<80x64xf32, #tpu.memory_space<vmem>>, vector<16xf32>,
        %parallel_loop3A_327 = arith.mulf %parallel_loop3A_322, %parallel_loop3A_304 : vector<16xf32>
        %parallel_loop3A_328 = arith.index_cast %parallel_loop3A_299 : i32 to index
        %parallel_loop3A_329 = arith.constant 48 : index
        %parallel_loop3A_330 = tpu.vector_load %arg15[%parallel_loop3A_328, %parallel_loop3A_329] {strides = array<i32>} : memref<80x64xf32, #tpu.memory_space<vmem>>, vector<16xf32>,
        tpu.vector_store %arg15[%parallel_loop3A_328, %parallel_loop3A_329], %parallel_loop3A_327 {strides = array<i32>} : memref<80x64xf32, #tpu.memory_space<vmem>>, vector<16xf32>,
      } {sc.loop_unroll_factor = 8 : i64, sc.parallel_access}
      %dma_start3A_253 = arith.constant 0 : i32
      %dma_start3A_254 = tpu.memref_slice %arg9[%add3A_232, %dma_start3A_253] : memref<250x80xi32, #tpu.memory_space<vmem>> -> memref<1x80xi32, #tpu.memory_space<vmem>>
      %dma_start3A_255 = tpu.memref_squeeze %dma_start3A_254 : memref<1x80xi32, #tpu.memory_space<vmem>> -> memref<80xi32, #tpu.memory_space<vmem>>
      %dma_start3A_256 = arith.constant 0 : i32
      %dma_start3A_257 = arith.constant 0 : i32
      %dma_start3A_258 = tpu.memref_slice %arg18[%dma_start3A_256, %dma_start3A_257] : memref<10000x64xf32, #tpu.memory_space<vmem_shared>> -> memref<10000x64xf32, #tpu.memory_space<vmem_shared>>
      tpu.enqueue_indirect_dma source(%arg15 : memref<80x64xf32, #tpu.memory_space<vmem>>) target(%dma_start3A_258 : memref<10000x64xf32, #tpu.memory_space<vmem_shared>>) offsets(%dma_start3A_255 : memref<80xi32, #tpu.memory_space<vmem>>) semaphore(%arg23 : memref<!tpu.dma_semaphore, #tpu.memory_space<semaphore_mem>>) {add = true}
      %lt3A = arith.constant 61 : i32
      %lt3A_259 = arith.cmpi slt, %scan3A_149, %lt3A : i32
      %convert_element_type3A_260 = arith.extui %lt3A_259 : i1 to i32
      %cond3A_261 = arith.constant 0 : i32
      %cond3A_262 = arith.cmpi ne, %convert_element_type3A_260, %cond3A_261 : i32
      scf.if %cond3A_262 {
        %add3A_299 = arith.constant 4 : i32
        %add3A_300 = arith.addi %add3A_232, %add3A_299 : i32
        %eq3A_301 = arith.constant 0 : i32
        %eq3A_302 = arith.cmpi eq, %arg0, %eq3A_301 : i32
        %convert_element_type3A_303 = arith.extui %eq3A_302 : i1 to i32
        %cond3A_304 = arith.constant 0 : i32
        %cond3A_305 = arith.cmpi ne, %convert_element_type3A_303, %cond3A_304 : i32
        scf.if %cond3A_305 {
          %dma_start3A_311 = arith.constant 0 : i32
          %dma_start3A_312 = tpu.memref_slice %arg8[%add3A_300, %dma_start3A_311] : memref<250x80xi32, #tpu.memory_space<vmem>> -> memref<1x80xi32, #tpu.memory_space<vmem>>
          %dma_start3A_313 = tpu.memref_squeeze %dma_start3A_312 : memref<1x80xi32, #tpu.memory_space<vmem>> -> memref<80xi32, #tpu.memory_space<vmem>>
          %dma_start3A_314 = arith.constant 0 : i32
          %dma_start3A_315 = arith.constant 0 : i32
          %dma_start3A_316 = tpu.memref_slice %arg2[%dma_start3A_314, %dma_start3A_315] : memref<10000x64xbf16, #tpu.memory_space<hbm>> -> memref<10000x64xbf16, #tpu.memory_space<hbm>>
          tpu.enqueue_indirect_dma source(%dma_start3A_316 : memref<10000x64xbf16, #tpu.memory_space<hbm>>) target(%arg13 : memref<80x64xbf16, #tpu.memory_space<vmem>>) offsets(%dma_start3A_313 : memref<80xi32, #tpu.memory_space<vmem>>) semaphore(%arg21 : memref<!tpu.dma_semaphore, #tpu.memory_space<semaphore_mem>>)
        } else {
        }
        %eq3A_306 = arith.constant 1 : i32
        %eq3A_307 = arith.cmpi eq, %arg0, %eq3A_306 : i32
        %convert_element_type3A_308 = arith.extui %eq3A_307 : i1 to i32
        %cond3A_309 = arith.constant 0 : i32
        %cond3A_310 = arith.cmpi ne, %convert_element_type3A_308, %cond3A_309 : i32
        scf.if %cond3A_310 {
          %dma_start3A_311 = arith.constant 0 : i32
          %dma_start3A_312 = tpu.memref_slice %arg8[%add3A_300, %dma_start3A_311] : memref<250x80xi32, #tpu.memory_space<vmem>> -> memref<1x80xi32, #tpu.memory_space<vmem>>
          %dma_start3A_313 = tpu.memref_squeeze %dma_start3A_312 : memref<1x80xi32, #tpu.memory_space<vmem>> -> memref<80xi32, #tpu.memory_space<vmem>>
          %dma_start3A_314 = arith.constant 0 : i32
          %dma_start3A_315 = arith.constant 0 : i32
          %dma_start3A_316 = tpu.memref_slice %arg3[%dma_start3A_314, %dma_start3A_315] : memref<10000x64xbf16, #tpu.memory_space<hbm>> -> memref<10000x64xbf16, #tpu.memory_space<hbm>>
          tpu.enqueue_indirect_dma source(%dma_start3A_316 : memref<10000x64xbf16, #tpu.memory_space<hbm>>) target(%arg13 : memref<80x64xbf16, #tpu.memory_space<vmem>>) offsets(%dma_start3A_313 : memref<80xi32, #tpu.memory_space<vmem>>) semaphore(%arg21 : memref<!tpu.dma_semaphore, #tpu.memory_space<semaphore_mem>>)
        } else {
        }
      } else {
      }
      %mul3A_263 = arith.constant 4 : i32
      %mul3A_264 = arith.muli %scan3A_149, %mul3A_263 : i32
      %add3A_265 = arith.constant 3 : i32
      %add3A_266 = arith.addi %mul3A_264, %add3A_265 : i32
      %eq3A_267 = arith.constant 0 : i32
      %eq3A_268 = arith.cmpi eq, %arg0, %eq3A_267 : i32
      %convert_element_type3A_269 = arith.extui %eq3A_268 : i1 to i32
      %cond3A_270 = arith.constant 0 : i32
      %cond3A_271 = arith.cmpi ne, %convert_element_type3A_269, %cond3A_270 : i32
      scf.if %cond3A_271 {
        %dma_wait3A_299 = arith.constant 0 : i32
        %dma_wait3A_300 = tpu.memref_slice %arg8[%add3A_266, %dma_wait3A_299] : memref<250x80xi32, #tpu.memory_space<vmem>> -> memref<1x80xi32, #tpu.memory_space<vmem>>
        %dma_wait3A_301 = tpu.memref_squeeze %dma_wait3A_300 : memref<1x80xi32, #tpu.memory_space<vmem>> -> memref<80xi32, #tpu.memory_space<vmem>>
        %dma_wait3A_302 = arith.constant 0 : i32
        %dma_wait3A_303 = arith.constant 0 : i32
        %dma_wait3A_304 = tpu.memref_slice %arg2[%dma_wait3A_302, %dma_wait3A_303] : memref<10000x64xbf16, #tpu.memory_space<hbm>> -> memref<10000x64xbf16, #tpu.memory_space<hbm>>
        tpu.wait_indirect_dma semaphore(%arg22 : memref<!tpu.dma_semaphore, #tpu.memory_space<semaphore_mem>>) src(%dma_wait3A_304 : memref<10000x64xbf16, #tpu.memory_space<hbm>>) dst(%arg14 : memref<80x64xbf16, #tpu.memory_space<vmem>>)
      } else {
      }
      %eq3A_272 = arith.constant 1 : i32
      %eq3A_273 = arith.cmpi eq, %arg0, %eq3A_272 : i32
      %convert_element_type3A_274 = arith.extui %eq3A_273 : i1 to i32
      %cond3A_275 = arith.constant 0 : i32
      %cond3A_276 = arith.cmpi ne, %convert_element_type3A_274, %cond3A_275 : i32
      scf.if %cond3A_276 {
        %dma_wait3A_299 = arith.constant 0 : i32
        %dma_wait3A_300 = tpu.memref_slice %arg8[%add3A_266, %dma_wait3A_299] : memref<250x80xi32, #tpu.memory_space<vmem>> -> memref<1x80xi32, #tpu.memory_space<vmem>>
        %dma_wait3A_301 = tpu.memref_squeeze %dma_wait3A_300 : memref<1x80xi32, #tpu.memory_space<vmem>> -> memref<80xi32, #tpu.memory_space<vmem>>
        %dma_wait3A_302 = arith.constant 0 : i32
        %dma_wait3A_303 = arith.constant 0 : i32
        %dma_wait3A_304 = tpu.memref_slice %arg3[%dma_wait3A_302, %dma_wait3A_303] : memref<10000x64xbf16, #tpu.memory_space<hbm>> -> memref<10000x64xbf16, #tpu.memory_space<hbm>>
        tpu.wait_indirect_dma semaphore(%arg22 : memref<!tpu.dma_semaphore, #tpu.memory_space<semaphore_mem>>) src(%dma_wait3A_304 : memref<10000x64xbf16, #tpu.memory_space<hbm>>) dst(%arg14 : memref<80x64xbf16, #tpu.memory_space<vmem>>)
      } else {
      }
      %sub3A_277 = arith.constant 2 : i32
      %sub3A_278 = arith.subi %add3A_266, %sub3A_277 : i32
      %dma_wait3A_279 = arith.constant 0 : i32
      %dma_wait3A_280 = tpu.memref_slice %arg9[%sub3A_278, %dma_wait3A_279] : memref<250x80xi32, #tpu.memory_space<vmem>> -> memref<1x80xi32, #tpu.memory_space<vmem>>
      %dma_wait3A_281 = tpu.memref_squeeze %dma_wait3A_280 : memref<1x80xi32, #tpu.memory_space<vmem>> -> memref<80xi32, #tpu.memory_space<vmem>>
      %dma_wait3A_282 = arith.constant 0 : i32
      %dma_wait3A_283 = arith.constant 0 : i32
      %dma_wait3A_284 = tpu.memref_slice %arg18[%dma_wait3A_282, %dma_wait3A_283] : memref<10000x64xf32, #tpu.memory_space<vmem_shared>> -> memref<10000x64xf32, #tpu.memory_space<vmem_shared>>
      tpu.wait_indirect_dma semaphore(%arg24 : memref<!tpu.dma_semaphore, #tpu.memory_space<semaphore_mem>>) src(%arg16 : memref<80x64xf32, #tpu.memory_space<vmem>>) dst(%dma_wait3A_284 : memref<10000x64xf32, #tpu.memory_space<vmem_shared>>)
      %parallel_loop3A_285 = arith.constant 0 : i32
      %parallel_loop3A_286 = arith.constant 80 : i32
      %parallel_loop3A_287 = arith.constant 1 : i32
      scf.for %parallel_loop3A_299 = %parallel_loop3A_285 to %parallel_loop3A_286 step %parallel_loop3A_287  : i32 {
        %parallel_loop3A_300 = arith.constant 80 : i32
        %parallel_loop3A_301 = arith.muli %add3A_266, %parallel_loop3A_300 : i32
        %parallel_loop3A_302 = arith.addi %parallel_loop3A_301, %parallel_loop3A_299 : i32
        %parallel_loop3A_303 = vector.broadcast %parallel_loop3A_302 : i32 to vector<16xi32>
        %parallel_loop3A_304 = tpu.vector_load_idx %arg10[%parallel_loop3A_303] : memref<20000xf32, #tpu.memory_space<vmem>>[vector<16xi32>], vector<16xf32>,
        %parallel_loop3A_305 = arith.index_cast %parallel_loop3A_299 : i32 to index
        %parallel_loop3A_306 = arith.constant 0 : index
        %parallel_loop3A_307 = tpu.vector_load %arg14[%parallel_loop3A_305, %parallel_loop3A_306] {strides = array<i32>} : memref<80x64xbf16, #tpu.memory_space<vmem>>, vector<32xbf16>,
        %parallel_loop3A_308 = tpu.unpack_subelements %parallel_loop3A_307, 0 {pack_format = #tpu.pack_format<interleaved>} : vector<32xbf16> -> vector<16xf32>
        %parallel_loop3A_309 = tpu.unpack_subelements %parallel_loop3A_307, 1 {pack_format = #tpu.pack_format<interleaved>} : vector<32xbf16> -> vector<16xf32>
        %parallel_loop3A_310 = arith.mulf %parallel_loop3A_308, %parallel_loop3A_304 : vector<16xf32>
        %parallel_loop3A_311 = arith.index_cast %parallel_loop3A_299 : i32 to index
        %parallel_loop3A_312 = arith.constant 0 : index
        %parallel_loop3A_313 = tpu.vector_load %arg16[%parallel_loop3A_311, %parallel_loop3A_312] {strides = array<i32>} : memref<80x64xf32, #tpu.memory_space<vmem>>, vector<16xf32>,
        tpu.vector_store %arg16[%parallel_loop3A_311, %parallel_loop3A_312], %parallel_loop3A_310 {strides = array<i32>} : memref<80x64xf32, #tpu.memory_space<vmem>>, vector<16xf32>,
        %parallel_loop3A_314 = arith.mulf %parallel_loop3A_309, %parallel_loop3A_304 : vector<16xf32>
        %parallel_loop3A_315 = arith.index_cast %parallel_loop3A_299 : i32 to index
        %parallel_loop3A_316 = arith.constant 16 : index
        %parallel_loop3A_317 = tpu.vector_load %arg16[%parallel_loop3A_315, %parallel_loop3A_316] {strides = array<i32>} : memref<80x64xf32, #tpu.memory_space<vmem>>, vector<16xf32>,
        tpu.vector_store %arg16[%parallel_loop3A_315, %parallel_loop3A_316], %parallel_loop3A_314 {strides = array<i32>} : memref<80x64xf32, #tpu.memory_space<vmem>>, vector<16xf32>,
        %parallel_loop3A_318 = arith.index_cast %parallel_loop3A_299 : i32 to index
        %parallel_loop3A_319 = arith.constant 32 : index
        %parallel_loop3A_320 = tpu.vector_load %arg14[%parallel_loop3A_318, %parallel_loop3A_319] {strides = array<i32>} : memref<80x64xbf16, #tpu.memory_space<vmem>>, vector<32xbf16>,
        %parallel_loop3A_321 = tpu.unpack_subelements %parallel_loop3A_320, 0 {pack_format = #tpu.pack_format<interleaved>} : vector<32xbf16> -> vector<16xf32>
        %parallel_loop3A_322 = tpu.unpack_subelements %parallel_loop3A_320, 1 {pack_format = #tpu.pack_format<interleaved>} : vector<32xbf16> -> vector<16xf32>
        %parallel_loop3A_323 = arith.mulf %parallel_loop3A_321, %parallel_loop3A_304 : vector<16xf32>
        %parallel_loop3A_324 = arith.index_cast %parallel_loop3A_299 : i32 to index
        %parallel_loop3A_325 = arith.constant 32 : index
        %parallel_loop3A_326 = tpu.vector_load %arg16[%parallel_loop3A_324, %parallel_loop3A_325] {strides = array<i32>} : memref<80x64xf32, #tpu.memory_space<vmem>>, vector<16xf32>,
        tpu.vector_store %arg16[%parallel_loop3A_324, %parallel_loop3A_325], %parallel_loop3A_323 {strides = array<i32>} : memref<80x64xf32, #tpu.memory_space<vmem>>, vector<16xf32>,
        %parallel_loop3A_327 = arith.mulf %parallel_loop3A_322, %parallel_loop3A_304 : vector<16xf32>
        %parallel_loop3A_328 = arith.index_cast %parallel_loop3A_299 : i32 to index
        %parallel_loop3A_329 = arith.constant 48 : index
        %parallel_loop3A_330 = tpu.vector_load %arg16[%parallel_loop3A_328, %parallel_loop3A_329] {strides = array<i32>} : memref<80x64xf32, #tpu.memory_space<vmem>>, vector<16xf32>,
        tpu.vector_store %arg16[%parallel_loop3A_328, %parallel_loop3A_329], %parallel_loop3A_327 {strides = array<i32>} : memref<80x64xf32, #tpu.memory_space<vmem>>, vector<16xf32>,
      } {sc.loop_unroll_factor = 8 : i64, sc.parallel_access}
      %dma_start3A_288 = arith.constant 0 : i32
      %dma_start3A_289 = tpu.memref_slice %arg9[%add3A_266, %dma_start3A_288] : memref<250x80xi32, #tpu.memory_space<vmem>> -> memref<1x80xi32, #tpu.memory_space<vmem>>
      %dma_start3A_290 = tpu.memref_squeeze %dma_start3A_289 : memref<1x80xi32, #tpu.memory_space<vmem>> -> memref<80xi32, #tpu.memory_space<vmem>>
      %dma_start3A_291 = arith.constant 0 : i32
      %dma_start3A_292 = arith.constant 0 : i32
      %dma_start3A_293 = tpu.memref_slice %arg18[%dma_start3A_291, %dma_start3A_292] : memref<10000x64xf32, #tpu.memory_space<vmem_shared>> -> memref<10000x64xf32, #tpu.memory_space<vmem_shared>>
      tpu.enqueue_indirect_dma source(%arg16 : memref<80x64xf32, #tpu.memory_space<vmem>>) target(%dma_start3A_293 : memref<10000x64xf32, #tpu.memory_space<vmem_shared>>) offsets(%dma_start3A_290 : memref<80xi32, #tpu.memory_space<vmem>>) semaphore(%arg24 : memref<!tpu.dma_semaphore, #tpu.memory_space<semaphore_mem>>) {add = true}
      %lt3A_294 = arith.constant 61 : i32
      %lt3A_295 = arith.cmpi slt, %scan3A_149, %lt3A_294 : i32
      %convert_element_type3A_296 = arith.extui %lt3A_295 : i1 to i32
      %cond3A_297 = arith.constant 0 : i32
      %cond3A_298 = arith.cmpi ne, %convert_element_type3A_296, %cond3A_297 : i32
      scf.if %cond3A_298 {
        %add3A_299 = arith.constant 4 : i32
        %add3A_300 = arith.addi %add3A_266, %add3A_299 : i32
        %eq3A_301 = arith.constant 0 : i32
        %eq3A_302 = arith.cmpi eq, %arg0, %eq3A_301 : i32
        %convert_element_type3A_303 = arith.extui %eq3A_302 : i1 to i32
        %cond3A_304 = arith.constant 0 : i32
        %cond3A_305 = arith.cmpi ne, %convert_element_type3A_303, %cond3A_304 : i32
        scf.if %cond3A_305 {
          %dma_start3A_311 = arith.constant 0 : i32
          %dma_start3A_312 = tpu.memref_slice %arg8[%add3A_300, %dma_start3A_311] : memref<250x80xi32, #tpu.memory_space<vmem>> -> memref<1x80xi32, #tpu.memory_space<vmem>>
          %dma_start3A_313 = tpu.memref_squeeze %dma_start3A_312 : memref<1x80xi32, #tpu.memory_space<vmem>> -> memref<80xi32, #tpu.memory_space<vmem>>
          %dma_start3A_314 = arith.constant 0 : i32
          %dma_start3A_315 = arith.constant 0 : i32
          %dma_start3A_316 = tpu.memref_slice %arg2[%dma_start3A_314, %dma_start3A_315] : memref<10000x64xbf16, #tpu.memory_space<hbm>> -> memref<10000x64xbf16, #tpu.memory_space<hbm>>
          tpu.enqueue_indirect_dma source(%dma_start3A_316 : memref<10000x64xbf16, #tpu.memory_space<hbm>>) target(%arg14 : memref<80x64xbf16, #tpu.memory_space<vmem>>) offsets(%dma_start3A_313 : memref<80xi32, #tpu.memory_space<vmem>>) semaphore(%arg22 : memref<!tpu.dma_semaphore, #tpu.memory_space<semaphore_mem>>)
        } else {
        }
        %eq3A_306 = arith.constant 1 : i32
        %eq3A_307 = arith.cmpi eq, %arg0, %eq3A_306 : i32
        %convert_element_type3A_308 = arith.extui %eq3A_307 : i1 to i32
        %cond3A_309 = arith.constant 0 : i32
        %cond3A_310 = arith.cmpi ne, %convert_element_type3A_308, %cond3A_309 : i32
        scf.if %cond3A_310 {
          %dma_start3A_311 = arith.constant 0 : i32
          %dma_start3A_312 = tpu.memref_slice %arg8[%add3A_300, %dma_start3A_311] : memref<250x80xi32, #tpu.memory_space<vmem>> -> memref<1x80xi32, #tpu.memory_space<vmem>>
          %dma_start3A_313 = tpu.memref_squeeze %dma_start3A_312 : memref<1x80xi32, #tpu.memory_space<vmem>> -> memref<80xi32, #tpu.memory_space<vmem>>
          %dma_start3A_314 = arith.constant 0 : i32
          %dma_start3A_315 = arith.constant 0 : i32
          %dma_start3A_316 = tpu.memref_slice %arg3[%dma_start3A_314, %dma_start3A_315] : memref<10000x64xbf16, #tpu.memory_space<hbm>> -> memref<10000x64xbf16, #tpu.memory_space<hbm>>
          tpu.enqueue_indirect_dma source(%dma_start3A_316 : memref<10000x64xbf16, #tpu.memory_space<hbm>>) target(%arg14 : memref<80x64xbf16, #tpu.memory_space<vmem>>) offsets(%dma_start3A_313 : memref<80xi32, #tpu.memory_space<vmem>>) semaphore(%arg22 : memref<!tpu.dma_semaphore, #tpu.memory_space<semaphore_mem>>)
        } else {
        }
      } else {
      }
    }
    %scan3A_70 = arith.constant 62 : i32
    %eq3A_71 = arith.constant 0 : i32
    %eq3A_72 = arith.cmpi eq, %arg0, %eq3A_71 : i32
    %convert_element_type3A_73 = arith.extui %eq3A_72 : i1 to i32
    %cond3A_74 = arith.constant 0 : i32
    %cond3A_75 = arith.cmpi ne, %convert_element_type3A_73, %cond3A_74 : i32
    scf.if %cond3A_75 {
      %dma_wait3A_149 = arith.constant 248 : i32
      %dma_wait3A_150 = arith.constant 0 : i32
      %dma_wait3A_151 = tpu.memref_slice %arg8[%dma_wait3A_149, %dma_wait3A_150] : memref<250x80xi32, #tpu.memory_space<vmem>> -> memref<1x80xi32, #tpu.memory_space<vmem>>
      %dma_wait3A_152 = tpu.memref_squeeze %dma_wait3A_151 : memref<1x80xi32, #tpu.memory_space<vmem>> -> memref<80xi32, #tpu.memory_space<vmem>>
      %dma_wait3A_153 = arith.constant 0 : i32
      %dma_wait3A_154 = arith.constant 0 : i32
      %dma_wait3A_155 = tpu.memref_slice %arg2[%dma_wait3A_153, %dma_wait3A_154] : memref<10000x64xbf16, #tpu.memory_space<hbm>> -> memref<10000x64xbf16, #tpu.memory_space<hbm>>
      tpu.wait_indirect_dma semaphore(%arg19 : memref<!tpu.dma_semaphore, #tpu.memory_space<semaphore_mem>>) src(%dma_wait3A_155 : memref<10000x64xbf16, #tpu.memory_space<hbm>>) dst(%arg11 : memref<80x64xbf16, #tpu.memory_space<vmem>>)
    } else {
    }
    %eq3A_76 = arith.constant 1 : i32
    %eq3A_77 = arith.cmpi eq, %arg0, %eq3A_76 : i32
    %convert_element_type3A_78 = arith.extui %eq3A_77 : i1 to i32
    %cond3A_79 = arith.constant 0 : i32
    %cond3A_80 = arith.cmpi ne, %convert_element_type3A_78, %cond3A_79 : i32
    scf.if %cond3A_80 {
      %dma_wait3A_149 = arith.constant 248 : i32
      %dma_wait3A_150 = arith.constant 0 : i32
      %dma_wait3A_151 = tpu.memref_slice %arg8[%dma_wait3A_149, %dma_wait3A_150] : memref<250x80xi32, #tpu.memory_space<vmem>> -> memref<1x80xi32, #tpu.memory_space<vmem>>
      %dma_wait3A_152 = tpu.memref_squeeze %dma_wait3A_151 : memref<1x80xi32, #tpu.memory_space<vmem>> -> memref<80xi32, #tpu.memory_space<vmem>>
      %dma_wait3A_153 = arith.constant 0 : i32
      %dma_wait3A_154 = arith.constant 0 : i32
      %dma_wait3A_155 = tpu.memref_slice %arg3[%dma_wait3A_153, %dma_wait3A_154] : memref<10000x64xbf16, #tpu.memory_space<hbm>> -> memref<10000x64xbf16, #tpu.memory_space<hbm>>
      tpu.wait_indirect_dma semaphore(%arg19 : memref<!tpu.dma_semaphore, #tpu.memory_space<semaphore_mem>>) src(%dma_wait3A_155 : memref<10000x64xbf16, #tpu.memory_space<hbm>>) dst(%arg11 : memref<80x64xbf16, #tpu.memory_space<vmem>>)
    } else {
    }
    %dma_wait3A = arith.constant 246 : i32
    %dma_wait3A_81 = arith.constant 0 : i32
    %dma_wait3A_82 = tpu.memref_slice %arg9[%dma_wait3A, %dma_wait3A_81] : memref<250x80xi32, #tpu.memory_space<vmem>> -> memref<1x80xi32, #tpu.memory_space<vmem>>
    %dma_wait3A_83 = tpu.memref_squeeze %dma_wait3A_82 : memref<1x80xi32, #tpu.memory_space<vmem>> -> memref<80xi32, #tpu.memory_space<vmem>>
    %dma_wait3A_84 = arith.constant 0 : i32
    %dma_wait3A_85 = arith.constant 0 : i32
    %dma_wait3A_86 = tpu.memref_slice %arg18[%dma_wait3A_84, %dma_wait3A_85] : memref<10000x64xf32, #tpu.memory_space<vmem_shared>> -> memref<10000x64xf32, #tpu.memory_space<vmem_shared>>
    tpu.wait_indirect_dma semaphore(%arg23 : memref<!tpu.dma_semaphore, #tpu.memory_space<semaphore_mem>>) src(%arg15 : memref<80x64xf32, #tpu.memory_space<vmem>>) dst(%dma_wait3A_86 : memref<10000x64xf32, #tpu.memory_space<vmem_shared>>)
    %parallel_loop3A_87 = arith.constant 0 : i32
    %parallel_loop3A_88 = arith.constant 80 : i32
    %parallel_loop3A_89 = arith.constant 1 : i32
    scf.for %parallel_loop3A_149 = %parallel_loop3A_87 to %parallel_loop3A_88 step %parallel_loop3A_89  : i32 {
      %parallel_loop3A_150 = arith.constant 19840 : i32
      %parallel_loop3A_151 = arith.addi %parallel_loop3A_150, %parallel_loop3A_149 : i32
      %parallel_loop3A_152 = vector.broadcast %parallel_loop3A_151 : i32 to vector<16xi32>
      %parallel_loop3A_153 = tpu.vector_load_idx %arg10[%parallel_loop3A_152] : memref<20000xf32, #tpu.memory_space<vmem>>[vector<16xi32>], vector<16xf32>,
      %parallel_loop3A_154 = arith.index_cast %parallel_loop3A_149 : i32 to index
      %parallel_loop3A_155 = arith.constant 0 : index
      %parallel_loop3A_156 = tpu.vector_load %arg11[%parallel_loop3A_154, %parallel_loop3A_155] {strides = array<i32>} : memref<80x64xbf16, #tpu.memory_space<vmem>>, vector<32xbf16>,
      %parallel_loop3A_157 = tpu.unpack_subelements %parallel_loop3A_156, 0 {pack_format = #tpu.pack_format<interleaved>} : vector<32xbf16> -> vector<16xf32>
      %parallel_loop3A_158 = tpu.unpack_subelements %parallel_loop3A_156, 1 {pack_format = #tpu.pack_format<interleaved>} : vector<32xbf16> -> vector<16xf32>
      %parallel_loop3A_159 = arith.mulf %parallel_loop3A_157, %parallel_loop3A_153 : vector<16xf32>
      %parallel_loop3A_160 = arith.index_cast %parallel_loop3A_149 : i32 to index
      %parallel_loop3A_161 = arith.constant 0 : index
      %parallel_loop3A_162 = tpu.vector_load %arg15[%parallel_loop3A_160, %parallel_loop3A_161] {strides = array<i32>} : memref<80x64xf32, #tpu.memory_space<vmem>>, vector<16xf32>,
      tpu.vector_store %arg15[%parallel_loop3A_160, %parallel_loop3A_161], %parallel_loop3A_159 {strides = array<i32>} : memref<80x64xf32, #tpu.memory_space<vmem>>, vector<16xf32>,
      %parallel_loop3A_163 = arith.mulf %parallel_loop3A_158, %parallel_loop3A_153 : vector<16xf32>
      %parallel_loop3A_164 = arith.index_cast %parallel_loop3A_149 : i32 to index
      %parallel_loop3A_165 = arith.constant 16 : index
      %parallel_loop3A_166 = tpu.vector_load %arg15[%parallel_loop3A_164, %parallel_loop3A_165] {strides = array<i32>} : memref<80x64xf32, #tpu.memory_space<vmem>>, vector<16xf32>,
      tpu.vector_store %arg15[%parallel_loop3A_164, %parallel_loop3A_165], %parallel_loop3A_163 {strides = array<i32>} : memref<80x64xf32, #tpu.memory_space<vmem>>, vector<16xf32>,
      %parallel_loop3A_167 = arith.index_cast %parallel_loop3A_149 : i32 to index
      %parallel_loop3A_168 = arith.constant 32 : index
      %parallel_loop3A_169 = tpu.vector_load %arg11[%parallel_loop3A_167, %parallel_loop3A_168] {strides = array<i32>} : memref<80x64xbf16, #tpu.memory_space<vmem>>, vector<32xbf16>,
      %parallel_loop3A_170 = tpu.unpack_subelements %parallel_loop3A_169, 0 {pack_format = #tpu.pack_format<interleaved>} : vector<32xbf16> -> vector<16xf32>
      %parallel_loop3A_171 = tpu.unpack_subelements %parallel_loop3A_169, 1 {pack_format = #tpu.pack_format<interleaved>} : vector<32xbf16> -> vector<16xf32>
      %parallel_loop3A_172 = arith.mulf %parallel_loop3A_170, %parallel_loop3A_153 : vector<16xf32>
      %parallel_loop3A_173 = arith.index_cast %parallel_loop3A_149 : i32 to index
      %parallel_loop3A_174 = arith.constant 32 : index
      %parallel_loop3A_175 = tpu.vector_load %arg15[%parallel_loop3A_173, %parallel_loop3A_174] {strides = array<i32>} : memref<80x64xf32, #tpu.memory_space<vmem>>, vector<16xf32>,
      tpu.vector_store %arg15[%parallel_loop3A_173, %parallel_loop3A_174], %parallel_loop3A_172 {strides = array<i32>} : memref<80x64xf32, #tpu.memory_space<vmem>>, vector<16xf32>,
      %parallel_loop3A_176 = arith.mulf %parallel_loop3A_171, %parallel_loop3A_153 : vector<16xf32>
      %parallel_loop3A_177 = arith.index_cast %parallel_loop3A_149 : i32 to index
      %parallel_loop3A_178 = arith.constant 48 : index
      %parallel_loop3A_179 = tpu.vector_load %arg15[%parallel_loop3A_177, %parallel_loop3A_178] {strides = array<i32>} : memref<80x64xf32, #tpu.memory_space<vmem>>, vector<16xf32>,
      tpu.vector_store %arg15[%parallel_loop3A_177, %parallel_loop3A_178], %parallel_loop3A_176 {strides = array<i32>} : memref<80x64xf32, #tpu.memory_space<vmem>>, vector<16xf32>,
    } {sc.loop_unroll_factor = 8 : i64, sc.parallel_access}
    %dma_start3A = arith.constant 248 : i32
    %dma_start3A_90 = arith.constant 0 : i32
    %dma_start3A_91 = tpu.memref_slice %arg9[%dma_start3A, %dma_start3A_90] : memref<250x80xi32, #tpu.memory_space<vmem>> -> memref<1x80xi32, #tpu.memory_space<vmem>>
    %dma_start3A_92 = tpu.memref_squeeze %dma_start3A_91 : memref<1x80xi32, #tpu.memory_space<vmem>> -> memref<80xi32, #tpu.memory_space<vmem>>
    %dma_start3A_93 = arith.constant 0 : i32
    %dma_start3A_94 = arith.constant 0 : i32
    %dma_start3A_95 = tpu.memref_slice %arg18[%dma_start3A_93, %dma_start3A_94] : memref<10000x64xf32, #tpu.memory_space<vmem_shared>> -> memref<10000x64xf32, #tpu.memory_space<vmem_shared>>
    tpu.enqueue_indirect_dma source(%arg15 : memref<80x64xf32, #tpu.memory_space<vmem>>) target(%dma_start3A_95 : memref<10000x64xf32, #tpu.memory_space<vmem_shared>>) offsets(%dma_start3A_92 : memref<80xi32, #tpu.memory_space<vmem>>) semaphore(%arg23 : memref<!tpu.dma_semaphore, #tpu.memory_space<semaphore_mem>>) {add = true}
    %eq3A_96 = arith.constant 0 : i32
    %eq3A_97 = arith.cmpi eq, %arg0, %eq3A_96 : i32
    %convert_element_type3A_98 = arith.extui %eq3A_97 : i1 to i32
    %cond3A_99 = arith.constant 0 : i32
    %cond3A_100 = arith.cmpi ne, %convert_element_type3A_98, %cond3A_99 : i32
    scf.if %cond3A_100 {
      %dma_wait3A_149 = arith.constant 249 : i32
      %dma_wait3A_150 = arith.constant 0 : i32
      %dma_wait3A_151 = tpu.memref_slice %arg8[%dma_wait3A_149, %dma_wait3A_150] : memref<250x80xi32, #tpu.memory_space<vmem>> -> memref<1x80xi32, #tpu.memory_space<vmem>>
      %dma_wait3A_152 = tpu.memref_squeeze %dma_wait3A_151 : memref<1x80xi32, #tpu.memory_space<vmem>> -> memref<80xi32, #tpu.memory_space<vmem>>
      %dma_wait3A_153 = arith.constant 0 : i32
      %dma_wait3A_154 = arith.constant 0 : i32
      %dma_wait3A_155 = tpu.memref_slice %arg2[%dma_wait3A_153, %dma_wait3A_154] : memref<10000x64xbf16, #tpu.memory_space<hbm>> -> memref<10000x64xbf16, #tpu.memory_space<hbm>>
      tpu.wait_indirect_dma semaphore(%arg20 : memref<!tpu.dma_semaphore, #tpu.memory_space<semaphore_mem>>) src(%dma_wait3A_155 : memref<10000x64xbf16, #tpu.memory_space<hbm>>) dst(%arg12 : memref<80x64xbf16, #tpu.memory_space<vmem>>)
    } else {
    }
    %eq3A_101 = arith.constant 1 : i32
    %eq3A_102 = arith.cmpi eq, %arg0, %eq3A_101 : i32
    %convert_element_type3A_103 = arith.extui %eq3A_102 : i1 to i32
    %cond3A_104 = arith.constant 0 : i32
    %cond3A_105 = arith.cmpi ne, %convert_element_type3A_103, %cond3A_104 : i32
    scf.if %cond3A_105 {
      %dma_wait3A_149 = arith.constant 249 : i32
      %dma_wait3A_150 = arith.constant 0 : i32
      %dma_wait3A_151 = tpu.memref_slice %arg8[%dma_wait3A_149, %dma_wait3A_150] : memref<250x80xi32, #tpu.memory_space<vmem>> -> memref<1x80xi32, #tpu.memory_space<vmem>>
      %dma_wait3A_152 = tpu.memref_squeeze %dma_wait3A_151 : memref<1x80xi32, #tpu.memory_space<vmem>> -> memref<80xi32, #tpu.memory_space<vmem>>
      %dma_wait3A_153 = arith.constant 0 : i32
      %dma_wait3A_154 = arith.constant 0 : i32
      %dma_wait3A_155 = tpu.memref_slice %arg3[%dma_wait3A_153, %dma_wait3A_154] : memref<10000x64xbf16, #tpu.memory_space<hbm>> -> memref<10000x64xbf16, #tpu.memory_space<hbm>>
      tpu.wait_indirect_dma semaphore(%arg20 : memref<!tpu.dma_semaphore, #tpu.memory_space<semaphore_mem>>) src(%dma_wait3A_155 : memref<10000x64xbf16, #tpu.memory_space<hbm>>) dst(%arg12 : memref<80x64xbf16, #tpu.memory_space<vmem>>)
    } else {
    }
    %dma_wait3A_106 = arith.constant 247 : i32
    %dma_wait3A_107 = arith.constant 0 : i32
    %dma_wait3A_108 = tpu.memref_slice %arg9[%dma_wait3A_106, %dma_wait3A_107] : memref<250x80xi32, #tpu.memory_space<vmem>> -> memref<1x80xi32, #tpu.memory_space<vmem>>
    %dma_wait3A_109 = tpu.memref_squeeze %dma_wait3A_108 : memref<1x80xi32, #tpu.memory_space<vmem>> -> memref<80xi32, #tpu.memory_space<vmem>>
    %dma_wait3A_110 = arith.constant 0 : i32
    %dma_wait3A_111 = arith.constant 0 : i32
    %dma_wait3A_112 = tpu.memref_slice %arg18[%dma_wait3A_110, %dma_wait3A_111] : memref<10000x64xf32, #tpu.memory_space<vmem_shared>> -> memref<10000x64xf32, #tpu.memory_space<vmem_shared>>
    tpu.wait_indirect_dma semaphore(%arg24 : memref<!tpu.dma_semaphore, #tpu.memory_space<semaphore_mem>>) src(%arg16 : memref<80x64xf32, #tpu.memory_space<vmem>>) dst(%dma_wait3A_112 : memref<10000x64xf32, #tpu.memory_space<vmem_shared>>)
    %parallel_loop3A_113 = arith.constant 0 : i32
    %parallel_loop3A_114 = arith.constant 80 : i32
    %parallel_loop3A_115 = arith.constant 1 : i32
    scf.for %parallel_loop3A_149 = %parallel_loop3A_113 to %parallel_loop3A_114 step %parallel_loop3A_115  : i32 {
      %parallel_loop3A_150 = arith.constant 19920 : i32
      %parallel_loop3A_151 = arith.addi %parallel_loop3A_150, %parallel_loop3A_149 : i32
      %parallel_loop3A_152 = vector.broadcast %parallel_loop3A_151 : i32 to vector<16xi32>
      %parallel_loop3A_153 = tpu.vector_load_idx %arg10[%parallel_loop3A_152] : memref<20000xf32, #tpu.memory_space<vmem>>[vector<16xi32>], vector<16xf32>,
      %parallel_loop3A_154 = arith.index_cast %parallel_loop3A_149 : i32 to index
      %parallel_loop3A_155 = arith.constant 0 : index
      %parallel_loop3A_156 = tpu.vector_load %arg12[%parallel_loop3A_154, %parallel_loop3A_155] {strides = array<i32>} : memref<80x64xbf16, #tpu.memory_space<vmem>>, vector<32xbf16>,
      %parallel_loop3A_157 = tpu.unpack_subelements %parallel_loop3A_156, 0 {pack_format = #tpu.pack_format<interleaved>} : vector<32xbf16> -> vector<16xf32>
      %parallel_loop3A_158 = tpu.unpack_subelements %parallel_loop3A_156, 1 {pack_format = #tpu.pack_format<interleaved>} : vector<32xbf16> -> vector<16xf32>
      %parallel_loop3A_159 = arith.mulf %parallel_loop3A_157, %parallel_loop3A_153 : vector<16xf32>
      %parallel_loop3A_160 = arith.index_cast %parallel_loop3A_149 : i32 to index
      %parallel_loop3A_161 = arith.constant 0 : index
      %parallel_loop3A_162 = tpu.vector_load %arg16[%parallel_loop3A_160, %parallel_loop3A_161] {strides = array<i32>} : memref<80x64xf32, #tpu.memory_space<vmem>>, vector<16xf32>,
      tpu.vector_store %arg16[%parallel_loop3A_160, %parallel_loop3A_161], %parallel_loop3A_159 {strides = array<i32>} : memref<80x64xf32, #tpu.memory_space<vmem>>, vector<16xf32>,
      %parallel_loop3A_163 = arith.mulf %parallel_loop3A_158, %parallel_loop3A_153 : vector<16xf32>
      %parallel_loop3A_164 = arith.index_cast %parallel_loop3A_149 : i32 to index
      %parallel_loop3A_165 = arith.constant 16 : index
      %parallel_loop3A_166 = tpu.vector_load %arg16[%parallel_loop3A_164, %parallel_loop3A_165] {strides = array<i32>} : memref<80x64xf32, #tpu.memory_space<vmem>>, vector<16xf32>,
      tpu.vector_store %arg16[%parallel_loop3A_164, %parallel_loop3A_165], %parallel_loop3A_163 {strides = array<i32>} : memref<80x64xf32, #tpu.memory_space<vmem>>, vector<16xf32>,
      %parallel_loop3A_167 = arith.index_cast %parallel_loop3A_149 : i32 to index
      %parallel_loop3A_168 = arith.constant 32 : index
      %parallel_loop3A_169 = tpu.vector_load %arg12[%parallel_loop3A_167, %parallel_loop3A_168] {strides = array<i32>} : memref<80x64xbf16, #tpu.memory_space<vmem>>, vector<32xbf16>,
      %parallel_loop3A_170 = tpu.unpack_subelements %parallel_loop3A_169, 0 {pack_format = #tpu.pack_format<interleaved>} : vector<32xbf16> -> vector<16xf32>
      %parallel_loop3A_171 = tpu.unpack_subelements %parallel_loop3A_169, 1 {pack_format = #tpu.pack_format<interleaved>} : vector<32xbf16> -> vector<16xf32>
      %parallel_loop3A_172 = arith.mulf %parallel_loop3A_170, %parallel_loop3A_153 : vector<16xf32>
      %parallel_loop3A_173 = arith.index_cast %parallel_loop3A_149 : i32 to index
      %parallel_loop3A_174 = arith.constant 32 : index
      %parallel_loop3A_175 = tpu.vector_load %arg16[%parallel_loop3A_173, %parallel_loop3A_174] {strides = array<i32>} : memref<80x64xf32, #tpu.memory_space<vmem>>, vector<16xf32>,
      tpu.vector_store %arg16[%parallel_loop3A_173, %parallel_loop3A_174], %parallel_loop3A_172 {strides = array<i32>} : memref<80x64xf32, #tpu.memory_space<vmem>>, vector<16xf32>,
      %parallel_loop3A_176 = arith.mulf %parallel_loop3A_171, %parallel_loop3A_153 : vector<16xf32>
      %parallel_loop3A_177 = arith.index_cast %parallel_loop3A_149 : i32 to index
      %parallel_loop3A_178 = arith.constant 48 : index
      %parallel_loop3A_179 = tpu.vector_load %arg16[%parallel_loop3A_177, %parallel_loop3A_178] {strides = array<i32>} : memref<80x64xf32, #tpu.memory_space<vmem>>, vector<16xf32>,
      tpu.vector_store %arg16[%parallel_loop3A_177, %parallel_loop3A_178], %parallel_loop3A_176 {strides = array<i32>} : memref<80x64xf32, #tpu.memory_space<vmem>>, vector<16xf32>,
    } {sc.loop_unroll_factor = 8 : i64, sc.parallel_access}
    %dma_start3A_116 = arith.constant 249 : i32
    %dma_start3A_117 = arith.constant 0 : i32
    %dma_start3A_118 = tpu.memref_slice %arg9[%dma_start3A_116, %dma_start3A_117] : memref<250x80xi32, #tpu.memory_space<vmem>> -> memref<1x80xi32, #tpu.memory_space<vmem>>
    %dma_start3A_119 = tpu.memref_squeeze %dma_start3A_118 : memref<1x80xi32, #tpu.memory_space<vmem>> -> memref<80xi32, #tpu.memory_space<vmem>>
    %dma_start3A_120 = arith.constant 0 : i32
    %dma_start3A_121 = arith.constant 0 : i32
    %dma_start3A_122 = tpu.memref_slice %arg18[%dma_start3A_120, %dma_start3A_121] : memref<10000x64xf32, #tpu.memory_space<vmem_shared>> -> memref<10000x64xf32, #tpu.memory_space<vmem_shared>>
    tpu.enqueue_indirect_dma source(%arg16 : memref<80x64xf32, #tpu.memory_space<vmem>>) target(%dma_start3A_122 : memref<10000x64xf32, #tpu.memory_space<vmem_shared>>) offsets(%dma_start3A_119 : memref<80xi32, #tpu.memory_space<vmem>>) semaphore(%arg24 : memref<!tpu.dma_semaphore, #tpu.memory_space<semaphore_mem>>) {add = true}
    %dma_wait3A_123 = arith.constant 248 : i32
    %dma_wait3A_124 = arith.constant 0 : i32
    %dma_wait3A_125 = tpu.memref_slice %arg9[%dma_wait3A_123, %dma_wait3A_124] : memref<250x80xi32, #tpu.memory_space<vmem>> -> memref<1x80xi32, #tpu.memory_space<vmem>>
    %dma_wait3A_126 = tpu.memref_squeeze %dma_wait3A_125 : memref<1x80xi32, #tpu.memory_space<vmem>> -> memref<80xi32, #tpu.memory_space<vmem>>
    %dma_wait3A_127 = arith.constant 0 : i32
    %dma_wait3A_128 = arith.constant 0 : i32
    %dma_wait3A_129 = tpu.memref_slice %arg18[%dma_wait3A_127, %dma_wait3A_128] : memref<10000x64xf32, #tpu.memory_space<vmem_shared>> -> memref<10000x64xf32, #tpu.memory_space<vmem_shared>>
    tpu.wait_indirect_dma semaphore(%arg23 : memref<!tpu.dma_semaphore, #tpu.memory_space<semaphore_mem>>) src(%arg15 : memref<80x64xf32, #tpu.memory_space<vmem>>) dst(%dma_wait3A_129 : memref<10000x64xf32, #tpu.memory_space<vmem_shared>>)
    %dma_wait3A_130 = arith.constant 249 : i32
    %dma_wait3A_131 = arith.constant 0 : i32
    %dma_wait3A_132 = tpu.memref_slice %arg9[%dma_wait3A_130, %dma_wait3A_131] : memref<250x80xi32, #tpu.memory_space<vmem>> -> memref<1x80xi32, #tpu.memory_space<vmem>>
    %dma_wait3A_133 = tpu.memref_squeeze %dma_wait3A_132 : memref<1x80xi32, #tpu.memory_space<vmem>> -> memref<80xi32, #tpu.memory_space<vmem>>
    %dma_wait3A_134 = arith.constant 0 : i32
    %dma_wait3A_135 = arith.constant 0 : i32
    %dma_wait3A_136 = tpu.memref_slice %arg18[%dma_wait3A_134, %dma_wait3A_135] : memref<10000x64xf32, #tpu.memory_space<vmem_shared>> -> memref<10000x64xf32, #tpu.memory_space<vmem_shared>>
    tpu.wait_indirect_dma semaphore(%arg24 : memref<!tpu.dma_semaphore, #tpu.memory_space<semaphore_mem>>) src(%arg16 : memref<80x64xf32, #tpu.memory_space<vmem>>) dst(%dma_wait3A_136 : memref<10000x64xf32, #tpu.memory_space<vmem_shared>>)
    %barrier3A_137 = arith.constant 0 : index
    tpu.barrier barrier_id(%barrier3A_137)
    %mul3A_138 = arith.constant 624 : i32
    %mul3A_139 = arith.muli %arg1, %mul3A_138 : i32
    %mul3A_140 = arith.constant 624 : i32
    %mul3A_141 = arith.muli %arg1, %mul3A_140 : i32
    %mul3A_142 = arith.constant 64 : i32
    %mul3A_143 = arith.muli %arg0, %mul3A_142 : i32
    "tpu.region"() ({
      %run_scoped3A = tpu.sem_alloc : memref<!tpu.dma_semaphore, #tpu.memory_space<semaphore_mem>>
      %dma_start3A_149 = tpu.memref_slice %arg7[%mul3A_141, %mul3A_143] : memref<10000x128xf32, #tpu.memory_space<hbm>> -> memref<624x64xf32, #tpu.memory_space<hbm>>
      %dma_start3A_150 = arith.constant 0 : i32
      %dma_start3A_151 = tpu.memref_slice %arg18[%mul3A_139, %dma_start3A_150] : memref<10000x64xf32, #tpu.memory_space<vmem_shared>> -> memref<624x64xf32, #tpu.memory_space<vmem_shared>>
      tpu.enqueue_dma source(%dma_start3A_151 : memref<624x64xf32, #tpu.memory_space<vmem_shared>>) target(%dma_start3A_149 : memref<624x64xf32, #tpu.memory_space<hbm>>) target_semaphore(%run_scoped3A : memref<!tpu.dma_semaphore, #tpu.memory_space<semaphore_mem>>)
      %dma_wait3A_152 = tpu.memref_slice %arg7[%mul3A_141, %mul3A_143] : memref<10000x128xf32, #tpu.memory_space<hbm>> -> memref<624x64xf32, #tpu.memory_space<hbm>>
      %dma_wait3A_153 = arith.constant 0 : i32
      %dma_wait3A_154 = tpu.memref_slice %arg18[%mul3A_139, %dma_wait3A_153] : memref<10000x64xf32, #tpu.memory_space<vmem_shared>> -> memref<624x64xf32, #tpu.memory_space<vmem_shared>>
      tpu.wait_dma2 semaphore(%run_scoped3A : memref<!tpu.dma_semaphore, #tpu.memory_space<semaphore_mem>>) src(%dma_wait3A_154 : memref<624x64xf32, #tpu.memory_space<vmem_shared>>) dst(%dma_wait3A_152 : memref<624x64xf32, #tpu.memory_space<hbm>>)
      tpu.yield
    }) : () -> ()
    %eq3A_144 = arith.constant 0 : i32
    %eq3A_145 = arith.cmpi eq, %arg1, %eq3A_144 : i32
    %convert_element_type3A_146 = arith.extui %eq3A_145 : i1 to i32
    %cond3A_147 = arith.constant 0 : i32
    %cond3A_148 = arith.cmpi ne, %convert_element_type3A_146, %cond3A_147 : i32
    scf.if %cond3A_148 {
      %mul3A_149 = arith.constant 64 : i32
      %mul3A_150 = arith.muli %arg0, %mul3A_149 : i32
      "tpu.region"() ({
        %run_scoped3A = tpu.sem_alloc : memref<!tpu.dma_semaphore, #tpu.memory_space<semaphore_mem>>
        %dma_start3A_151 = arith.constant 9984 : i32
        %dma_start3A_152 = tpu.memref_slice %arg7[%dma_start3A_151, %mul3A_150] : memref<10000x128xf32, #tpu.memory_space<hbm>> -> memref<16x64xf32, #tpu.memory_space<hbm>>
        %dma_start3A_153 = arith.constant 9984 : i32
        %dma_start3A_154 = arith.constant 0 : i32
        %dma_start3A_155 = tpu.memref_slice %arg18[%dma_start3A_153, %dma_start3A_154] : memref<10000x64xf32, #tpu.memory_space<vmem_shared>> -> memref<16x64xf32, #tpu.memory_space<vmem_shared>>
        tpu.enqueue_dma source(%dma_start3A_155 : memref<16x64xf32, #tpu.memory_space<vmem_shared>>) target(%dma_start3A_152 : memref<16x64xf32, #tpu.memory_space<hbm>>) target_semaphore(%run_scoped3A : memref<!tpu.dma_semaphore, #tpu.memory_space<semaphore_mem>>)
        %dma_wait3A_156 = arith.constant 9984 : i32
        %dma_wait3A_157 = tpu.memref_slice %arg7[%dma_wait3A_156, %mul3A_150] : memref<10000x128xf32, #tpu.memory_space<hbm>> -> memref<16x64xf32, #tpu.memory_space<hbm>>
        %dma_wait3A_158 = arith.constant 9984 : i32
        %dma_wait3A_159 = arith.constant 0 : i32
        %dma_wait3A_160 = tpu.memref_slice %arg18[%dma_wait3A_158, %dma_wait3A_159] : memref<10000x64xf32, #tpu.memory_space<vmem_shared>> -> memref<16x64xf32, #tpu.memory_space<vmem_shared>>
        tpu.wait_dma2 semaphore(%run_scoped3A : memref<!tpu.dma_semaphore, #tpu.memory_space<semaphore_mem>>) src(%dma_wait3A_160 : memref<16x64xf32, #tpu.memory_space<vmem_shared>>) dst(%dma_wait3A_157 : memref<16x64xf32, #tpu.memory_space<hbm>>)
        tpu.yield
      }) : () -> ()
    } else {
    }
    return
  }
}

module attributes {stable_mosaic.version = 14 : i64} {
  func.func @_tc_body(%arg0: i32, %arg1: memref<1000x128xf32, #tpu.memory_space<vmem>>, %arg2: memref<128x128xf32, #tpu.memory_space<vmem>>, %arg3: memref<1x128xf32, #tpu.memory_space<vmem>>, %arg4: memref<1000x64xbf16, #tpu.memory_space<vmem>>, %arg5: memref<1000x64xbf16, #tpu.memory_space<vmem>>) attributes {dimension_semantics = [#tpu.dimension_semantics<arbitrary>], iteration_bounds = array<i64: 10>, scalar_prefetch = 0 : i64, scratch_operands = 0 : i64, tpu.core_type = #tpu.core_type<tc>, window_params = [{transform_indices = @transform_0, window_bounds = array<i64: 1000, 128>}, {pipeline_mode = #tpu.pipeline_mode<synchronous>, transform_indices = @transform_1, window_bounds = array<i64: 128, 128>}, {pipeline_mode = #tpu.pipeline_mode<synchronous>, transform_indices = @transform_2, window_bounds = array<i64: 1, 128>}, {transform_indices = @transform_3, window_bounds = array<i64: 1000, 64>}, {transform_indices = @transform_4, window_bounds = array<i64: 1000, 64>}]} {
    %get3A = arith.constant 0 : index
    %get3A_0 = arith.constant 0 : index
    %get3A_1 = vector.load %arg1[%get3A, %get3A_0] : memref<1000x128xf32, #tpu.memory_space<vmem>>, vector<1000x128xf32>
    %get3A_2 = arith.constant 0 : index
    %get3A_3 = arith.constant 0 : index
    %get3A_4 = vector.load %arg2[%get3A_2, %get3A_3] : memref<128x128xf32, #tpu.memory_space<vmem>>, vector<128x128xf32>
    %dot_general3A = arith.constant dense<0.000000e+00> : vector<1000x128xf32>
    %dot_general3A_5 = tpu.matmul %get3A_1, %get3A_4, %dot_general3A {dimension_numbers = #tpu.dot_dimension_numbers<[1], [0], [0], [1], [0, 0, 1, 1], [], []>, transpose_lhs_hint = false} : vector<1000x128xf32>, vector<128x128xf32>, vector<1000x128xf32> -> vector<1000x128xf32>
    %get3A_6 = arith.constant 0 : index
    %get3A_7 = arith.constant 0 : index
    %get3A_8 = vector.load %arg3[%get3A_6, %get3A_7] : memref<1x128xf32, #tpu.memory_space<vmem>>, vector<1x128xf32>
    %add3A = vector.broadcast %get3A_8 : vector<1x128xf32> to vector<1000x128xf32>
    %add3A_9 = arith.addf %dot_general3A_5, %add3A : vector<1000x128xf32>
    %slice3A = vector.extract_strided_slice %add3A_9 {offsets = [0, 0], sizes = [1000, 64], strides = [1, 1]} : vector<1000x128xf32> to vector<1000x64xf32>
    %convert_element_type3A = arith.truncf %slice3A : vector<1000x64xf32> to vector<1000x64xbf16>
    %swap3A = arith.constant 0 : index
    %swap3A_10 = arith.constant 0 : index
    %swap3A_11 = vector.load %arg4[%swap3A, %swap3A_10] : memref<1000x64xbf16, #tpu.memory_space<vmem>>, vector<1000x64xbf16>
    tpu.vector_store %arg4[%swap3A, %swap3A_10], %convert_element_type3A {strides = array<i32>} : memref<1000x64xbf16, #tpu.memory_space<vmem>>, vector<1000x64xbf16>,
    %slice3A_12 = vector.extract_strided_slice %add3A_9 {offsets = [0, 64], sizes = [1000, 64], strides = [1, 1]} : vector<1000x128xf32> to vector<1000x64xf32>
    %convert_element_type3A_13 = arith.truncf %slice3A_12 : vector<1000x64xf32> to vector<1000x64xbf16>
    %swap3A_14 = arith.constant 0 : index
    %swap3A_15 = arith.constant 0 : index
    %swap3A_16 = vector.load %arg5[%swap3A_14, %swap3A_15] : memref<1000x64xbf16, #tpu.memory_space<vmem>>, vector<1000x64xbf16>
    tpu.vector_store %arg5[%swap3A_14, %swap3A_15], %convert_element_type3A_13 {strides = array<i32>} : memref<1000x64xbf16, #tpu.memory_space<vmem>>, vector<1000x64xbf16>,
    return
  }
  func.func @transform_0(%arg0: i32) -> (i32, i32) {
    %c0_i32 = arith.constant 0 : i32
    %c0_i32_0 = arith.constant 0 : i32
    return %arg0, %c0_i32 : i32, i32
  }
  func.func @transform_1(%arg0: i32) -> (i32, i32) {
    %c0_i32 = arith.constant 0 : i32
    %c0_i32_0 = arith.constant 0 : i32
    %c0_i32_1 = arith.constant 0 : i32
    return %c0_i32, %c0_i32_0 : i32, i32
  }
  func.func @transform_2(%arg0: i32) -> (i32, i32) {
    %c0_i32 = arith.constant 0 : i32
    %c0_i32_0 = arith.constant 0 : i32
    %c0_i32_1 = arith.constant 0 : i32
    return %c0_i32, %c0_i32_0 : i32, i32
  }
  func.func @transform_3(%arg0: i32) -> (i32, i32) {
    %c0_i32 = arith.constant 0 : i32
    %c0_i32_0 = arith.constant 0 : i32
    return %arg0, %c0_i32 : i32, i32
  }
  func.func @transform_4(%arg0: i32) -> (i32, i32) {
    %c0_i32 = arith.constant 0 : i32
    %c0_i32_0 = arith.constant 0 : i32
    return %arg0, %c0_i32 : i32, i32
  }
}

</mosaic_0001>

<sc_bundles>
// kernel: kernel.4.cloned.1.call-start
scs
__scs_entry_jumppad:
0x0: {  	(pc) =	sbr.rel $0x88, $3  }
0x1: {  	(tag) =	ssettag $0x0;
	lr =	simm.s32 $0x1  }
0x2: {  	[smem:$0x3F9C] =	sst lr;
	_ =	strace $0xD0000000  }
0x3: {  	_ = 	snop  }
0x4: {  	_ = 	snop  }
0x5: {  	_ = 	snop  }
0x6: {  	_ = 	snop  }
0x7: {  	_ = 	snop  }
__scs_overlays_trampoline_lowered:
0x8: {  	[smem:$0x3FAB] =	sst s0  }
0x9: {  	[smem:$0x3FAC] =	sst s1  }
0xa: {  	[smem:$0x3FAD] =	sst s2  }
0xb: {  	[smem:$0x3FAE] =	sst s3  }
0xc: {  	[smem:$0x3FAF] =	sst s4  }
0xd: {  	[smem:$0x3FB0] =	sst s5  }
0xe: {  	[smem:$0x3FB1] =	sst s6  }
0xf: {  	[smem:$0x3FB2] =	sst s7  }
0x10: {  	[smem:$0x3FB3] =	sst s8  }
0x11: {  	[smem:$0x3FB4] =	sst s9;
	s0 =	simm.s32 @!p0 $0x0  }
0x12: {  	s1 =	sld [smem:$0x3F9A];
	s0 =	simm.s32 @p0 $0x1  }
0x13: {  	[smem:$0x3FB5] =	sst s0;
	s0 =	simm.s32 @!p1 $0x0  }
0x14: {  	s2 =	sld [smem:$0x3F99];
	s0 =	simm.s32 @p1 $0x1  }
0x15: {  	[smem:$0x3FB6] =	sst s0;
	s0 =	simm.s32 @!p2 $0x0  }
0x16: {  	s3 =	sld [smem:$0x3FDB];
	s0 =	simm.s32 @p2 $0x1  }
0x17: {  	s4 =	simm.s32 $0x1BF5;
	[smem:$0x3FB8] =	sst s0  }
0x18: {  	s0 =	sld [smem:$0x3F9B];
	_ =	swait.ge [sflag:s4], $0x0  }
0x19: {  	s7 =	sld [smem:$0x3F9C]  }
0x1a: {  	s8 =	sadd.s32 $0xFFFFE003, lr  }
0x1b: {  	s9 =	sadd.s32 $0xFFFFFEF7, lr;
	s5 =	simm.s32 $0xFFFFFFFF;
	p2 =	slt.u32 s8, $0xFFFFF086  }
0x1c: {  	p1 =	slt.u32 s9, $0xF7A;
	s5 =	simm.s32 @!p2 $0x0  }
0x1d: {  	s5 =	simm.s32 @p1 $0x1;
	p0 =	seq.s32 s7, s2  }
0x1e: {  	s7 =	smul.u32 @!p0 $0xF7A, s2;
	p2 =	seq.s32 @!p0 s5, $0x0  }
0x1f: {  	s9 =	smul.u32 $0xF7A, s1;
	s8 =	simm.s32 @!p0 $0x1BF5;
	p2 =	por !p2, p0  }
0x20: {  	[sflag:s8] =	ssyncset.s32 @!p0 $0xFFFFF086;
	s6 =	sadd.s32 @!p0 s3, s7;
	s7 =	simm.s32 @!p0 $0x108  }
0x21: {  	s3 =	sadd.s32 s3, s9;
	s6 =	sadd.s32 @!p0 $0x88, s6;
	s7 =	simm.s32 @p2 $0x1082  }
0x22: {  	[simem:s7], [sflag:s8] =	dma.local @!p0 [hbm:s6], $0xF7A  }
0x23: {  	s9 =	sor.u32 $0xD0000000, s2;
	s6 =	simm.s32 $0x108;
	_ =	swait.ge @!p0 [sflag:s8], $0x0  }
0x24: {  	s3 =	sadd.s32 $0x88, s3;
	s6 =	simm.s32 @!p1 $0x1082;
	[sflag:s4] =	ssyncset.s32 $0xFFFFF086  }
0x25: {  	[simem:s6], [sflag:s4] =	dma.local [hbm:s3], $0xF7A  }
0x26: {  	[smem:$0x3F9C] =	sst s1;
	(tag) =	ssettag s2;
	_ =	strace s9  }
0x27: {  	s1 =	sld [smem:$0x3FAC]  }
0x28: {  	s2 =	sld [smem:$0x3FAD]  }
0x29: {  	s4 =	sld [smem:$0x3FAF]  }
0x2a: {  	p0 =	seq.s32 s5, $0x0;
	s5 =	sld [smem:$0x3FB0]  }
0x2b: {  	s6 =	sld [smem:$0x3FB1]  }
0x2c: {  	s7 =	sld [smem:$0x3FB2]  }
0x2d: {  	s3 =	simm.s32 $0x108;
	s8 =	sld [smem:$0x3FB3]  }
0x2e: {  	s3 =	simm.s32 @!p0 $0x1082;
	s9 =	sld [smem:$0x3FB4]  }
0x2f: {  	lr =	sadd.s32 s0, s3;
	s0 =	sld [smem:$0x3FAB]  }
0x30: {  	s3 =	sld [smem:$0x3FAE]  }
0x31: {  	[smem:$0x3FB7] =	sst s10  }
0x32: {  	s10 =	sld [smem:$0x3FB5];
	_ =	sdelay $0x3  }
0x33: {  	p0 =	seq.s32 s10, $0x1;
	s10 =	sld [smem:$0x3FB7];
	_ =	sdelay $0x3  }
0x34: {  	[smem:$0x3FB7] =	sst s10  }
0x35: {  	s10 =	sld [smem:$0x3FB6];
	_ =	sdelay $0x3  }
0x36: {  	p1 =	seq.s32 s10, $0x1;
	s10 =	sld [smem:$0x3FB7];
	_ =	sdelay $0x3  }
0x37: {  	[smem:$0x3FB7] =	sst s10  }
0x38: {  	s10 =	sld [smem:$0x3FB8]  }
0x39: {  	_ = 	snop;
	(pc) =	sbr.ind lr, $3  }
0x3a: {  	_ = 	snop  }
0x3b: {  	_ = 	snop  }
0x3c: {  	p2 =	seq.s32 s10, $0x1;
	s10 =	sld [smem:$0x3FB7]  }
0x3d: {  	_ =	shalt  }
0x3e: {  	_ =	shalt  }
0x3f: {  	_ =	shalt  }
0x40: {  	_ =	shalt  }
0x41: {  	_ =	shalt  }
0x42: {  	_ =	shalt  }
0x43: {  	_ =	shalt  }
0x44: {  	_ =	shalt  }
0x45: {  	_ =	shalt  }
0x46: {  	_ =	shalt  }
0x47: {  	_ =	shalt  }
0x48: {  	_ =	shalt  }
0x49: {  	_ =	shalt  }
0x4a: {  	_ =	shalt  }
0x4b: {  	_ =	shalt  }
0x4c: {  	_ =	shalt  }
0x4d: {  	_ =	shalt  }
0x4e: {  	_ =	shalt  }
0x4f: {  	_ =	shalt  }
0x50: {  	_ =	shalt  }
0x51: {  	_ =	shalt  }
0x52: {  	_ =	shalt  }
0x53: {  	_ =	shalt  }
0x54: {  	_ =	shalt  }
0x55: {  	_ =	shalt  }
0x56: {  	_ =	shalt  }
0x57: {  	_ =	shalt  }
0x58: {  	_ =	shalt  }
0x59: {  	_ =	shalt  }
0x5a: {  	_ =	shalt  }
0x5b: {  	_ =	shalt  }
0x5c: {  	_ =	shalt  }
0x5d: {  	_ =	shalt  }
0x5e: {  	_ =	shalt  }
0x5f: {  	_ =	shalt  }
0x60: {  	_ =	shalt  }
0x61: {  	_ =	shalt  }
0x62: {  	_ =	shalt  }
0x63: {  	_ =	shalt  }
0x64: {  	_ =	shalt  }
0x65: {  	_ =	shalt  }
0x66: {  	_ =	shalt  }
0x67: {  	_ =	shalt  }
0x68: {  	_ =	shalt  }
0x69: {  	_ =	shalt  }
0x6a: {  	_ =	shalt  }
0x6b: {  	_ =	shalt  }
0x6c: {  	_ =	shalt  }
0x6d: {  	_ =	shalt  }
0x6e: {  	_ =	shalt  }
0x6f: {  	_ =	shalt  }
0x70: {  	_ =	shalt  }
0x71: {  	_ =	shalt  }
0x72: {  	_ =	shalt  }
0x73: {  	_ =	shalt  }
0x74: {  	_ =	shalt  }
0x75: {  	_ =	shalt  }
0x76: {  	_ =	shalt  }
0x77: {  	_ =	shalt  }
0x78: {  	_ =	shalt  }
0x79: {  	_ =	shalt  }
0x7a: {  	_ =	shalt  }
0x7b: {  	_ =	shalt  }
0x7c: {  	_ =	shalt  }
0x7d: {  	_ =	shalt  }
0x7e: {  	_ =	shalt  }
0x7f: {  	_ =	shalt  }
0x80: {  	_ =	shalt  }
0x81: {  	_ =	shalt  }
0x82: {  	_ =	shalt  }
0x83: {  	_ =	shalt  }
0x84: {  	_ =	shalt  }
0x85: {  	_ =	shalt  }
0x86: {  	_ =	shalt  }
0x87: {  	_ =	shalt  }
.Lfunc_end0:
.L_simem_size_0:
called_computation_lowered:
.L_overlay_start_0:
0x88: {  	s2 =	sld [smem:$0x3FD9]  }
0x89: {  	s3 =	sld [smem:$0x3FFE];
	_ =	sdelay $0x1  }
0x8a: {  	s1 =	srdreg.scid  }
0x8b: {  	s0 =	sand.u32 $0x1, s1  }
0x8c: {  	s17 =	sshll.u32 s0, $0xA;
	s2 =	sadd.s32 s3, s2  }
0x8d: {  	s2 =	sadd.s32 s2, s17  }
0x8e: {  	[smem:$0x3FC3] =	sst s2  }
0x8f: {  	_ = 	snop  }
0x90: {  	s2 =	sld [smem:$0x3FC7]  }
0x91: {  	s18 =	sld [smem:$0x3FD0];
	(tm) =	ssettm $0x1  }
0x92: {  	s4 =	sld [smem:$0x3FFB];
	_ =	sdelay $0x3  }
0x93: {  	_ =	strace s4  }
0x94: {  	s4 =	sld [smem:$0x3FFC];
	_ =	sdelay $0x3  }
0x95: {  	_ =	strace s4  }
0x96: {  	s4 =	sld [smem:$0x3FFD];
	_ =	sdelay $0x3  }
0x97: {  	_ =	strace s4  }
0x98: {  	_ =	strace $0x8FFFFFFF  }
0x99: {  	s19 =	sld [smem:$0x3FDB];
	_ =	sdelay $0x1  }
0x9a: {  	s5 =	simm.s32 $_scs_section_size  }
0x9b: {  	s6 =	simm.s32 $_size__tile_overlayer_lowered;
	s7 =	simm.s32 $_tile_overlayer_lowered  }
0x9c: {  	s22 =	simm.s32 $0x1BFF;
	s21 =	sshll.u32 s7, $0x1;
	s4 =	sadd.s32 s5, s19  }
0x9d: {  	s8 =	simm.s32 $0x0;
	s20 =	sshll.u32 s6, $0x1;
	s6 =	sadd.s32 s21, s4  }
0x9e: {  	[timem:s8], [sflag:s22] =	dma.local [hbm:s6], s20  }
0x9f: {  	_ =	swait.ge [sflag:s22], s20  }
0xa0: {  	s5 =	ssub.s32 $0x0, s20;
	[sflag:s22] =	ssyncset.done $0x0  }
0xa1: {  	[sflag:s22] =	ssyncadd.s32 s5;
	_ =	sdelay $0x1  }
0xa2: {  	s23 =	simm.s32 $0x1B8B  }
0xa3: {  	_ =	swait.ge [sflag:s23], $0x1  }
0xa4: {  	[sflag:s23] =	ssyncset.done $0x0  }
0xa5: {  	s25 =	simm.s32 $0x1B8E;
	s24 =	sld [smem:$0x3FFE];
	[sflag:s23] =	ssyncadd.s32 $0xFFFFFFFF  }
0xa6: {  	s26 =	simm.s32 $execute0_lowered;
	[smem:$0x3FD2] =	sst s25  }
0xa7: {  	s6 =	sshll.u32 s26, $0x1;
	_ =	strace $0x80000046;
	[dreg:$0x1] =	wrdreg $0xFFFFFFFF  }
0xa8: {  	s28 =	simm.s32 $_size_execute0_lowered;
	s4 =	sadd.s32 s4, s6;
	[dreg:$0x0] =	wrdreg $0x0  }
0xa9: {  	s6 =	sshll.u32 s28, $0x1;
	[dreg:$0x2] =	wrdreg s4  }
0xaa: {  	[dreg:$0x3] =	wrdreg s6  }
0xab: {  	[dreg:$0x4] =	wrdreg $0xC0  }
0xac: {  	_ =	task [dreg:s8], $0x5FFFF  }
0xad: {  	[dreg:$0x1] =	wrdreg $0xFFFFFFFF  }
0xae: {  	[dreg:$0x0] =	wrdreg $0x60  }
0xaf: {  	[dreg:$0x2] =	wrdreg s24  }
0xb0: {  	[dreg:$0x3] =	wrdreg s2  }
0xb1: {  	[dreg:$0x4] =	wrdreg s18  }
0xb2: {  	[dreg:$0x5] =	wrdreg $0x154600  }
0xb3: {  	[dreg:$0x6] =	wrdreg $0x9  }
0xb4: {  	_ =	task.clear_ibuf [dreg:s8], $0x7FFFF;
	_ =	strace $0x90000046  }
0xb5: {  	s29 =	simm.s32 $0x9;
	_ =	strace $0x80000048  }
0xb6: {  	_ =	swait.ge [sflag:s29], $0x1  }
0xb7: {  	[sflag:s29] =	ssyncadd.s32 $0xFFFFFFFF  }
0xb8: {  	_ =	strace $0x90000048  }
0xb9: {  	_ =	sfence  }
0xba: {  	s30 =	sld [smem:$0x0];
	_ =	sdelay $0x2  }
0xbb: {  	s31 =	sshll.u32 s1, $0xD;
	s1 =	sshrl.u32 s1, $0x2  }
0xbc: {  	s3 =	sand.u32 $0x4000, s31;
	s1 =	sadd.s32 s1, s30  }
0xbd: {  	s0 =	sor.u32 s3, s0;
	s1 =	sshll.u32 s1, $0x11  }
0xbe: {  	s0 =	sor.u32 s1, s0  }
0xbf: {  	s0 =	sadd.s32 $0x8F2B, s0  }
0xc0: {  	[sflag:s0] =	ssyncadd.remote.s32 $0x1  }
0xc1: {  	_ =	sfence.sel $0xFFFF  }
0xc2: {  	[dreg:$0x0] =	wrdreg $0xFFFFFFFF;
	(pc) =	sbr.abs _section_cstart, $3  }
0xc3: {  	[dreg:$0x1] =	wrdreg $0xFFFFFFFF  }
0xc4: {  	_ =	task.clear_ibuf [dreg:s8], $0x2FFFF;
	_ =	strace $0x9FFFFFFF  }
0xc5: {  	(tm) =	ssettm $0x7FFFFFFF  }
tec
execute0_lowered:
.L_overlay_start_1:
0x0: {  	(tag) =	ssettag $0x1  }
0x1: {  	s0 =	rddreg [dreg:$0x0]  }
0x2: {  	s2 =	rddreg [dreg:$0x1]  }
0x3: {  	s3 =	rddreg [dreg:$0x2]  }
0x4: {  	s1 =	rddreg [dreg:$0x3]  }
0x5: {  	s10 =	stileid.u32;
	s4 =	srdreg.scid  }
0x6: {  	s6 =	simm.s32 $0x0;
	s12 =	simm.s32 $0x7;
	s29 =	simm.s32 $0x10860  }
0x7: {  	s30 =	simm.s32 $0x1;
	s31 =	simm.s32 $0x11260;
	s5 =	smul.u32 $0x9C4, s10  }
0x8: {  	s28 =	simm.s32 $0x4;
	s4 =	sand.u32 $0x1, s4;
	s7 =	smul.u32 $0x27000, s10  }
0x9: {  	[smem:$0x7FF] =	sst s6;
	s22 =	smul.u32 $0x13800, s10;
	s11 =	sadd.s32 $0x9C000, s1  }
0xa: {  	s14 =	ssub.s32 $0x2, s4;
	_ =	strace $0x80000047;
	s24 =	sshll.u32 s4, $0x6  }
0xb: {  	p0 =	seq.s32 s4, $0x0;
	s4 =	sshll.u32 s4, $0x3;
	[dreg:$0xe] =	wrdreg s11  }
0xc: {  	s8 =	sshrl.u32 s14, $0x1;
	s9 =	sadd.s32 s5, s0;
	s15 =	sshrl.u32 s7, $0x2  }
0xd: {  	s2 =	sadd.s32 s2, s5;
	s4 =	sadd.s32 s4, s3;
	s5 =	simm.s32 $0x13E00  }
0xe: {  	s8 =	ssub.s32 s14, s8;
	s16 =	sadd.s32 $0xA000, s9;
	[dreg:$0x8] =	wrdreg s2  }
0xf: {  	s17 =	sadd.s32 $0x200, s9;
	s9 =	sadd.s32 s15, s1;
	[dreg:$0x5] =	wrdreg s16  }
0x10: {  	s2 =	sor.u32 s24, s22;
	s25 =	sadd.s32 $0x27000, s4;
	[dreg:$0x6] =	wrdreg s17  }
0x11: {  	s5 =	simm.s32 @!p0 $0x1DC00;
	p0 =	sne.s32 s10, $0x0;
	[dreg:$0x10] =	wrdreg s25  }
0x12: {  	s22 =	simm.s32 $0x50;
	s18 =	sadd.s32 $0x1A00, s9;
	[dreg:$0x7] =	wrdreg s9  }
0x13: {  	s24 =	simm.s32 $0xF460;
	s19 =	sadd.s32 $0x3400, s9;
	[dreg:$0x9] =	wrdreg s18  }
0x14: {  	s20 =	sadd.s32 $0x4E00, s9;
	s21 =	sadd.s32 $0x6800, s9;
	[dreg:$0xa] =	wrdreg s19  }
0x15: {  	s23 =	sadd.s32 $0x8200, s9;
	s2 =	sshrl.u32 s2, $0x3;
	[dreg:$0xb] =	wrdreg s20  }
0x16: {  	s26 =	smax.u32 s8, $0x1;
	s17 =	sadd.s32 s5, s0;
	[dreg:$0xc] =	wrdreg s21  }
0x17: {  	s0 =	simm.s32 $0x2;
	s25 =	simm.s32 $0x3;
	[dreg:$0xd] =	wrdreg s23  }
0x18: {  	s5 =	simm.s32 $0x0;
	s2 =	sadd.s32 s3, s2;
	[dreg:$0x11] =	wrdreg s26  }
0x19: {  	v1 =	vimm.s32 $0x0;
	vm0 =	vcmask $0x300;
	s20 =	simm.s32 $0x9C40;
	s23 =	simm.s32 $0xEA60;
	s19 =	simm.s32 $0x12660  }
0x1a: {  	v0 =	vimm.f32 $0.0e+00;
	v1 =	vsel vm0, $0x3, v1;
	s26 =	simm.s32 $0x5;
	[dreg:$0xf] =	wrdreg s2;
	s2 =	simm.s32 $0x6  }
.LBB2_1:
0x1b: {  	[dreg:$0x12] =	wrdreg s5  }
0x1c: {  	s3 =	simm.s32 $0x0;
	s4 =	rddreg [dreg:$0x5]  }
0x1d: {  	[tilespmem:s3], [sflag:$0x7] =	stream.linear.gather [hbm4b:s4+s3], $0x4E20, $0x38;
	[tilespmem:$0x1F0A0] =	vst v63  }
0x1e: {  	_ =	swait.ge [sflag:s12], $0x4E20  }
0x1f: {  	[sflag:s12] =	ssyncset.done $0x0  }
0x20: {  	s18 =	simm.s32 $0x4E20;
	s16 =	rddreg [dreg:$0x6];
	[sflag:s12] =	ssyncadd.s32 $0xFFFFB1E0  }
0x21: {  	[tilespmem:s18], [sflag:$0x7] =	stream.linear.gather [hbm4b:s16+s3], $0x4E20, $0x38;
	[tilespmem:$0x1F0A0] =	vst v63  }
0x22: {  	_ =	swait.ge [sflag:s12], $0x4E20  }
0x23: {  	[sflag:s12] =	ssyncset.done $0x0  }
0x24: {  	s21 =	rddreg [dreg:$0x8];
	[sflag:s12] =	ssyncadd.s32 $0xFFFFB1E0  }
0x25: {  	[tilespmem:s20], [sflag:$0x7] =	stream.linear.gather [hbm4b:s21+s3], $0x4E20, $0x38;
	[tilespmem:$0x1F0A0] =	vst v63  }
0x26: {  	_ =	swait.ge [sflag:s12], $0x4E20  }
0x27: {  	[sflag:s12] =	ssyncset.done $0x0  }
0x28: {  	s3 =	simm.s32 $0x13B60;
	[sflag:s12] =	ssyncadd.s32 $0xFFFFB1E0  }
0x29: {  	[tilespmem:s3+$0xFFFFFF00] =	vst v0  }
0x2a: {  	[tilespmem:s3+$0xF0] =	vst v0  }
0x2b: {  	[tilespmem:s3+$0xE0] =	vst v0  }
0x2c: {  	[tilespmem:s3+$0xD0] =	vst v0  }
0x2d: {  	[tilespmem:s3+$0xC0] =	vst v0  }
0x2e: {  	[tilespmem:s3+$0xB0] =	vst v0  }
0x2f: {  	[tilespmem:s3+$0xA0] =	vst v0  }
0x30: {  	[tilespmem:s3+$0x90] =	vst v0  }
0x31: {  	[tilespmem:s3+$0x80] =	vst v0  }
0x32: {  	[tilespmem:s3+$0x70] =	vst v0  }
0x33: {  	[tilespmem:s3+$0x60] =	vst v0  }
0x34: {  	[tilespmem:s3+$0x50] =	vst v0  }
0x35: {  	[tilespmem:s3+$0x40] =	vst v0  }
0x36: {  	[tilespmem:s3+$0x30] =	vst v0  }
0x37: {  	[tilespmem:s3+$0x20] =	vst v0  }
0x38: {  	[tilespmem:s3+$0x10] =	vst v0  }
0x39: {  	[tilespmem:s3+$0x0] =	vst v0  }
0x3a: {  	[tilespmem:s3+$0xFFFFFFF0] =	vst v0  }
0x3b: {  	[tilespmem:s3+$0xFFFFFFE0] =	vst v0  }
0x3c: {  	[tilespmem:s3+$0xFFFFFFD0] =	vst v0  }
0x3d: {  	[tilespmem:s3+$0xFFFFFFC0] =	vst v0  }
0x3e: {  	[tilespmem:s3+$0xFFFFFFB0] =	vst v0  }
0x3f: {  	[tilespmem:s3+$0xFFFFFFA0] =	vst v0  }
0x40: {  	[tilespmem:s3+$0xFFFFFF90] =	vst v0  }
0x41: {  	[tilespmem:s3+$0xFFFFFF80] =	vst v0  }
0x42: {  	[tilespmem:s3+$0xFFFFFF70] =	vst v0  }
0x43: {  	[tilespmem:s3+$0xFFFFFF60] =	vst v0  }
0x44: {  	[tilespmem:s3+$0xFFFFFF50] =	vst v0  }
0x45: {  	[tilespmem:s3+$0xFFFFFF40] =	vst v0  }
0x46: {  	[tilespmem:s3+$0xFFFFFF30] =	vst v0  }
0x47: {  	s5 =	simm.s32 $0x0;
	[tilespmem:s3+$0xFFFFFF20] =	vst v0  }
.LBB2_2:
0x48: {  	s5 =	sadd.s32 $0x8, s5;
	[tilespmem:s3+$0xFFFFFF10] =	vst v0;
	s3 =	sadd.s32 $0x200, s3  }
0x49: {  	[tilespmem:s3+$0xFFFFFF00] =	vst v0;
	p1 =	slt.u32 s5, $0x60  }
0x4a: {  	[tilespmem:s3+$0xF0] =	vst v0  }
0x4b: {  	[tilespmem:s3+$0xE0] =	vst v0  }
0x4c: {  	[tilespmem:s3+$0xD0] =	vst v0  }
0x4d: {  	[tilespmem:s3+$0xC0] =	vst v0  }
0x4e: {  	[tilespmem:s3+$0xB0] =	vst v0  }
0x4f: {  	[tilespmem:s3+$0xA0] =	vst v0  }
0x50: {  	[tilespmem:s3+$0x90] =	vst v0  }
0x51: {  	[tilespmem:s3+$0x80] =	vst v0  }
0x52: {  	[tilespmem:s3+$0x70] =	vst v0  }
0x53: {  	[tilespmem:s3+$0x60] =	vst v0  }
0x54: {  	[tilespmem:s3+$0x50] =	vst v0  }
0x55: {  	[tilespmem:s3+$0x40] =	vst v0  }
0x56: {  	[tilespmem:s3+$0x30] =	vst v0  }
0x57: {  	[tilespmem:s3+$0x20] =	vst v0  }
0x58: {  	[tilespmem:s3+$0x10] =	vst v0  }
0x59: {  	[tilespmem:s3+$0x0] =	vst v0  }
0x5a: {  	[tilespmem:s3+$0xFFFFFFF0] =	vst v0  }
0x5b: {  	[tilespmem:s3+$0xFFFFFFE0] =	vst v0  }
0x5c: {  	[tilespmem:s3+$0xFFFFFFD0] =	vst v0  }
0x5d: {  	[tilespmem:s3+$0xFFFFFFC0] =	vst v0  }
0x5e: {  	[tilespmem:s3+$0xFFFFFFB0] =	vst v0  }
0x5f: {  	[tilespmem:s3+$0xFFFFFFA0] =	vst v0  }
0x60: {  	[tilespmem:s3+$0xFFFFFF90] =	vst v0  }
0x61: {  	[tilespmem:s3+$0xFFFFFF80] =	vst v0  }
0x62: {  	[tilespmem:s3+$0xFFFFFF70] =	vst v0  }
.Ltmp0:
0x63: {  	[tilespmem:s3+$0xFFFFFF60] =	vst v0;
	(pc) =	sbr.rel @p1 .LBB2_2-.Ltmp0, $4  }
0x64: {  	[tilespmem:s3+$0xFFFFFF50] =	vst v0  }
0x65: {  	[tilespmem:s3+$0xFFFFFF40] =	vst v0  }
0x66: {  	[tilespmem:s3+$0xFFFFFF30] =	vst v0  }
0x67: {  	[tilespmem:s3+$0xFFFFFF20] =	vst v0  }
0x68: {  	[tilespmem:s3+$0xFFFFFF10] =	vst v0;
	s4 =	simm.s32 $0x13A60  }
0x69: {  	[spmem:s9] =	stream.linear.scatter [tilespmem:s4], [sflag:$0x7], $0x1A00, $0x38;
	[tilespmem:$0x1F0A0] =	vst v63  }
0x6a: {  	_ =	swait.ge [sflag:s12], $0x1A00  }
0x6b: {  	[sflag:s12] =	ssyncset.done $0x0  }
0x6c: {  	s9 =	rddreg [dreg:$0x9];
	[sflag:s12] =	ssyncadd.s32 $0xFFFFE600  }
0x6d: {  	[spmem:s9] =	stream.linear.scatter [tilespmem:s4], [sflag:$0x7], $0x1A00, $0x38;
	[tilespmem:$0x1F0A0] =	vst v63  }
0x6e: {  	_ =	swait.ge [sflag:s12], $0x1A00  }
0x6f: {  	[sflag:s12] =	ssyncset.done $0x0  }
0x70: {  	s10 =	rddreg [dreg:$0xa];
	[sflag:s12] =	ssyncadd.s32 $0xFFFFE600  }
0x71: {  	[spmem:s10] =	stream.linear.scatter [tilespmem:s4], [sflag:$0x7], $0x1A00, $0x38;
	[tilespmem:$0x1F0A0] =	vst v63  }
0x72: {  	_ =	swait.ge [sflag:s12], $0x1A00  }
0x73: {  	[sflag:s12] =	ssyncset.done $0x0  }
0x74: {  	s13 =	rddreg [dreg:$0xb];
	[sflag:s12] =	ssyncadd.s32 $0xFFFFE600  }
0x75: {  	[spmem:s13] =	stream.linear.scatter [tilespmem:s4], [sflag:$0x7], $0x1A00, $0x38;
	[tilespmem:$0x1F0A0] =	vst v63  }
0x76: {  	_ =	swait.ge [sflag:s12], $0x1A00  }
0x77: {  	[sflag:s12] =	ssyncset.done $0x0  }
0x78: {  	s14 =	rddreg [dreg:$0xc];
	[sflag:s12] =	ssyncadd.s32 $0xFFFFE600  }
0x79: {  	[spmem:s14] =	stream.linear.scatter [tilespmem:s4], [sflag:$0x7], $0x1A00, $0x38;
	[tilespmem:$0x1F0A0] =	vst v63  }
0x7a: {  	_ =	swait.ge [sflag:s12], $0x1A00  }
0x7b: {  	[sflag:s12] =	ssyncset.done $0x0  }
0x7c: {  	s15 =	rddreg [dreg:$0xd];
	[sflag:s12] =	ssyncadd.s32 $0xFFFFE600  }
0x7d: {  	[spmem:s15] =	stream.linear.scatter [tilespmem:s4], [sflag:$0x7], $0x1A00, $0x38;
	[tilespmem:$0x1F0A0] =	vst v63  }
0x7e: {  	_ =	swait.ge [sflag:s12], $0x1A00  }
0x7f: {  	[sflag:s12] =	ssyncset.done $0x0  }
0x80: {  	s3 =	simm.s32 @!p0 $0x13A60;
	[sflag:s12] =	ssyncadd.s32 $0xFFFFE600  }
0x81: {  	[spmem:s11] =	stream.linear.scatter @!p0 [tilespmem:s3], [sflag:$0x7], $0x400, $0x38;
	[tilespmem:$0x1F0A0] =	vst v63  }
0x82: {  	s3 =	simm.s32 @!p0 $0x7  }
0x83: {  	_ =	swait.ge @!p0 [sflag:s3], $0x400  }
0x84: {  	[sflag:s3] =	ssyncset.done @!p0 $0x0  }
0x85: {  	[sflag:s3] =	ssyncadd.s32 @!p0 $0xFFFFFC00  }
0x86: {  	s5 =	simm.s32 $0x0;
	[bflag:$0x0] =	sbarrier.arrive $0xFFFF  }
0x87: {  	[tilespmem:s23], [sflag:$0x1] =	stream.indirect.gather [hbm4b:s17+s22], $0x20, s5, s22, $0xb8;
	[tilespmem:$0x1F0A0] =	vst v63  }
0x88: {  	_ = 	snop  }
0x89: {  	[tilespmem:s24], [sflag:$0x2] =	stream.indirect.gather [hbm4b:s17+s22], $0x20, s22, s22, $0xb8;
	[tilespmem:$0x1F0A0] =	vst v63  }
0x8a: {  	s16 =	simm.s32 $0xA0;
	s18 =	simm.s32 $0xFE60  }
0x8b: {  	[tilespmem:s18], [sflag:$0x3] =	stream.indirect.gather [hbm4b:s17+s22], $0x20, s16, s22, $0xb8;
	[tilespmem:$0x1F0A0] =	vst v63  }
0x8c: {  	s21 =	simm.s32 $0xF0;
	s7 =	simm.s32 $0x0  }
0x8d: {  	[tilespmem:s29], [sflag:$0x4] =	stream.indirect.gather [hbm4b:s17+s22], $0x20, s21, s22, $0xb8;
	[tilespmem:$0x1F0A0] =	vst v63  }
.LBB2_4:
0x8e: {  	s8 =	sadd.s32 $0xFFFFFFF8, s5  }
0x8f: {  	_ =	swait.ge [sflag:s30], $0xA00;
	p1 =	seq.s32 s7, $0x0;
	s3 =	sadd.s32 $0x9, s8  }
0x90: {  	s21 =	sadd.s32 $0xD, s8;
	[sflag:s30] =	ssyncset.done $0x0;
	s9 =	sadd.s32 $0x8, s8  }
0x91: {  	s10 =	sadd.s32 $0xC, s8;
	s6 =	sadd.s32 $0xA, s8;
	s11 =	sadd.s32 $0xF, s8;
	v2 =	vmov s3;
	v3 =	vmov s21;
	v4 =	vmov s9  }
0x92: {  	[sflag:s30] =	ssyncadd.s32 $0xFFFFF600;
	s3 =	simm.s32 @!p1 $0x5;
	v5 =	vmov s10;
	v7 =	vmov s6;
	v8 =	vmov s11  }
0x93: {  	v2 =	vshrl.u32 v2, $0x3;
	v3 =	vshrl.u32 v3, $0x3;
	_ =	swait.ge @!p1 [sflag:s3], $0x1400;
	v4 =	vshrl.u32 v4, $0x3  }
0x94: {  	v5 =	vshrl.u32 v5, $0x3;
	v2 =	vshll.u32 v2, v1;
	[sflag:s3] =	ssyncset.done @!p1 $0x0;
	v4 =	vshll.u32 v4, v1  }
0x95: {  	s4 =	simm.s32 $0xEAE0;
	v3 =	vshll.u32 v3, v1;
	v2 =	vadd.s32 $0x1, v2;
	[sflag:s3] =	ssyncadd.s32 @!p1 $0xFFFFEC00;
	v4 =	vbroadcast v4, $0x0  }
0x96: {  	s13 =	sadd.s32 $0x0, s5;
	s12 =	sadd.s32 $0xE, s8;
	v5 =	vshll.u32 v5, v1;
	v3 =	vadd.s32 $0x5, v3;
	v2 =	vbroadcast v2, $0x0;
	v6 =	vld [tilespmem:s4+$0xFFFFFFC0]  }
0x97: {  	s14 =	sadd.s32 $0xB, s13;
	s15 =	sadd.s32 $0xC, s13;
	v10 =	vmov s12;
	v5 =	vadd.s32 $0x4, v5;
	v3 =	vbroadcast v3, $0x0;
	v9 =	vld [tilespmem:s4+$0x20]  }
0x98: {  	s16 =	sadd.s32 $0xD, s13;
	s18 =	sadd.s32 $0x8, s13;
	v26 =	vmov s14;
	v28 =	vmov s15;
	v11 =	vld [tilespmem:s4+$0xFFFFFFA0];
	v5 =	vbroadcast v5, $0x0  }
0x99: {  	s12 =	sadd.s32 $0xA, s13;
	v29 =	vmov s16;
	v30 =	vmov s18;
	v8 =	vshrl.u32 v8, $0x3;
	v12 =	vld [tilespmem:s4+$0xFFFFFF80]  }
0x9a: {  	v10 =	vshrl.u32 v10, $0x3;
	v7 =	vshrl.u32 v7, $0x3;
	v25 =	vmov s12;
	v15 =	vld [tilespmem:s4+$0x0]  }
0x9b: {  	v26 =	vshrl.u32 v26, $0x3;
	v8 =	vshll.u32 v8, v1;
	v10 =	vshll.u32 v10, v1;
	v13 =	vld.idx.msk [tilespmem:v4+s20+$0x0], $0xffff  }
0x9c: {  	v7 =	vshll.u32 v7, v1;
	v25 =	vshrl.u32 v25, $0x3;
	v8 =	vadd.s32 $0x7, v8;
	v14 =	vld.idx.msk [tilespmem:v2+s20+$0x0], $0xffff  }
0x9d: {  	s8 =	sadd.s32 $0xB, s8;
	v7 =	vadd.s32 $0x2, v7;
	v2 =	vld.idx.msk [tilespmem:v3+s20+$0x0], $0xffff;
	v3 =	vbroadcast v8, $0x0;
	v8 =	vadd.s32 $0x6, v10  }
0x9e: {  	v7 =	vbroadcast v7, $0x0;
	v17 =	vld.idx.msk [tilespmem:v5+s20+$0x0], $0xffff;
	v5 =	vmov s8;
	v8 =	vbroadcast v8, $0x0  }
0x9f: {  	v16 =	vunpack.i.u.bf16.f32 v6;
	v20 =	vunpack.i.l.bf16.f32 v12;
	v5 =	vshrl.u32 v5, $0x3  }
0xa0: {  	v18 =	vunpack.i.l.bf16.f32 v11;
	v4 =	vunpack.i.l.bf16.f32 v9;
	v10 =	vld [tilespmem:s4+$0x40];
	v5 =	vshll.u32 v5, v1  }
0xa1: {  	v11 =	vunpack.i.u.bf16.f32 v11;
	v12 =	vunpack.i.u.bf16.f32 v12;
	v5 =	vadd.s32 $0x3, v5  }
0xa2: {  	v19 =	vld [tilespmem:s4+$0x60];
	v6 =	vunpack.i.l.bf16.f32 v6;
	v5 =	vbroadcast v5, $0x0;
	v20 =	vmul.f32 v20, v13  }
0xa3: {  	s10 =	simm.s32 $0x11360;
	v22 =	vmul.f32 v12, v13;
	v12 =	vunpack.i.l.bf16.f32 v15;
	v21 =	vmul.f32 v4, v2;
	v3 =	vld.idx.msk [tilespmem:v3+s20+$0x0], $0xffff  }
0xa4: {  	v9 =	vunpack.i.u.bf16.f32 v9;
	v12 =	vmul.f32 v12, v17;
	v11 =	vmul.f32 v11, v14;
	[tilespmem:s10+$0xFFFFFF00] =	vst v20;
	v4 =	vld.idx.msk [tilespmem:v8+s20+$0x0], $0xffff  }
0xa5: {  	v23 =	vunpack.i.l.bf16.f32 v10;
	[tilespmem:s10+$0xFFFFFF10] =	vst v22;
	v8 =	vmul.f32 v18, v14;
	v18 =	vld.idx.msk [tilespmem:v7+s20+$0x0], $0xffff;
	v7 =	vunpack.i.u.bf16.f32 v15  }
0xa6: {  	s11 =	sadd.s32 $0x9, s13;
	v24 =	vld [tilespmem:s4+$0xFFFFFFE0];
	v10 =	vunpack.i.u.bf16.f32 v10;
	v9 =	vmul.f32 v9, v2;
	[tilespmem:s10+$0x40] =	vst v21;
	v7 =	vmul.f32 v7, v17  }
0xa7: {  	v15 =	vunpack.i.l.bf16.f32 v19;
	v21 =	vmov s11;
	[tilespmem:s10+$0x0] =	vst v12;
	v12 =	vshrl.u32 v28, $0x3;
	v61 =	vld [tilespmem:s4+$0xFFFFFF90]  }
0xa8: {  	v21 =	vshrl.u32 v21, $0x3;
	v32 =	vld.idx.msk [tilespmem:v5+s20+$0x0], $0xffff;
	v5 =	vshrl.u32 v29, $0x3;
	[tilespmem:s10+$0x10] =	vst v7;
	v7 =	vshrl.u32 v30, $0x3  }
0xa9: {  	s8 =	simm.s32 $0xEBE0;
	[tilespmem:s10+$0xFFFFFF40] =	vst v8;
	v15 =	vmul.f32 v15, v3;
	v5 =	vshll.u32 v5, v1;
	v8 =	vmul.f32 v23, v4  }
0xaa: {  	[tilespmem:s10+$0xFFFFFF50] =	vst v11;
	v30 =	vld [tilespmem:s8+$0xFFFFFFA0];
	v7 =	vshll.u32 v7, v1;
	v6 =	vmul.f32 v6, v18;
	v11 =	vmul.f32 v16, v18  }
0xab: {  	[tilespmem:s10+$0x50] =	vst v9;
	v16 =	vunpack.i.u.bf16.f32 v19;
	v10 =	vmul.f32 v10, v4;
	v19 =	vld [tilespmem:s4+$0xFFFFFFB0];
	v23 =	vunpack.i.u.bf16.f32 v24  }
0xac: {  	v24 =	vunpack.i.l.bf16.f32 v24;
	v5 =	vadd.s32 $0x5, v5;
	[tilespmem:s10+$0xFFFFFF80] =	vst v6;
	v6 =	vshll.u32 v21, v1  }
0xad: {  	s21 =	sadd.s32 $0xF, s13;
	v27 =	vld [tilespmem:s8+$0xFFFFFFC0];
	v63 =	vunpack.i.u.bf16.f32 v61;
	v16 =	vmul.f32 v16, v3;
	[tilespmem:s10+$0xFFFFFF90] =	vst v11;
	v6 =	vadd.s32 $0x1, v6  }
0xae: {  	s9 =	sadd.s32 $0xE, s13;
	v34 =	vld [tilespmem:s8+$0xFFFFFF80];
	v5 =	vbroadcast v5, $0x0;
	v11 =	vmov s21;
	[tilespmem:s10+$0x80] =	vst v8;
	v6 =	vbroadcast v6, $0x0  }
0xaf: {  	[tilespmem:s10+$0x90] =	vst v10;
	v10 =	vmov s9;
	v29 =	vld [tilespmem:s4+$0xFFFFFFD0];
	v9 =	vmul.f32 v24, v32;
	v11 =	vshrl.u32 v11, $0x3  }
0xb0: {  	v28 =	vld [tilespmem:s4+$0x50];
	v23 =	vmul.f32 v23, v32;
	v22 =	vunpack.i.l.bf16.f32 v30;
	v31 =	vunpack.i.u.bf16.f32 v19  }
0xb1: {  	v33 =	vld [tilespmem:s4+$0x10];
	v11 =	vshll.u32 v11, v1;
	v19 =	vunpack.i.l.bf16.f32 v19;
	v21 =	vmul.f32 v31, v14  }
0xb2: {  	v24 =	vld [tilespmem:s4+$0x30];
	v8 =	vmul.f32 v19, v14;
	v31 =	vbroadcast v7, $0x0;
	v7 =	vshll.u32 v12, v1  }
0xb3: {  	v14 =	vld [tilespmem:s8+$0x20];
	v19 =	vunpack.i.u.bf16.f32 v27;
	v27 =	vunpack.i.l.bf16.f32 v27;
	v7 =	vadd.s32 $0x4, v7  }
0xb4: {  	v35 =	vbroadcast v7, $0x0;
	v36 =	vunpack.i.l.bf16.f32 v29;
	v7 =	vld.idx.msk [tilespmem:v6+s20+$0x0], $0xffff;
	v6 =	vshrl.u32 v10, $0x3  }
0xb5: {  	[tilespmem:s10+$0xFFFFFFC0] =	vst v9;
	v9 =	vld.idx.msk [tilespmem:v5+s20+$0x0], $0xffff;
	v12 =	vunpack.i.u.bf16.f32 v28;
	v10 =	vadd.s32 $0x7, v11;
	v5 =	vshll.u32 v6, v1  }
0xb6: {  	v37 =	vld [tilespmem:s8+$0x0];
	[tilespmem:s10+$0xC0] =	vst v15;
	v10 =	vbroadcast v10, $0x0;
	v6 =	vshll.u32 v25, v1;
	v11 =	vadd.s32 $0x6, v5  }
0xb7: {  	v38 =	vld [tilespmem:s8+$0x60];
	[tilespmem:s10+$0xFFFFFFD0] =	vst v23;
	v15 =	vunpack.i.u.bf16.f32 v24;
	v6 =	vadd.s32 $0x2, v6;
	v23 =	vbroadcast v11, $0x0  }
0xb8: {  	[tilespmem:s10+$0xD0] =	vst v16;
	v25 =	vunpack.i.u.bf16.f32 v29;
	v16 =	vunpack.i.u.bf16.f32 v14;
	v5 =	vld.idx.msk [tilespmem:v31+s20+$0x0], $0xffff;
	v31 =	vbroadcast v6, $0x0  }
0xb9: {  	[tilespmem:s10+$0xFFFFFF60] =	vst v8;
	v8 =	vunpack.i.l.bf16.f32 v14;
	v14 =	vmul.f32 v25, v18;
	v25 =	vunpack.i.u.bf16.f32 v30;
	v30 =	vld [tilespmem:s4+$0xFFFFFFF0]  }
0xba: {  	v20 =	vld [tilespmem:s8+$0x40];
	[tilespmem:s10+$0xFFFFFF70] =	vst v21;
	v21 =	vunpack.i.l.bf16.f32 v33;
	v28 =	vunpack.i.l.bf16.f32 v28;
	v8 =	vmul.f32 v8, v9  }
0xbb: {  	s11 =	simm.s32 $0x11560;
	v60 =	vmul.f32 v28, v4;
	v11 =	vunpack.i.l.bf16.f32 v24;
	v6 =	vld.idx.msk [tilespmem:v35+s20+$0x0], $0xffff;
	[tilespmem:s10+$0xFFFFFFB0] =	vst v14;
	v22 =	vmul.f32 v22, v7  }
0xbc: {  	v29 =	vunpack.i.l.bf16.f32 v34;
	v18 =	vmul.f32 v36, v18;
	v59 =	vmul.f32 v11, v2;
	[tilespmem:s11+$0x40] =	vst v8;
	v11 =	vld.idx.msk [tilespmem:v10+s20+$0x0], $0xffff  }
0xbd: {  	v24 =	vunpack.i.u.bf16.f32 v33;
	v10 =	vunpack.i.u.bf16.f32 v34;
	[tilespmem:s11+$0xFFFFFF40] =	vst v22;
	v22 =	vshll.u32 v26, v1;
	v14 =	vld.idx.msk [tilespmem:v23+s20+$0x0], $0xffff  }
0xbe: {  	[tilespmem:s10+$0xFFFFFFA0] =	vst v18;
	v26 =	vunpack.i.l.bf16.f32 v38;
	v18 =	vunpack.i.l.bf16.f32 v30;
	v23 =	vmul.f32 v21, v17;
	v8 =	vld.idx.msk [tilespmem:v31+s20+$0x0], $0xffff  }
0xbf: {  	[tilespmem:s10+$0xA0] =	vst v60;
	v10 =	vmul.f32 v10, v5;
	v21 =	vunpack.i.l.bf16.f32 v37;
	v17 =	vmul.f32 v24, v17  }
0xc0: {  	v31 =	vunpack.i.u.bf16.f32 v37;
	v24 =	vmul.f32 v25, v7;
	v21 =	vmul.f32 v21, v6;
	[tilespmem:s10+$0x20] =	vst v23  }
0xc1: {  	v62 =	vld [tilespmem:s4+$0x70];
	v23 =	vadd.s32 $0x3, v22;
	[tilespmem:s10+$0x30] =	vst v17;
	v17 =	vmul.f32 v31, v6;
	v31 =	vunpack.i.u.bf16.f32 v30  }
0xc2: {  	[tilespmem:s10+$0x60] =	vst v59;
	v22 =	vunpack.i.l.bf16.f32 v20;
	v26 =	vmul.f32 v26, v11;
	v31 =	vmul.f32 v31, v32  }
0xc3: {  	v25 =	vunpack.i.u.bf16.f32 v38;
	[tilespmem:s11+$0xFFFFFF50] =	vst v24;
	v24 =	vmul.f32 v22, v14;
	v22 =	vmul.f32 v27, v8;
	v27 =	vld [tilespmem:s8+$0xFFFFFFE0]  }
0xc4: {  	[tilespmem:s11+$0x10] =	vst v17;
	v17 =	vmul.f32 v25, v11;
	v28 =	vmul.f32 v19, v8;
	v19 =	vunpack.i.u.bf16.f32 v20  }
0xc5: {  	v25 =	vunpack.i.l.bf16.f32 v61;
	[tilespmem:s11+$0xC0] =	vst v26;
	v20 =	vmul.f32 v19, v14;
	v19 =	vmul.f32 v18, v32  }
0xc6: {  	s14 =	simm.s32 $0xECE0;
	v30 =	vunpack.i.u.bf16.f32 v62;
	v25 =	vmul.f32 v25, v13;
	[tilespmem:s10+$0xFFFFFFF0] =	vst v31;
	v18 =	vbroadcast v23, $0x0  }
0xc7: {  	s15 =	simm.s32 $0x11560;
	s12 =	simm.s32 $0x8;
	s9 =	sshll.u32 s7, $0x2;
	v26 =	vld [tilespmem:s8+$0xFFFFFFB0];
	v23 =	vmul.f32 v63, v13;
	[tilespmem:s10+$0xFFFFFFE0] =	vst v19;
	v19 =	vmul.f32 v29, v5;
	v29 =	vunpack.i.l.bf16.f32 v62  }
.LBB2_5:
0xc8: {  	s3 =	sadd.s32 s12, s5;
	s12 =	sadd.s32 $0x8, s12;
	[tilespmem:s11+$0xFFFFFF90] =	vst v28;
	v28 =	vunpack.i.u.bf16.f32 v27;
	v16 =	vmul.f32 v16, v9;
	s15 =	sadd.s32 $0x200, s15;
	v15 =	vmul.f32 v15, v2;
	v2 =	vmovc v9  }
0xc9: {  	v9 =	vunpack.i.l.bf16.f32 v27;
	v12 =	vmul.f32 v12, v4;
	v4 =	vmovc v14;
	s16 =	sadd.s32 $0x9, s3;
	s13 =	sadd.s32 $0xA, s3;
	v13 =	vld [tilespmem:s14+$0xFFFFFFC0];
	s6 =	sadd.s32 $0xB, s3;
	[tilespmem:s11+$0x0] =	vst v21;
	v21 =	vmul.f32 v30, v3  }
0xca: {  	v14 =	vmov s16;
	v27 =	vmov s13;
	v30 =	vmov s6;
	s6 =	sadd.s32 $0xC, s3;
	s13 =	sadd.s32 $0xD, s3;
	s16 =	sadd.s32 $0xE, s3;
	[tilespmem:s11+$0x80] =	vst v24  }
0xcb: {  	s21 =	sadd.s32 $0x8, s3;
	p2 =	slt.u32 s12, $0x48;
	s3 =	sadd.s32 $0xF, s3;
	v24 =	vmov s6;
	v31 =	vmov s13;
	[tilespmem:s10+$0xB0] =	vst v12;
	v12 =	vmul.f32 v29, v3;
	v3 =	vmovc v11  }
0xcc: {  	v11 =	vmov s21;
	v29 =	vmov s3;
	v32 =	vunpack.i.u.bf16.f32 v26;
	v18 =	vld.idx.msk [tilespmem:v18+s20+$0x0], $0xffff;
	[tilespmem:s10+$0xF0] =	vst v21  }
0xcd: {  	v14 =	vshrl.u32 v14, $0x3;
	v21 =	vshrl.u32 v31, $0x3;
	v26 =	vunpack.i.l.bf16.f32 v26;
	[tilespmem:s11+$0xFFFFFF80] =	vst v22  }
0xce: {  	v14 =	vshll.u32 v14, v1;
	v21 =	vshll.u32 v21, v1;
	v22 =	vmul.f32 v32, v7;
	[tilespmem:s10+$0xE0] =	vst v12  }
0xcf: {  	v12 =	vadd.s32 $0x1, v14;
	v14 =	vadd.s32 $0x5, v21;
	v21 =	vmul.f32 v26, v7;
	v26 =	vld [tilespmem:s8+$0xFFFFFFD0];
	[tilespmem:s10+$0xFFFFFF20] =	vst v25  }
0xd0: {  	v7 =	vbroadcast v12, $0x0;
	v25 =	vunpack.i.u.bf16.f32 v13;
	v12 =	vmov s16;
	v31 =	vld [tilespmem:s14+$0x20];
	[tilespmem:s10+$0x70] =	vst v15  }
0xd1: {  	v11 =	vshrl.u32 v11, $0x3;
	v14 =	vbroadcast v14, $0x0;
	v15 =	vshrl.u32 v27, $0x3;
	v32 =	vld [tilespmem:s14+$0xFFFFFFA0];
	[tilespmem:s11+$0x90] =	vst v20  }
0xd2: {  	v11 =	vshll.u32 v11, v1;
	v20 =	vshrl.u32 v24, $0x3;
	v9 =	vmul.f32 v9, v18;
	v24 =	vld [tilespmem:s8+$0x50];
	[tilespmem:s10+$0xFFFFFF30] =	vst v23;
	s10 =	smov.u32 s11;
	s11 =	smov.u32 s15  }
0xd3: {  	v11 =	vbroadcast v11, $0x0;
	v20 =	vshll.u32 v20, v1;
	v23 =	vmul.f32 v28, v18;
	v27 =	vld [tilespmem:s8+$0x10];
	[tilespmem:s10+$0x50] =	vst v16  }
0xd4: {  	v16 =	vadd.s32 $0x4, v20;
	v20 =	vshrl.u32 v29, $0x3;
	[tilespmem:s10+$0xFFFFFFC0] =	vst v9;
	v28 =	vld [tilespmem:s8+$0x30]  }
0xd5: {  	v16 =	vbroadcast v16, $0x0;
	v9 =	vshll.u32 v20, v1;
	v29 =	vld [tilespmem:s14+$0xFFFFFF80];
	[tilespmem:s10+$0xFFFFFF00] =	vst v19  }
0xd6: {  	v12 =	vshrl.u32 v12, $0x3;
	v20 =	vunpack.i.l.bf16.f32 v26;
	v19 =	vadd.s32 $0x7, v9;
	v7 =	vld.idx.msk [tilespmem:v7+s20+$0x0], $0xffff;
	[tilespmem:s10+$0xFFFFFFD0] =	vst v23  }
0xd7: {  	v19 =	vbroadcast v19, $0x0;
	v9 =	vld.idx.msk [tilespmem:v14+s20+$0x0], $0xffff;
	v14 =	vshll.u32 v12, v1;
	v12 =	vunpack.i.u.bf16.f32 v24;
	[tilespmem:s10+$0xD0] =	vst v17  }
0xd8: {  	v15 =	vshll.u32 v15, v1;
	v14 =	vadd.s32 $0x6, v14;
	v17 =	vld [tilespmem:s14+$0x40];
	[tilespmem:s10+$0xFFFFFF10] =	vst v10;
	v10 =	vunpack.i.u.bf16.f32 v26  }
0xd9: {  	v33 =	vld.idx.msk [tilespmem:v11+s20+$0x0], $0xffff;
	v11 =	vadd.s32 $0x2, v15;
	v14 =	vbroadcast v14, $0x0;
	[tilespmem:s10+$0xFFFFFF60] =	vst v21;
	v21 =	vunpack.i.l.bf16.f32 v28  }
0xda: {  	v15 =	vunpack.i.u.bf16.f32 v28;
	v23 =	vunpack.i.l.bf16.f32 v29;
	v26 =	vbroadcast v11, $0x0;
	v34 =	vld [tilespmem:s14+$0x0];
	[tilespmem:s10+$0xFFFFFF70] =	vst v22  }
0xdb: {  	v35 =	vunpack.i.u.bf16.f32 v27;
	v22 =	vunpack.i.l.bf16.f32 v32;
	v21 =	vmul.f32 v21, v2;
	v28 =	vld.idx.msk [tilespmem:v16+s20+$0x0], $0xffff  }
0xdc: {  	v10 =	vmul.f32 v10, v8;
	v11 =	vunpack.i.l.bf16.f32 v31;
	v16 =	vunpack.i.u.bf16.f32 v31;
	v31 =	vld [tilespmem:s14+$0x60]  }
0xdd: {  	v32 =	vunpack.i.u.bf16.f32 v32;
	v36 =	vmul.f32 v11, v9;
	v11 =	vld.idx.msk [tilespmem:v19+s20+$0x0], $0xffff;
	v19 =	vunpack.i.l.bf16.f32 v27;
	[tilespmem:s10+$0x60] =	vst v21  }
0xde: {  	v24 =	vunpack.i.l.bf16.f32 v24;
	v22 =	vmul.f32 v22, v7;
	v21 =	vunpack.i.u.bf16.f32 v29;
	[tilespmem:s10+$0xFFFFFFB0] =	vst v10;
	v27 =	vld [tilespmem:s8+$0xFFFFFFF0]  }
0xdf: {  	v10 =	vmul.f32 v21, v33;
	v21 =	vshrl.u32 v30, $0x3;
	v19 =	vmul.f32 v19, v6;
	[tilespmem:s15+$0x40] =	vst v36;
	v14 =	vld.idx.msk [tilespmem:v14+s20+$0x0], $0xffff  }
0xe0: {  	v29 =	vunpack.i.u.bf16.f32 v34;
	v30 =	vunpack.i.l.bf16.f32 v34;
	v34 =	vmul.f32 v24, v4;
	v26 =	vld.idx.msk [tilespmem:v26+s20+$0x0], $0xffff  }
0xe1: {  	v24 =	vmul.f32 v35, v6;
	[tilespmem:s15+$0xFFFFFF40] =	vst v22;
	v22 =	vshll.u32 v21, v1;
	v21 =	vmul.f32 v30, v28  }
0xe2: {  	v6 =	vmovc v28;
	v30 =	vmul.f32 v32, v7;
	v32 =	vunpack.i.u.bf16.f32 v31;
	v31 =	vunpack.i.l.bf16.f32 v31;
	v35 =	vld [tilespmem:s8+$0xFFFFFF90];
	[tilespmem:s10+$0x20] =	vst v19  }
0xe3: {  	v38 =	vmul.f32 v20, v8;
	v19 =	vadd.s32 $0x3, v22;
	v31 =	vmul.f32 v31, v11;
	[tilespmem:s10+$0x30] =	vst v24  }
0xe4: {  	v20 =	vunpack.i.l.bf16.f32 v17;
	v29 =	vmul.f32 v29, v6;
	[tilespmem:s15+$0xFFFFFF50] =	vst v30;
	v30 =	vunpack.i.u.bf16.f32 v27;
	v36 =	vld [tilespmem:s8+$0x70];
	s8 =	smov.u32 s14  }
0xe5: {  	v13 =	vunpack.i.l.bf16.f32 v13;
	v37 =	vunpack.i.l.bf16.f32 v27;
	v24 =	vmul.f32 v20, v14;
	[tilespmem:s10+$0xFFFFFFA0] =	vst v38  }
.Ltmp1:
0xe6: {  	v22 =	vmul.f32 v13, v26;
	v28 =	vmul.f32 v25, v26;
	v13 =	vunpack.i.u.bf16.f32 v17;
	v8 =	vmovc v26;
	v27 =	vld [tilespmem:s14+$0xFFFFFFE0];
	[tilespmem:s10+$0xA0] =	vst v34;
	(pc) =	sbr.rel @p2 .LBB2_5-.Ltmp1, $4  }
0xe7: {  	v26 =	vmul.f32 v37, v18;
	v20 =	vmul.f32 v13, v14;
	[tilespmem:s15+$0xC0] =	vst v31;
	v13 =	vunpack.i.u.bf16.f32 v35  }
0xe8: {  	v17 =	vmul.f32 v32, v11;
	v25 =	vunpack.i.l.bf16.f32 v35;
	[tilespmem:s15+$0x10] =	vst v29;
	v29 =	vmul.f32 v30, v18  }
0xe9: {  	v18 =	vbroadcast v19, $0x0;
	v25 =	vmul.f32 v25, v5;
	[tilespmem:s10+$0xFFFFFFE0] =	vst v26;
	v30 =	vunpack.i.u.bf16.f32 v36  }
0xea: {  	s14 =	sadd.s32 $0x100, s14;
	v19 =	vmul.f32 v23, v33;
	v23 =	vmul.f32 v13, v5;
	v5 =	vmovc v33;
	v26 =	vld [tilespmem:s8+$0xFFFFFFB0];
	[tilespmem:s10+$0xFFFFFFF0] =	vst v29;
	v29 =	vunpack.i.l.bf16.f32 v36  }
0xeb: {  	[tilespmem:s11+$0xFFFFFF90] =	vst v28  }
0xec: {  	[tilespmem:s11+$0x0] =	vst v21  }
0xed: {  	[tilespmem:s11+$0x80] =	vst v24  }
0xee: {  	[tilespmem:s11+$0xFFFFFF80] =	vst v22  }
0xef: {  	[tilespmem:s10+$0xFFFFFF20] =	vst v25  }
0xf0: {  	v4 =	vmul.f32 v12, v4;
	[tilespmem:s11+$0x90] =	vst v20  }
0xf1: {  	v12 =	vmul.f32 v30, v3;
	v3 =	vmul.f32 v29, v3;
	[tilespmem:s11+$0xD0] =	vst v17  }
0xf2: {  	[tilespmem:s10+$0xB0] =	vst v4;
	v4 =	vld.idx.msk [tilespmem:v18+s20+$0x0], $0xffff  }
0xf3: {  	[tilespmem:s10+$0xE0] =	vst v3;
	v3 =	vmul.f32 v16, v9  }
0xf4: {  	v2 =	vmul.f32 v15, v2;
	[tilespmem:s10+$0xF0] =	vst v12  }
0xf5: {  	[tilespmem:s11+$0x50] =	vst v3  }
0xf6: {  	[tilespmem:s10+$0x70] =	vst v2;
	v2 =	vunpack.i.l.bf16.f32 v27;
	v12 =	vld [tilespmem:s8+$0x30]  }
0xf7: {  	[tilespmem:s11+$0xFFFFFF10] =	vst v10;
	v13 =	vld [tilespmem:s8+$0xFFFFFFD0];
	v3 =	vunpack.i.u.bf16.f32 v27;
	v2 =	vmul.f32 v2, v4  }
0xf8: {  	[tilespmem:s10+$0xFFFFFF30] =	vst v23;
	v3 =	vmul.f32 v3, v4  }
0xf9: {  	v15 =	vunpack.i.l.bf16.f32 v26;
	[tilespmem:s11+$0xFFFFFFC0] =	vst v2;
	v2 =	vld [tilespmem:s8+$0x10]  }
0xfa: {  	v15 =	vmul.f32 v15, v7;
	[tilespmem:s11+$0xFFFFFFD0] =	vst v3;
	v3 =	vunpack.i.u.bf16.f32 v26  }
0xfb: {  	[tilespmem:s11+$0xFFFFFF00] =	vst v19;
	v3 =	vmul.f32 v3, v7;
	v7 =	vld [tilespmem:s8+$0x50];
	v10 =	vunpack.i.l.bf16.f32 v12  }
0xfc: {  	v16 =	vunpack.i.u.bf16.f32 v13;
	[tilespmem:s11+$0xFFFFFF60] =	vst v15;
	v15 =	vld [tilespmem:s8+$0xFFFFFFF0];
	v10 =	vmul.f32 v10, v9  }
0xfd: {  	v13 =	vunpack.i.l.bf16.f32 v13;
	[tilespmem:s11+$0xFFFFFF70] =	vst v3;
	v3 =	vmul.f32 v16, v8  }
0xfe: {  	v8 =	vmul.f32 v13, v8;
	[tilespmem:s11+$0x60] =	vst v10;
	v16 =	vunpack.i.l.bf16.f32 v2;
	v2 =	vunpack.i.u.bf16.f32 v2  }
0xff: {  	[tilespmem:s11+$0xFFFFFFB0] =	vst v3;
	v3 =	vld [tilespmem:s8+$0x70];
	v2 =	vmul.f32 v2, v6  }
0x100: {  	[tilespmem:s11+$0xFFFFFFA0] =	vst v8;
	v10 =	vmul.f32 v16, v6;
	v6 =	vunpack.i.l.bf16.f32 v7  }
0x101: {  	v6 =	vmul.f32 v6, v14;
	[tilespmem:s11+$0x30] =	vst v2;
	v2 =	vunpack.i.l.bf16.f32 v15  }
0x102: {  	v13 =	vunpack.i.u.bf16.f32 v15;
	[tilespmem:s11+$0x20] =	vst v10;
	v10 =	vld [tilespmem:s8+$0xFFFFFF90];
	v2 =	vmul.f32 v2, v4  }
0x103: {  	v7 =	vunpack.i.u.bf16.f32 v7;
	[tilespmem:s11+$0xA0] =	vst v6;
	v4 =	vmul.f32 v13, v4  }
0x104: {  	v6 =	vmul.f32 v7, v14;
	[tilespmem:s11+$0xFFFFFFE0] =	vst v2;
	v2 =	vunpack.i.u.bf16.f32 v3  }
0x105: {  	[tilespmem:s11+$0xFFFFFFF0] =	vst v4;
	v3 =	vunpack.i.l.bf16.f32 v3;
	v2 =	vmul.f32 v2, v11  }
0x106: {  	[tilespmem:s11+$0xB0] =	vst v6;
	v6 =	vunpack.i.u.bf16.f32 v12;
	v3 =	vmul.f32 v3, v11  }
0x107: {  	v6 =	vmul.f32 v6, v9;
	v4 =	vunpack.i.l.bf16.f32 v10;
	[tilespmem:s11+$0xF0] =	vst v2  }
0x108: {  	s3 =	smul.u32 $0x500, s7;
	v4 =	vmul.f32 v4, v5;
	v2 =	vunpack.i.u.bf16.f32 v10;
	[tilespmem:s11+$0xE0] =	vst v3  }
0x109: {  	[tilespmem:s11+$0x70] =	vst v6;
	v2 =	vmul.f32 v2, v5  }
0x10a: {  	s8 =	sshra.s32 s3, $0x2;
	[tilespmem:s11+$0xFFFFFF20] =	vst v4  }
0x10b: {  	s6 =	sadd.s32 $0xFFFFFFF8, s5;
	s3 =	sadd.s32 $0x4E20, s8;
	[tilespmem:s11+$0xFFFFFF30] =	vst v2  }
0x10c: {  	[spmem:s1] =	stream.indirect.scatter.add.f32 [tilespmem:s31], [sflag:$0x5], $0x40, s3, s22, $0xb8;
	[tilespmem:$0x1F0A0] =	vst v63  }
0x10d: {  	s12 =	sadd.s32 $0x59, s6;
	s11 =	sadd.s32 $0x140, s8  }
0x10e: {  	[tilespmem:s23], [sflag:$0x1] =	stream.indirect.gather [hbm4b:s17+s22], $0x20, s11, s22, $0xb8;
	[tilespmem:$0x1F0A0] =	vst v63  }
0x10f: {  	s13 =	sadd.s32 $0x5D, s6;
	v2 =	vmov s12;
	_ =	swait.ge [sflag:s0], $0xA00  }
0x110: {  	s15 =	sadd.s32 $0x5C, s6;
	v3 =	vmov s13;
	v2 =	vshrl.u32 v2, $0x3;
	[sflag:s0] =	ssyncset.done $0x0  }
0x111: {  	v3 =	vshrl.u32 v3, $0x3;
	v5 =	vmov s15;
	s3 =	simm.s32 @!p1 $0x6;
	v2 =	vshll.u32 v2, v1;
	[sflag:s0] =	ssyncadd.s32 $0xFFFFF600  }
0x112: {  	v3 =	vshll.u32 v3, v1;
	v5 =	vshrl.u32 v5, $0x3;
	v2 =	vadd.s32 $0x1, v2;
	_ =	swait.ge @!p1 [sflag:s3], $0x1400  }
0x113: {  	s14 =	sadd.s32 $0x58, s6;
	v3 =	vadd.s32 $0x5, v3;
	v5 =	vshll.u32 v5, v1;
	v2 =	vbroadcast v2, $0x0;
	[sflag:s3] =	ssyncset.done @!p1 $0x0  }
0x114: {  	s18 =	sadd.s32 $0x5F, s6;
	v4 =	vmov s14;
	v3 =	vbroadcast v3, $0x0;
	v5 =	vadd.s32 $0x4, v5;
	[sflag:s3] =	ssyncadd.s32 @!p1 $0xFFFFEC00;
	s3 =	simm.s32 $0xF4E0  }
0x115: {  	s16 =	sadd.s32 $0x5A, s6;
	v8 =	vmov s18;
	v4 =	vshrl.u32 v4, $0x3;
	v5 =	vbroadcast v5, $0x0;
	v6 =	vld [tilespmem:s3+$0xFFFFFFC0]  }
0x116: {  	s4 =	sadd.s32 $0x0, s5;
	v8 =	vshrl.u32 v8, $0x3;
	v7 =	vmov s16;
	v4 =	vshll.u32 v4, v1;
	v9 =	vld [tilespmem:s3+$0x20]  }
0x117: {  	s18 =	sadd.s32 $0x58, s4;
	v8 =	vshll.u32 v8, v1;
	v7 =	vshrl.u32 v7, $0x3;
	v4 =	vbroadcast v4, $0x0;
	v11 =	vld [tilespmem:s3+$0xFFFFFFA0]  }
0x118: {  	s21 =	sadd.s32 $0x5E, s6;
	v30 =	vmov s18;
	v8 =	vadd.s32 $0x7, v8;
	s16 =	sadd.s32 $0x5D, s4;
	v7 =	vshll.u32 v7, v1;
	v12 =	vld [tilespmem:s3+$0xFFFFFF80]  }
0x119: {  	v29 =	vmov s16;
	v7 =	vadd.s32 $0x2, v7;
	v10 =	vmov s21;
	s13 =	sadd.s32 $0x5A, s4;
	v14 =	vld.idx.msk [tilespmem:v2+s20+$0x0], $0xffff  }
0x11a: {  	s6 =	sadd.s32 $0x5B, s6;
	v7 =	vbroadcast v7, $0x0;
	v10 =	vshrl.u32 v10, $0x3;
	v25 =	vmov s13;
	s15 =	sadd.s32 $0x5C, s4;
	v2 =	vld.idx.msk [tilespmem:v3+s20+$0x0], $0xffff  }
0x11b: {  	v10 =	vshll.u32 v10, v1;
	v28 =	vmov s15;
	v17 =	vld.idx.msk [tilespmem:v5+s20+$0x0], $0xffff;
	v5 =	vmov s6  }
0x11c: {  	s14 =	sadd.s32 $0x5B, s4;
	v3 =	vbroadcast v8, $0x0;
	v8 =	vadd.s32 $0x6, v10;
	v10 =	vld [tilespmem:s3+$0x40];
	v5 =	vshrl.u32 v5, $0x3  }
0x11d: {  	v26 =	vmov s14;
	v13 =	vld.idx.msk [tilespmem:v4+s20+$0x0], $0xffff;
	v8 =	vbroadcast v8, $0x0;
	v5 =	vshll.u32 v5, v1  }
0x11e: {  	v25 =	vshrl.u32 v25, $0x3;
	v26 =	vshrl.u32 v26, $0x3;
	v15 =	vld [tilespmem:s3+$0x0];
	v5 =	vadd.s32 $0x3, v5  }
0x11f: {  	v5 =	vbroadcast v5, $0x0;
	v16 =	vunpack.i.u.bf16.f32 v6;
	v20 =	vunpack.i.l.bf16.f32 v12  }
0x120: {  	v18 =	vunpack.i.l.bf16.f32 v11;
	v4 =	vunpack.i.l.bf16.f32 v9;
	v11 =	vunpack.i.u.bf16.f32 v11  }
0x121: {  	v19 =	vld [tilespmem:s3+$0x60];
	v12 =	vunpack.i.u.bf16.f32 v12;
	v23 =	vunpack.i.l.bf16.f32 v10;
	v21 =	vmul.f32 v4, v2  }
0x122: {  	s11 =	simm.s32 $0x12760;
	v6 =	vunpack.i.l.bf16.f32 v6;
	v10 =	vunpack.i.u.bf16.f32 v10;
	v3 =	vld.idx.msk [tilespmem:v3+s20+$0x0], $0xffff;
	v20 =	vmul.f32 v20, v13  }
0x123: {  	v9 =	vunpack.i.u.bf16.f32 v9;
	v22 =	vmul.f32 v12, v13;
	v12 =	vunpack.i.l.bf16.f32 v15;
	v4 =	vld.idx.msk [tilespmem:v8+s20+$0x0], $0xffff;
	[tilespmem:s11+$0x40] =	vst v21  }
0x124: {  	s12 =	sadd.s32 $0x59, s4;
	v8 =	vmul.f32 v18, v14;
	v18 =	vld.idx.msk [tilespmem:v7+s20+$0x0], $0xffff;
	v7 =	vunpack.i.u.bf16.f32 v15;
	v12 =	vmul.f32 v12, v17;
	[tilespmem:s11+$0xFFFFFF00] =	vst v20  }
0x125: {  	v24 =	vld [tilespmem:s3+$0xFFFFFFE0];
	v11 =	vmul.f32 v11, v14;
	v7 =	vmul.f32 v7, v17;
	v21 =	vmov s12;
	[tilespmem:s11+$0xFFFFFF10] =	vst v22  }
0x126: {  	v9 =	vmul.f32 v9, v2;
	v15 =	vunpack.i.l.bf16.f32 v19;
	v21 =	vshrl.u32 v21, $0x3;
	[tilespmem:s11+$0x0] =	vst v12  }
0x127: {  	v12 =	vshrl.u32 v28, $0x3;
	v32 =	vld.idx.msk [tilespmem:v5+s20+$0x0], $0xffff;
	v5 =	vshrl.u32 v29, $0x3;
	[tilespmem:s11+$0x10] =	vst v7;
	v7 =	vshrl.u32 v30, $0x3  }
0x128: {  	s10 =	simm.s32 $0xF5E0;
	[tilespmem:s11+$0xFFFFFF40] =	vst v8;
	v61 =	vld [tilespmem:s3+$0xFFFFFF90];
	v15 =	vmul.f32 v15, v3;
	v5 =	vshll.u32 v5, v1;
	v8 =	vmul.f32 v23, v4  }
0x129: {  	[tilespmem:s11+$0xFFFFFF50] =	vst v11;
	v30 =	vld [tilespmem:s10+$0xFFFFFFA0];
	v7 =	vshll.u32 v7, v1;
	v6 =	vmul.f32 v6, v18;
	v11 =	vmul.f32 v16, v18  }
0x12a: {  	[tilespmem:s11+$0x50] =	vst v9;
	v16 =	vunpack.i.u.bf16.f32 v19;
	v10 =	vmul.f32 v10, v4;
	v19 =	vld [tilespmem:s3+$0xFFFFFFB0];
	v23 =	vunpack.i.u.bf16.f32 v24  }
0x12b: {  	v24 =	vunpack.i.l.bf16.f32 v24;
	v5 =	vadd.s32 $0x5, v5;
	[tilespmem:s11+$0xFFFFFF80] =	vst v6;
	v6 =	vshll.u32 v21, v1  }
0x12c: {  	s21 =	sadd.s32 $0x5F, s4;
	v27 =	vld [tilespmem:s10+$0xFFFFFFC0];
	s6 =	sadd.s32 $0x5E, s4;
	v16 =	vmul.f32 v16, v3;
	v5 =	vbroadcast v5, $0x0;
	[tilespmem:s11+$0xFFFFFF90] =	vst v11;
	v6 =	vadd.s32 $0x1, v6  }
0x12d: {  	v34 =	vld [tilespmem:s10+$0xFFFFFF80];
	v11 =	vmov s21;
	[tilespmem:s11+$0x90] =	vst v10;
	v10 =	vmov s6;
	v6 =	vbroadcast v6, $0x0  }
0x12e: {  	[tilespmem:s11+$0x80] =	vst v8;
	v63 =	vunpack.i.u.bf16.f32 v61;
	v29 =	vld [tilespmem:s3+$0xFFFFFFD0];
	v9 =	vmul.f32 v24, v32;
	v11 =	vshrl.u32 v11, $0x3  }
0x12f: {  	v28 =	vld [tilespmem:s3+$0x50];
	v23 =	vmul.f32 v23, v32;
	v22 =	vunpack.i.l.bf16.f32 v30;
	v31 =	vunpack.i.u.bf16.f32 v19  }
0x130: {  	v33 =	vld [tilespmem:s3+$0x10];
	v11 =	vshll.u32 v11, v1;
	v19 =	vunpack.i.l.bf16.f32 v19;
	v21 =	vmul.f32 v31, v14  }
0x131: {  	v24 =	vld [tilespmem:s3+$0x30];
	v8 =	vmul.f32 v19, v14;
	v31 =	vbroadcast v7, $0x0;
	v7 =	vshll.u32 v12, v1  }
0x132: {  	v14 =	vld [tilespmem:s10+$0x20];
	v19 =	vunpack.i.u.bf16.f32 v27;
	v27 =	vunpack.i.l.bf16.f32 v27;
	v7 =	vadd.s32 $0x4, v7  }
0x133: {  	v35 =	vbroadcast v7, $0x0;
	v36 =	vunpack.i.l.bf16.f32 v29;
	v7 =	vld.idx.msk [tilespmem:v6+s20+$0x0], $0xffff;
	v6 =	vshrl.u32 v10, $0x3  }
0x134: {  	[tilespmem:s11+$0xFFFFFFC0] =	vst v9;
	v9 =	vld.idx.msk [tilespmem:v5+s20+$0x0], $0xffff;
	v12 =	vunpack.i.u.bf16.f32 v28;
	v10 =	vadd.s32 $0x7, v11;
	v5 =	vshll.u32 v6, v1  }
0x135: {  	v37 =	vld [tilespmem:s10+$0x0];
	[tilespmem:s11+$0xC0] =	vst v15;
	v10 =	vbroadcast v10, $0x0;
	v6 =	vshll.u32 v25, v1;
	v11 =	vadd.s32 $0x6, v5  }
0x136: {  	v38 =	vld [tilespmem:s10+$0x60];
	[tilespmem:s11+$0xFFFFFFD0] =	vst v23;
	v15 =	vunpack.i.u.bf16.f32 v24;
	v6 =	vadd.s32 $0x2, v6;
	v23 =	vbroadcast v11, $0x0  }
0x137: {  	[tilespmem:s11+$0xD0] =	vst v16;
	v25 =	vunpack.i.u.bf16.f32 v29;
	v16 =	vunpack.i.u.bf16.f32 v14;
	v5 =	vld.idx.msk [tilespmem:v31+s20+$0x0], $0xffff;
	v31 =	vbroadcast v6, $0x0  }
0x138: {  	[tilespmem:s11+$0xFFFFFF60] =	vst v8;
	v8 =	vunpack.i.l.bf16.f32 v14;
	v14 =	vmul.f32 v25, v18;
	v25 =	vunpack.i.u.bf16.f32 v30;
	v30 =	vld [tilespmem:s3+$0xFFFFFFF0]  }
0x139: {  	v20 =	vld [tilespmem:s10+$0x40];
	[tilespmem:s11+$0xFFFFFF70] =	vst v21;
	v21 =	vunpack.i.l.bf16.f32 v33;
	v28 =	vunpack.i.l.bf16.f32 v28;
	v8 =	vmul.f32 v8, v9  }
0x13a: {  	s12 =	simm.s32 $0x12960;
	v60 =	vmul.f32 v28, v4;
	v11 =	vunpack.i.l.bf16.f32 v24;
	v6 =	vld.idx.msk [tilespmem:v35+s20+$0x0], $0xffff;
	[tilespmem:s11+$0xFFFFFFB0] =	vst v14;
	v22 =	vmul.f32 v22, v7  }
0x13b: {  	v29 =	vunpack.i.l.bf16.f32 v34;
	v18 =	vmul.f32 v36, v18;
	v59 =	vmul.f32 v11, v2;
	[tilespmem:s12+$0x40] =	vst v8;
	v11 =	vld.idx.msk [tilespmem:v10+s20+$0x0], $0xffff  }
0x13c: {  	v24 =	vunpack.i.u.bf16.f32 v33;
	v10 =	vunpack.i.u.bf16.f32 v34;
	[tilespmem:s12+$0xFFFFFF40] =	vst v22;
	v22 =	vshll.u32 v26, v1;
	v14 =	vld.idx.msk [tilespmem:v23+s20+$0x0], $0xffff  }
0x13d: {  	[tilespmem:s11+$0xFFFFFFA0] =	vst v18;
	v26 =	vunpack.i.l.bf16.f32 v38;
	v18 =	vunpack.i.l.bf16.f32 v30;
	v23 =	vmul.f32 v21, v17;
	v8 =	vld.idx.msk [tilespmem:v31+s20+$0x0], $0xffff  }
0x13e: {  	[tilespmem:s11+$0xA0] =	vst v60;
	v10 =	vmul.f32 v10, v5;
	v21 =	vunpack.i.l.bf16.f32 v37;
	v17 =	vmul.f32 v24, v17  }
0x13f: {  	v31 =	vunpack.i.u.bf16.f32 v37;
	v24 =	vmul.f32 v25, v7;
	v21 =	vmul.f32 v21, v6;
	[tilespmem:s11+$0x20] =	vst v23  }
0x140: {  	v62 =	vld [tilespmem:s3+$0x70];
	v23 =	vadd.s32 $0x3, v22;
	[tilespmem:s11+$0x30] =	vst v17;
	v17 =	vmul.f32 v31, v6;
	v31 =	vunpack.i.u.bf16.f32 v30  }
0x141: {  	[tilespmem:s11+$0x60] =	vst v59;
	v22 =	vunpack.i.l.bf16.f32 v20;
	v26 =	vmul.f32 v26, v11;
	v31 =	vmul.f32 v31, v32  }
0x142: {  	v25 =	vunpack.i.u.bf16.f32 v38;
	[tilespmem:s12+$0xFFFFFF50] =	vst v24;
	v24 =	vmul.f32 v22, v14;
	v22 =	vmul.f32 v27, v8;
	v27 =	vld [tilespmem:s10+$0xFFFFFFE0]  }
0x143: {  	[tilespmem:s12+$0x10] =	vst v17;
	v17 =	vmul.f32 v25, v11;
	v28 =	vmul.f32 v19, v8;
	v19 =	vunpack.i.u.bf16.f32 v20  }
0x144: {  	v25 =	vunpack.i.l.bf16.f32 v61;
	[tilespmem:s12+$0xC0] =	vst v26;
	v20 =	vmul.f32 v19, v14;
	v19 =	vmul.f32 v18, v32  }
0x145: {  	s16 =	simm.s32 $0xF6E0;
	v30 =	vunpack.i.u.bf16.f32 v62;
	v25 =	vmul.f32 v25, v13;
	[tilespmem:s11+$0xFFFFFFF0] =	vst v31;
	v18 =	vbroadcast v23, $0x0  }
0x146: {  	s15 =	simm.s32 $0x8;
	s14 =	sor.u32 $0x1, s9;
	s3 =	simm.s32 $0x12960;
	v26 =	vld [tilespmem:s10+$0xFFFFFFB0];
	v23 =	vmul.f32 v63, v13;
	[tilespmem:s11+$0xFFFFFFE0] =	vst v19;
	v19 =	vmul.f32 v29, v5;
	v29 =	vunpack.i.l.bf16.f32 v62  }
.LBB2_7:
0x147: {  	s6 =	sadd.s32 s15, s5;
	s15 =	sadd.s32 $0x8, s15;
	[tilespmem:s12+$0xFFFFFF90] =	vst v28;
	v28 =	vunpack.i.u.bf16.f32 v27;
	v16 =	vmul.f32 v16, v9;
	s3 =	sadd.s32 $0x200, s3;
	v15 =	vmul.f32 v15, v2;
	v2 =	vmovc v9  }
0x148: {  	v9 =	vunpack.i.l.bf16.f32 v27;
	v12 =	vmul.f32 v12, v4;
	v4 =	vmovc v14;
	s13 =	sadd.s32 $0x59, s6;
	s21 =	sadd.s32 $0x5A, s6;
	v13 =	vld [tilespmem:s16+$0xFFFFFFC0];
	s4 =	sadd.s32 $0x5B, s6;
	[tilespmem:s12+$0x0] =	vst v21;
	v21 =	vmul.f32 v30, v3  }
0x149: {  	v14 =	vmov s13;
	v27 =	vmov s21;
	v30 =	vmov s4;
	s4 =	sadd.s32 $0x5C, s6;
	s13 =	sadd.s32 $0x5D, s6;
	s21 =	sadd.s32 $0x5E, s6;
	[tilespmem:s12+$0x80] =	vst v24  }
0x14a: {  	s18 =	sadd.s32 $0x58, s6;
	p1 =	slt.u32 s15, $0x48;
	v24 =	vmov s4;
	v31 =	vmov s13;
	s4 =	sadd.s32 $0x5F, s6;
	[tilespmem:s11+$0xB0] =	vst v12;
	v12 =	vmul.f32 v29, v3;
	v3 =	vmovc v11  }
0x14b: {  	v11 =	vmov s18;
	v29 =	vmov s4;
	v32 =	vunpack.i.u.bf16.f32 v26;
	v18 =	vld.idx.msk [tilespmem:v18+s20+$0x0], $0xffff;
	[tilespmem:s11+$0xF0] =	vst v21  }
0x14c: {  	v14 =	vshrl.u32 v14, $0x3;
	v21 =	vshrl.u32 v31, $0x3;
	v26 =	vunpack.i.l.bf16.f32 v26;
	[tilespmem:s12+$0xFFFFFF80] =	vst v22  }
0x14d: {  	v14 =	vshll.u32 v14, v1;
	v21 =	vshll.u32 v21, v1;
	v22 =	vmul.f32 v32, v7;
	[tilespmem:s11+$0xE0] =	vst v12  }
0x14e: {  	v12 =	vadd.s32 $0x1, v14;
	v14 =	vadd.s32 $0x5, v21;
	v21 =	vmul.f32 v26, v7;
	v26 =	vld [tilespmem:s10+$0xFFFFFFD0];
	[tilespmem:s11+$0xFFFFFF20] =	vst v25  }
0x14f: {  	v7 =	vbroadcast v12, $0x0;
	v25 =	vunpack.i.u.bf16.f32 v13;
	v12 =	vmov s21;
	v31 =	vld [tilespmem:s16+$0x20];
	[tilespmem:s11+$0x70] =	vst v15  }
0x150: {  	v11 =	vshrl.u32 v11, $0x3;
	v14 =	vbroadcast v14, $0x0;
	v15 =	vshrl.u32 v27, $0x3;
	v32 =	vld [tilespmem:s16+$0xFFFFFFA0];
	[tilespmem:s12+$0x90] =	vst v20  }
0x151: {  	v11 =	vshll.u32 v11, v1;
	v20 =	vshrl.u32 v24, $0x3;
	v9 =	vmul.f32 v9, v18;
	v24 =	vld [tilespmem:s10+$0x50];
	[tilespmem:s11+$0xFFFFFF30] =	vst v23;
	s11 =	smov.u32 s12;
	s12 =	smov.u32 s3  }
0x152: {  	v11 =	vbroadcast v11, $0x0;
	v20 =	vshll.u32 v20, v1;
	v23 =	vmul.f32 v28, v18;
	v27 =	vld [tilespmem:s10+$0x10];
	[tilespmem:s11+$0x50] =	vst v16  }
0x153: {  	v16 =	vadd.s32 $0x4, v20;
	v20 =	vshrl.u32 v29, $0x3;
	[tilespmem:s11+$0xFFFFFFC0] =	vst v9;
	v28 =	vld [tilespmem:s10+$0x30]  }
0x154: {  	v16 =	vbroadcast v16, $0x0;
	v9 =	vshll.u32 v20, v1;
	v29 =	vld [tilespmem:s16+$0xFFFFFF80];
	[tilespmem:s11+$0xFFFFFF00] =	vst v19  }
0x155: {  	v12 =	vshrl.u32 v12, $0x3;
	v20 =	vunpack.i.l.bf16.f32 v26;
	v19 =	vadd.s32 $0x7, v9;
	v7 =	vld.idx.msk [tilespmem:v7+s20+$0x0], $0xffff;
	[tilespmem:s11+$0xFFFFFFD0] =	vst v23  }
0x156: {  	v19 =	vbroadcast v19, $0x0;
	v9 =	vld.idx.msk [tilespmem:v14+s20+$0x0], $0xffff;
	v14 =	vshll.u32 v12, v1;
	v12 =	vunpack.i.u.bf16.f32 v24;
	[tilespmem:s11+$0xD0] =	vst v17  }
0x157: {  	v15 =	vshll.u32 v15, v1;
	v14 =	vadd.s32 $0x6, v14;
	v17 =	vld [tilespmem:s16+$0x40];
	[tilespmem:s11+$0xFFFFFF10] =	vst v10;
	v10 =	vunpack.i.u.bf16.f32 v26  }
0x158: {  	v33 =	vld.idx.msk [tilespmem:v11+s20+$0x0], $0xffff;
	v11 =	vadd.s32 $0x2, v15;
	v14 =	vbroadcast v14, $0x0;
	[tilespmem:s11+$0xFFFFFF60] =	vst v21;
	v21 =	vunpack.i.l.bf16.f32 v28  }
0x159: {  	v15 =	vunpack.i.u.bf16.f32 v28;
	v23 =	vunpack.i.l.bf16.f32 v29;
	v26 =	vbroadcast v11, $0x0;
	v34 =	vld [tilespmem:s16+$0x0];
	[tilespmem:s11+$0xFFFFFF70] =	vst v22  }
0x15a: {  	v35 =	vunpack.i.u.bf16.f32 v27;
	v22 =	vunpack.i.l.bf16.f32 v32;
	v21 =	vmul.f32 v21, v2;
	v28 =	vld.idx.msk [tilespmem:v16+s20+$0x0], $0xffff  }
0x15b: {  	v10 =	vmul.f32 v10, v8;
	v11 =	vunpack.i.l.bf16.f32 v31;
	v16 =	vunpack.i.u.bf16.f32 v31;
	v31 =	vld [tilespmem:s16+$0x60]  }
0x15c: {  	v32 =	vunpack.i.u.bf16.f32 v32;
	v36 =	vmul.f32 v11, v9;
	v11 =	vld.idx.msk [tilespmem:v19+s20+$0x0], $0xffff;
	v19 =	vunpack.i.l.bf16.f32 v27;
	[tilespmem:s11+$0x60] =	vst v21  }
0x15d: {  	v24 =	vunpack.i.l.bf16.f32 v24;
	v22 =	vmul.f32 v22, v7;
	v21 =	vunpack.i.u.bf16.f32 v29;
	[tilespmem:s11+$0xFFFFFFB0] =	vst v10;
	v27 =	vld [tilespmem:s10+$0xFFFFFFF0]  }
0x15e: {  	v10 =	vmul.f32 v21, v33;
	v21 =	vshrl.u32 v30, $0x3;
	v19 =	vmul.f32 v19, v6;
	[tilespmem:s3+$0x40] =	vst v36;
	v14 =	vld.idx.msk [tilespmem:v14+s20+$0x0], $0xffff  }
0x15f: {  	v29 =	vunpack.i.u.bf16.f32 v34;
	v30 =	vunpack.i.l.bf16.f32 v34;
	v34 =	vmul.f32 v24, v4;
	v26 =	vld.idx.msk [tilespmem:v26+s20+$0x0], $0xffff  }
0x160: {  	v24 =	vmul.f32 v35, v6;
	[tilespmem:s3+$0xFFFFFF40] =	vst v22;
	v22 =	vshll.u32 v21, v1;
	v21 =	vmul.f32 v30, v28  }
0x161: {  	v6 =	vmovc v28;
	v30 =	vmul.f32 v32, v7;
	v32 =	vunpack.i.u.bf16.f32 v31;
	v31 =	vunpack.i.l.bf16.f32 v31;
	v35 =	vld [tilespmem:s10+$0xFFFFFF90];
	[tilespmem:s11+$0x20] =	vst v19  }
0x162: {  	v38 =	vmul.f32 v20, v8;
	v19 =	vadd.s32 $0x3, v22;
	v31 =	vmul.f32 v31, v11;
	[tilespmem:s11+$0x30] =	vst v24  }
0x163: {  	v20 =	vunpack.i.l.bf16.f32 v17;
	v29 =	vmul.f32 v29, v6;
	[tilespmem:s3+$0xFFFFFF50] =	vst v30;
	v30 =	vunpack.i.u.bf16.f32 v27;
	v36 =	vld [tilespmem:s10+$0x70];
	s10 =	smov.u32 s16  }
0x164: {  	v13 =	vunpack.i.l.bf16.f32 v13;
	v37 =	vunpack.i.l.bf16.f32 v27;
	v24 =	vmul.f32 v20, v14;
	[tilespmem:s11+$0xFFFFFFA0] =	vst v38  }
.Ltmp2:
0x165: {  	v22 =	vmul.f32 v13, v26;
	v28 =	vmul.f32 v25, v26;
	v13 =	vunpack.i.u.bf16.f32 v17;
	v8 =	vmovc v26;
	v27 =	vld [tilespmem:s16+$0xFFFFFFE0];
	[tilespmem:s11+$0xA0] =	vst v34;
	(pc) =	sbr.rel @p1 .LBB2_7-.Ltmp2, $4  }
0x166: {  	v26 =	vmul.f32 v37, v18;
	v20 =	vmul.f32 v13, v14;
	[tilespmem:s3+$0xC0] =	vst v31;
	v13 =	vunpack.i.u.bf16.f32 v35  }
0x167: {  	v17 =	vmul.f32 v32, v11;
	v25 =	vunpack.i.l.bf16.f32 v35;
	[tilespmem:s3+$0x10] =	vst v29;
	v29 =	vmul.f32 v30, v18  }
0x168: {  	v18 =	vbroadcast v19, $0x0;
	v25 =	vmul.f32 v25, v5;
	[tilespmem:s11+$0xFFFFFFE0] =	vst v26;
	v30 =	vunpack.i.u.bf16.f32 v36  }
0x169: {  	s16 =	sadd.s32 $0x100, s16;
	v19 =	vmul.f32 v23, v33;
	v23 =	vmul.f32 v13, v5;
	v5 =	vmovc v33;
	v26 =	vld [tilespmem:s10+$0xFFFFFFB0];
	[tilespmem:s11+$0xFFFFFFF0] =	vst v29;
	v29 =	vunpack.i.l.bf16.f32 v36  }
0x16a: {  	[tilespmem:s12+$0xFFFFFF90] =	vst v28  }
0x16b: {  	[tilespmem:s12+$0x0] =	vst v21  }
0x16c: {  	[tilespmem:s12+$0x80] =	vst v24  }
0x16d: {  	[tilespmem:s12+$0xFFFFFF80] =	vst v22  }
0x16e: {  	[tilespmem:s11+$0xFFFFFF20] =	vst v25  }
0x16f: {  	v4 =	vmul.f32 v12, v4;
	[tilespmem:s12+$0x90] =	vst v20  }
0x170: {  	v12 =	vmul.f32 v30, v3;
	v3 =	vmul.f32 v29, v3;
	[tilespmem:s12+$0xD0] =	vst v17  }
0x171: {  	[tilespmem:s11+$0xB0] =	vst v4;
	v4 =	vld.idx.msk [tilespmem:v18+s20+$0x0], $0xffff  }
0x172: {  	[tilespmem:s11+$0xE0] =	vst v3;
	v3 =	vmul.f32 v16, v9  }
0x173: {  	v2 =	vmul.f32 v15, v2;
	[tilespmem:s11+$0xF0] =	vst v12  }
0x174: {  	[tilespmem:s12+$0x50] =	vst v3  }
0x175: {  	[tilespmem:s11+$0x70] =	vst v2;
	v2 =	vunpack.i.l.bf16.f32 v27;
	v12 =	vld [tilespmem:s10+$0x30]  }
0x176: {  	[tilespmem:s12+$0xFFFFFF10] =	vst v10;
	v13 =	vld [tilespmem:s10+$0xFFFFFFD0];
	v3 =	vunpack.i.u.bf16.f32 v27;
	v2 =	vmul.f32 v2, v4  }
0x177: {  	[tilespmem:s11+$0xFFFFFF30] =	vst v23;
	v3 =	vmul.f32 v3, v4  }
0x178: {  	v15 =	vunpack.i.l.bf16.f32 v26;
	[tilespmem:s12+$0xFFFFFFC0] =	vst v2;
	v2 =	vld [tilespmem:s10+$0x10]  }
0x179: {  	v15 =	vmul.f32 v15, v7;
	[tilespmem:s12+$0xFFFFFFD0] =	vst v3;
	v3 =	vunpack.i.u.bf16.f32 v26  }
0x17a: {  	[tilespmem:s12+$0xFFFFFF00] =	vst v19;
	v3 =	vmul.f32 v3, v7;
	v7 =	vld [tilespmem:s10+$0x50];
	v10 =	vunpack.i.l.bf16.f32 v12  }
0x17b: {  	v16 =	vunpack.i.u.bf16.f32 v13;
	[tilespmem:s12+$0xFFFFFF60] =	vst v15;
	v15 =	vld [tilespmem:s10+$0xFFFFFFF0];
	v10 =	vmul.f32 v10, v9  }
0x17c: {  	v13 =	vunpack.i.l.bf16.f32 v13;
	[tilespmem:s12+$0xFFFFFF70] =	vst v3;
	v3 =	vmul.f32 v16, v8  }
0x17d: {  	v8 =	vmul.f32 v13, v8;
	[tilespmem:s12+$0x60] =	vst v10;
	v16 =	vunpack.i.l.bf16.f32 v2;
	v2 =	vunpack.i.u.bf16.f32 v2  }
0x17e: {  	[tilespmem:s12+$0xFFFFFFB0] =	vst v3;
	v3 =	vld [tilespmem:s10+$0x70];
	v2 =	vmul.f32 v2, v6  }
0x17f: {  	[tilespmem:s12+$0xFFFFFFA0] =	vst v8;
	v10 =	vmul.f32 v16, v6;
	v6 =	vunpack.i.l.bf16.f32 v7  }
0x180: {  	v6 =	vmul.f32 v6, v14;
	[tilespmem:s12+$0x30] =	vst v2;
	v2 =	vunpack.i.l.bf16.f32 v15  }
0x181: {  	v13 =	vunpack.i.u.bf16.f32 v15;
	[tilespmem:s12+$0x20] =	vst v10;
	v10 =	vld [tilespmem:s10+$0xFFFFFF90];
	v2 =	vmul.f32 v2, v4  }
0x182: {  	v7 =	vunpack.i.u.bf16.f32 v7;
	[tilespmem:s12+$0xA0] =	vst v6;
	v4 =	vmul.f32 v13, v4  }
0x183: {  	v6 =	vmul.f32 v7, v14;
	[tilespmem:s12+$0xFFFFFFE0] =	vst v2;
	v2 =	vunpack.i.u.bf16.f32 v3  }
0x184: {  	[tilespmem:s12+$0xFFFFFFF0] =	vst v4;
	v3 =	vunpack.i.l.bf16.f32 v3;
	v2 =	vmul.f32 v2, v11  }
0x185: {  	[tilespmem:s12+$0xB0] =	vst v6;
	v6 =	vunpack.i.u.bf16.f32 v12;
	v3 =	vmul.f32 v3, v11  }
0x186: {  	v6 =	vmul.f32 v6, v9;
	v4 =	vunpack.i.l.bf16.f32 v10;
	[tilespmem:s12+$0xF0] =	vst v2  }
0x187: {  	s3 =	smul.u32 $0x140, s14;
	v4 =	vmul.f32 v4, v5;
	v2 =	vunpack.i.u.bf16.f32 v10;
	[tilespmem:s12+$0xE0] =	vst v3  }
0x188: {  	[tilespmem:s12+$0x70] =	vst v6;
	v2 =	vmul.f32 v2, v5  }
0x189: {  	s3 =	sshra.s32 s3, $0x2;
	[tilespmem:s12+$0xFFFFFF20] =	vst v4  }
0x18a: {  	s4 =	sadd.s32 $0xFFFFFFF8, s5;
	s3 =	sadd.s32 $0x4E20, s3;
	[tilespmem:s12+$0xFFFFFF30] =	vst v2  }
0x18b: {  	[spmem:s1] =	stream.indirect.scatter.add.f32 [tilespmem:s19], [sflag:$0x6], $0x40, s3, s22, $0xb8;
	[tilespmem:$0x1F0A0] =	vst v63  }
0x18c: {  	s14 =	sadd.s32 $0x190, s8;
	s15 =	sadd.s32 $0xA9, s4;
	s16 =	sadd.s32 $0xAD, s4  }
0x18d: {  	v2 =	vmov s15;
	[tilespmem:s24], [sflag:$0x2] =	stream.indirect.gather [hbm4b:s17+s22], $0x20, s14, s22, $0xb8;
	[tilespmem:$0x1F0A0] =	vst v63  }
0x18e: {  	s6 =	sadd.s32 $0xAC, s4;
	v3 =	vmov s16;
	v2 =	vshrl.u32 v2, $0x3;
	_ =	swait.ge [sflag:s25], $0xA00  }
0x18f: {  	v3 =	vshrl.u32 v3, $0x3;
	v5 =	vmov s6;
	v2 =	vshll.u32 v2, v1;
	[sflag:s25] =	ssyncset.done $0x0  }
0x190: {  	v3 =	vshll.u32 v3, v1;
	v5 =	vshrl.u32 v5, $0x3;
	v2 =	vadd.s32 $0x1, v2;
	[sflag:s25] =	ssyncadd.s32 $0xFFFFF600  }
0x191: {  	v3 =	vadd.s32 $0x5, v3;
	v5 =	vshll.u32 v5, v1;
	v2 =	vbroadcast v2, $0x0;
	_ =	swait.ge [sflag:s26], $0x1400  }
0x192: {  	s18 =	sadd.s32 $0xA8, s4;
	v3 =	vbroadcast v3, $0x0;
	v5 =	vadd.s32 $0x4, v5;
	[sflag:s26] =	ssyncset.done $0x0  }
0x193: {  	s10 =	sadd.s32 $0xAF, s4;
	v4 =	vmov s18;
	s3 =	simm.s32 $0xFEE0;
	v5 =	vbroadcast v5, $0x0;
	[sflag:s26] =	ssyncadd.s32 $0xFFFFEC00  }
0x194: {  	s21 =	sadd.s32 $0xAA, s4;
	v8 =	vmov s10;
	v4 =	vshrl.u32 v4, $0x3;
	v6 =	vld [tilespmem:s3+$0xFFFFFFC0]  }
0x195: {  	s11 =	sadd.s32 $0xAE, s4;
	v7 =	vmov s21;
	v8 =	vshrl.u32 v8, $0x3;
	v4 =	vshll.u32 v4, v1;
	v9 =	vld [tilespmem:s3+$0x20]  }
0x196: {  	v7 =	vshrl.u32 v7, $0x3;
	v10 =	vmov s11;
	v4 =	vbroadcast v4, $0x0;
	v12 =	vld [tilespmem:s3+$0xFFFFFF80]  }
0x197: {  	v8 =	vshll.u32 v8, v1;
	v7 =	vshll.u32 v7, v1;
	v10 =	vshrl.u32 v10, $0x3;
	v14 =	vld.idx.msk [tilespmem:v2+s20+$0x0], $0xffff  }
0x198: {  	s4 =	sadd.s32 $0xAB, s4;
	v8 =	vadd.s32 $0x7, v8;
	v7 =	vadd.s32 $0x2, v7;
	v10 =	vshll.u32 v10, v1;
	v2 =	vld.idx.msk [tilespmem:v3+s20+$0x0], $0xffff  }
0x199: {  	v3 =	vbroadcast v8, $0x0;
	v8 =	vadd.s32 $0x6, v10;
	v17 =	vld.idx.msk [tilespmem:v5+s20+$0x0], $0xffff;
	v5 =	vmov s4;
	s4 =	sadd.s32 $0x0, s5  }
0x19a: {  	v7 =	vbroadcast v7, $0x0;
	v11 =	vld [tilespmem:s3+$0xFFFFFFA0];
	v8 =	vbroadcast v8, $0x0;
	v5 =	vshrl.u32 v5, $0x3;
	s14 =	sadd.s32 $0xAA, s4;
	s13 =	sadd.s32 $0xAB, s4  }
0x19b: {  	v10 =	vld [tilespmem:s3+$0x40];
	s15 =	sadd.s32 $0xAC, s4;
	s16 =	sadd.s32 $0xAD, s4;
	s18 =	sadd.s32 $0xA8, s4;
	v5 =	vshll.u32 v5, v1;
	v25 =	vmov s14;
	v26 =	vmov s13  }
0x19c: {  	v13 =	vld.idx.msk [tilespmem:v4+s20+$0x0], $0xffff;
	v28 =	vmov s15;
	v29 =	vmov s16;
	v30 =	vmov s18  }
0x19d: {  	v15 =	vld [tilespmem:s3+$0x0];
	v5 =	vadd.s32 $0x3, v5;
	v25 =	vshrl.u32 v25, $0x3;
	v26 =	vshrl.u32 v26, $0x3  }
0x19e: {  	v5 =	vbroadcast v5, $0x0;
	v16 =	vunpack.i.u.bf16.f32 v6;
	v20 =	vunpack.i.l.bf16.f32 v12  }
0x19f: {  	v18 =	vunpack.i.l.bf16.f32 v11;
	v4 =	vunpack.i.l.bf16.f32 v9;
	v11 =	vunpack.i.u.bf16.f32 v11  }
0x1a0: {  	v19 =	vld [tilespmem:s3+$0x60];
	v12 =	vunpack.i.u.bf16.f32 v12;
	v23 =	vunpack.i.l.bf16.f32 v10;
	v21 =	vmul.f32 v4, v2  }
0x1a1: {  	s11 =	simm.s32 $0x11360;
	v6 =	vunpack.i.l.bf16.f32 v6;
	v10 =	vunpack.i.u.bf16.f32 v10;
	v3 =	vld.idx.msk [tilespmem:v3+s20+$0x0], $0xffff;
	v20 =	vmul.f32 v20, v13  }
0x1a2: {  	v9 =	vunpack.i.u.bf16.f32 v9;
	v22 =	vmul.f32 v12, v13;
	v12 =	vunpack.i.l.bf16.f32 v15;
	v4 =	vld.idx.msk [tilespmem:v8+s20+$0x0], $0xffff;
	[tilespmem:s11+$0x40] =	vst v21  }
0x1a3: {  	s12 =	sadd.s32 $0xA9, s4;
	v8 =	vmul.f32 v18, v14;
	v18 =	vld.idx.msk [tilespmem:v7+s20+$0x0], $0xffff;
	v7 =	vunpack.i.u.bf16.f32 v15;
	v12 =	vmul.f32 v12, v17;
	[tilespmem:s11+$0xFFFFFF00] =	vst v20  }
0x1a4: {  	v24 =	vld [tilespmem:s3+$0xFFFFFFE0];
	v11 =	vmul.f32 v11, v14;
	v7 =	vmul.f32 v7, v17;
	v21 =	vmov s12;
	[tilespmem:s11+$0xFFFFFF10] =	vst v22  }
0x1a5: {  	v9 =	vmul.f32 v9, v2;
	v15 =	vunpack.i.l.bf16.f32 v19;
	v21 =	vshrl.u32 v21, $0x3;
	[tilespmem:s11+$0x0] =	vst v12  }
0x1a6: {  	v12 =	vshrl.u32 v28, $0x3;
	v32 =	vld.idx.msk [tilespmem:v5+s20+$0x0], $0xffff;
	v5 =	vshrl.u32 v29, $0x3;
	[tilespmem:s11+$0x10] =	vst v7;
	v7 =	vshrl.u32 v30, $0x3  }
0x1a7: {  	s10 =	simm.s32 $0xFFE0;
	[tilespmem:s11+$0xFFFFFF40] =	vst v8;
	v61 =	vld [tilespmem:s3+$0xFFFFFF90];
	v15 =	vmul.f32 v15, v3;
	v5 =	vshll.u32 v5, v1;
	v8 =	vmul.f32 v23, v4  }
0x1a8: {  	[tilespmem:s11+$0xFFFFFF50] =	vst v11;
	v30 =	vld [tilespmem:s10+$0xFFFFFFA0];
	v7 =	vshll.u32 v7, v1;
	v6 =	vmul.f32 v6, v18;
	v11 =	vmul.f32 v16, v18  }
0x1a9: {  	[tilespmem:s11+$0x50] =	vst v9;
	v16 =	vunpack.i.u.bf16.f32 v19;
	v10 =	vmul.f32 v10, v4;
	v19 =	vld [tilespmem:s3+$0xFFFFFFB0];
	v23 =	vunpack.i.u.bf16.f32 v24  }
0x1aa: {  	v24 =	vunpack.i.l.bf16.f32 v24;
	v5 =	vadd.s32 $0x5, v5;
	[tilespmem:s11+$0xFFFFFF80] =	vst v6;
	v6 =	vshll.u32 v21, v1  }
0x1ab: {  	v27 =	vld [tilespmem:s10+$0xFFFFFFC0];
	s21 =	sadd.s32 $0xAF, s4;
	s4 =	sadd.s32 $0xAE, s4;
	v16 =	vmul.f32 v16, v3;
	v5 =	vbroadcast v5, $0x0;
	[tilespmem:s11+$0xFFFFFF90] =	vst v11;
	v6 =	vadd.s32 $0x1, v6  }
0x1ac: {  	v34 =	vld [tilespmem:s10+$0xFFFFFF80];
	v11 =	vmov s21;
	[tilespmem:s11+$0x90] =	vst v10;
	v10 =	vmov s4;
	v6 =	vbroadcast v6, $0x0  }
0x1ad: {  	[tilespmem:s11+$0x80] =	vst v8;
	v63 =	vunpack.i.u.bf16.f32 v61;
	v29 =	vld [tilespmem:s3+$0xFFFFFFD0];
	v9 =	vmul.f32 v24, v32;
	v11 =	vshrl.u32 v11, $0x3  }
0x1ae: {  	v28 =	vld [tilespmem:s3+$0x50];
	v23 =	vmul.f32 v23, v32;
	v22 =	vunpack.i.l.bf16.f32 v30;
	v31 =	vunpack.i.u.bf16.f32 v19  }
0x1af: {  	v33 =	vld [tilespmem:s3+$0x10];
	v11 =	vshll.u32 v11, v1;
	v19 =	vunpack.i.l.bf16.f32 v19;
	v21 =	vmul.f32 v31, v14  }
0x1b0: {  	v24 =	vld [tilespmem:s3+$0x30];
	v8 =	vmul.f32 v19, v14;
	v31 =	vbroadcast v7, $0x0;
	v7 =	vshll.u32 v12, v1  }
0x1b1: {  	v14 =	vld [tilespmem:s10+$0x20];
	v19 =	vunpack.i.u.bf16.f32 v27;
	v27 =	vunpack.i.l.bf16.f32 v27;
	v7 =	vadd.s32 $0x4, v7  }
0x1b2: {  	v35 =	vbroadcast v7, $0x0;
	v36 =	vunpack.i.l.bf16.f32 v29;
	v7 =	vld.idx.msk [tilespmem:v6+s20+$0x0], $0xffff;
	v6 =	vshrl.u32 v10, $0x3  }
0x1b3: {  	[tilespmem:s11+$0xFFFFFFC0] =	vst v9;
	v9 =	vld.idx.msk [tilespmem:v5+s20+$0x0], $0xffff;
	v12 =	vunpack.i.u.bf16.f32 v28;
	v10 =	vadd.s32 $0x7, v11;
	v5 =	vshll.u32 v6, v1  }
0x1b4: {  	v37 =	vld [tilespmem:s10+$0x0];
	[tilespmem:s11+$0xC0] =	vst v15;
	v10 =	vbroadcast v10, $0x0;
	v6 =	vshll.u32 v25, v1;
	v11 =	vadd.s32 $0x6, v5  }
0x1b5: {  	v38 =	vld [tilespmem:s10+$0x60];
	[tilespmem:s11+$0xFFFFFFD0] =	vst v23;
	v15 =	vunpack.i.u.bf16.f32 v24;
	v6 =	vadd.s32 $0x2, v6;
	v23 =	vbroadcast v11, $0x0  }
0x1b6: {  	[tilespmem:s11+$0xD0] =	vst v16;
	v25 =	vunpack.i.u.bf16.f32 v29;
	v16 =	vunpack.i.u.bf16.f32 v14;
	v5 =	vld.idx.msk [tilespmem:v31+s20+$0x0], $0xffff;
	v31 =	vbroadcast v6, $0x0  }
0x1b7: {  	[tilespmem:s11+$0xFFFFFF60] =	vst v8;
	v8 =	vunpack.i.l.bf16.f32 v14;
	v14 =	vmul.f32 v25, v18;
	v25 =	vunpack.i.u.bf16.f32 v30;
	v30 =	vld [tilespmem:s3+$0xFFFFFFF0]  }
0x1b8: {  	v20 =	vld [tilespmem:s10+$0x40];
	[tilespmem:s11+$0xFFFFFF70] =	vst v21;
	v21 =	vunpack.i.l.bf16.f32 v33;
	v28 =	vunpack.i.l.bf16.f32 v28;
	v8 =	vmul.f32 v8, v9  }
0x1b9: {  	s12 =	simm.s32 $0x11560;
	v60 =	vmul.f32 v28, v4;
	v11 =	vunpack.i.l.bf16.f32 v24;
	v6 =	vld.idx.msk [tilespmem:v35+s20+$0x0], $0xffff;
	[tilespmem:s11+$0xFFFFFFB0] =	vst v14;
	v22 =	vmul.f32 v22, v7  }
0x1ba: {  	v29 =	vunpack.i.l.bf16.f32 v34;
	v18 =	vmul.f32 v36, v18;
	v59 =	vmul.f32 v11, v2;
	[tilespmem:s12+$0x40] =	vst v8;
	v11 =	vld.idx.msk [tilespmem:v10+s20+$0x0], $0xffff  }
0x1bb: {  	v24 =	vunpack.i.u.bf16.f32 v33;
	v10 =	vunpack.i.u.bf16.f32 v34;
	[tilespmem:s12+$0xFFFFFF40] =	vst v22;
	v22 =	vshll.u32 v26, v1;
	v14 =	vld.idx.msk [tilespmem:v23+s20+$0x0], $0xffff  }
0x1bc: {  	[tilespmem:s11+$0xFFFFFFA0] =	vst v18;
	v26 =	vunpack.i.l.bf16.f32 v38;
	v18 =	vunpack.i.l.bf16.f32 v30;
	v23 =	vmul.f32 v21, v17;
	v8 =	vld.idx.msk [tilespmem:v31+s20+$0x0], $0xffff  }
0x1bd: {  	[tilespmem:s11+$0xA0] =	vst v60;
	v10 =	vmul.f32 v10, v5;
	v21 =	vunpack.i.l.bf16.f32 v37;
	v17 =	vmul.f32 v24, v17  }
0x1be: {  	v31 =	vunpack.i.u.bf16.f32 v37;
	v24 =	vmul.f32 v25, v7;
	v21 =	vmul.f32 v21, v6;
	[tilespmem:s11+$0x20] =	vst v23  }
0x1bf: {  	v62 =	vld [tilespmem:s3+$0x70];
	v23 =	vadd.s32 $0x3, v22;
	[tilespmem:s11+$0x30] =	vst v17;
	v17 =	vmul.f32 v31, v6;
	v31 =	vunpack.i.u.bf16.f32 v30  }
0x1c0: {  	[tilespmem:s11+$0x60] =	vst v59;
	v22 =	vunpack.i.l.bf16.f32 v20;
	v26 =	vmul.f32 v26, v11;
	v31 =	vmul.f32 v31, v32  }
0x1c1: {  	v25 =	vunpack.i.u.bf16.f32 v38;
	[tilespmem:s12+$0xFFFFFF50] =	vst v24;
	v24 =	vmul.f32 v22, v14;
	v22 =	vmul.f32 v27, v8;
	v27 =	vld [tilespmem:s10+$0xFFFFFFE0]  }
0x1c2: {  	[tilespmem:s12+$0x10] =	vst v17;
	v17 =	vmul.f32 v25, v11;
	v28 =	vmul.f32 v19, v8;
	v19 =	vunpack.i.u.bf16.f32 v20  }
0x1c3: {  	v25 =	vunpack.i.l.bf16.f32 v61;
	[tilespmem:s12+$0xC0] =	vst v26;
	v20 =	vmul.f32 v19, v14;
	v19 =	vmul.f32 v18, v32  }
0x1c4: {  	s14 =	sor.u32 $0x2, s9;
	v30 =	vunpack.i.u.bf16.f32 v62;
	v25 =	vmul.f32 v25, v13;
	[tilespmem:s11+$0xFFFFFFF0] =	vst v31;
	v18 =	vbroadcast v23, $0x0  }
0x1c5: {  	s15 =	simm.s32 $0x8;
	s16 =	simm.s32 $0x100E0;
	s3 =	simm.s32 $0x11560;
	v26 =	vld [tilespmem:s10+$0xFFFFFFB0];
	v23 =	vmul.f32 v63, v13;
	[tilespmem:s11+$0xFFFFFFE0] =	vst v19;
	v19 =	vmul.f32 v29, v5;
	v29 =	vunpack.i.l.bf16.f32 v62  }
.LBB2_9:
0x1c6: {  	s4 =	sadd.s32 s15, s5;
	s15 =	sadd.s32 $0x8, s15;
	[tilespmem:s12+$0xFFFFFF90] =	vst v28;
	v28 =	vunpack.i.u.bf16.f32 v27;
	v16 =	vmul.f32 v16, v9;
	s3 =	sadd.s32 $0x200, s3;
	v15 =	vmul.f32 v15, v2;
	v2 =	vmovc v9  }
0x1c7: {  	v9 =	vunpack.i.l.bf16.f32 v27;
	v12 =	vmul.f32 v12, v4;
	v4 =	vmovc v14;
	s6 =	sadd.s32 $0xA9, s4;
	s13 =	sadd.s32 $0xAA, s4;
	v13 =	vld [tilespmem:s16+$0xFFFFFFC0];
	s18 =	sadd.s32 $0xAB, s4;
	[tilespmem:s12+$0x0] =	vst v21;
	v21 =	vmul.f32 v30, v3  }
0x1c8: {  	v14 =	vmov s6;
	v27 =	vmov s13;
	v30 =	vmov s18;
	s6 =	sadd.s32 $0xAC, s4;
	s13 =	sadd.s32 $0xAD, s4;
	s18 =	sadd.s32 $0xAE, s4;
	[tilespmem:s12+$0x80] =	vst v24  }
0x1c9: {  	s21 =	sadd.s32 $0xA8, s4;
	p1 =	slt.u32 s15, $0x48;
	s4 =	sadd.s32 $0xAF, s4;
	v24 =	vmov s6;
	v31 =	vmov s13;
	[tilespmem:s11+$0xB0] =	vst v12;
	v12 =	vmul.f32 v29, v3;
	v3 =	vmovc v11  }
0x1ca: {  	v11 =	vmov s21;
	v29 =	vmov s4;
	v32 =	vunpack.i.u.bf16.f32 v26;
	v18 =	vld.idx.msk [tilespmem:v18+s20+$0x0], $0xffff;
	[tilespmem:s11+$0xF0] =	vst v21  }
0x1cb: {  	v14 =	vshrl.u32 v14, $0x3;
	v21 =	vshrl.u32 v31, $0x3;
	v26 =	vunpack.i.l.bf16.f32 v26;
	[tilespmem:s12+$0xFFFFFF80] =	vst v22  }
0x1cc: {  	v14 =	vshll.u32 v14, v1;
	v21 =	vshll.u32 v21, v1;
	v22 =	vmul.f32 v32, v7;
	[tilespmem:s11+$0xE0] =	vst v12  }
0x1cd: {  	v12 =	vadd.s32 $0x1, v14;
	v14 =	vadd.s32 $0x5, v21;
	v21 =	vmul.f32 v26, v7;
	v26 =	vld [tilespmem:s10+$0xFFFFFFD0];
	[tilespmem:s11+$0xFFFFFF20] =	vst v25  }
0x1ce: {  	v7 =	vbroadcast v12, $0x0;
	v25 =	vunpack.i.u.bf16.f32 v13;
	v12 =	vmov s18;
	v31 =	vld [tilespmem:s16+$0x20];
	[tilespmem:s11+$0x70] =	vst v15  }
0x1cf: {  	v11 =	vshrl.u32 v11, $0x3;
	v14 =	vbroadcast v14, $0x0;
	v15 =	vshrl.u32 v27, $0x3;
	v32 =	vld [tilespmem:s16+$0xFFFFFFA0];
	[tilespmem:s12+$0x90] =	vst v20  }
0x1d0: {  	v11 =	vshll.u32 v11, v1;
	v20 =	vshrl.u32 v24, $0x3;
	v9 =	vmul.f32 v9, v18;
	v24 =	vld [tilespmem:s10+$0x50];
	[tilespmem:s11+$0xFFFFFF30] =	vst v23;
	s11 =	smov.u32 s12;
	s12 =	smov.u32 s3  }
0x1d1: {  	v11 =	vbroadcast v11, $0x0;
	v20 =	vshll.u32 v20, v1;
	v23 =	vmul.f32 v28, v18;
	v27 =	vld [tilespmem:s10+$0x10];
	[tilespmem:s11+$0x50] =	vst v16  }
0x1d2: {  	v16 =	vadd.s32 $0x4, v20;
	v20 =	vshrl.u32 v29, $0x3;
	[tilespmem:s11+$0xFFFFFFC0] =	vst v9;
	v28 =	vld [tilespmem:s10+$0x30]  }
0x1d3: {  	v16 =	vbroadcast v16, $0x0;
	v9 =	vshll.u32 v20, v1;
	v29 =	vld [tilespmem:s16+$0xFFFFFF80];
	[tilespmem:s11+$0xFFFFFF00] =	vst v19  }
0x1d4: {  	v12 =	vshrl.u32 v12, $0x3;
	v20 =	vunpack.i.l.bf16.f32 v26;
	v19 =	vadd.s32 $0x7, v9;
	v7 =	vld.idx.msk [tilespmem:v7+s20+$0x0], $0xffff;
	[tilespmem:s11+$0xFFFFFFD0] =	vst v23  }
0x1d5: {  	v19 =	vbroadcast v19, $0x0;
	v9 =	vld.idx.msk [tilespmem:v14+s20+$0x0], $0xffff;
	v14 =	vshll.u32 v12, v1;
	v12 =	vunpack.i.u.bf16.f32 v24;
	[tilespmem:s11+$0xD0] =	vst v17  }
0x1d6: {  	v15 =	vshll.u32 v15, v1;
	v14 =	vadd.s32 $0x6, v14;
	v17 =	vld [tilespmem:s16+$0x40];
	[tilespmem:s11+$0xFFFFFF10] =	vst v10;
	v10 =	vunpack.i.u.bf16.f32 v26  }
0x1d7: {  	v33 =	vld.idx.msk [tilespmem:v11+s20+$0x0], $0xffff;
	v11 =	vadd.s32 $0x2, v15;
	v14 =	vbroadcast v14, $0x0;
	[tilespmem:s11+$0xFFFFFF60] =	vst v21;
	v21 =	vunpack.i.l.bf16.f32 v28  }
0x1d8: {  	v15 =	vunpack.i.u.bf16.f32 v28;
	v23 =	vunpack.i.l.bf16.f32 v29;
	v26 =	vbroadcast v11, $0x0;
	v34 =	vld [tilespmem:s16+$0x0];
	[tilespmem:s11+$0xFFFFFF70] =	vst v22  }
0x1d9: {  	v35 =	vunpack.i.u.bf16.f32 v27;
	v22 =	vunpack.i.l.bf16.f32 v32;
	v21 =	vmul.f32 v21, v2;
	v28 =	vld.idx.msk [tilespmem:v16+s20+$0x0], $0xffff  }
0x1da: {  	v10 =	vmul.f32 v10, v8;
	v11 =	vunpack.i.l.bf16.f32 v31;
	v16 =	vunpack.i.u.bf16.f32 v31;
	v31 =	vld [tilespmem:s16+$0x60]  }
0x1db: {  	v32 =	vunpack.i.u.bf16.f32 v32;
	v36 =	vmul.f32 v11, v9;
	v11 =	vld.idx.msk [tilespmem:v19+s20+$0x0], $0xffff;
	v19 =	vunpack.i.l.bf16.f32 v27;
	[tilespmem:s11+$0x60] =	vst v21  }
0x1dc: {  	v24 =	vunpack.i.l.bf16.f32 v24;
	v22 =	vmul.f32 v22, v7;
	v21 =	vunpack.i.u.bf16.f32 v29;
	[tilespmem:s11+$0xFFFFFFB0] =	vst v10;
	v27 =	vld [tilespmem:s10+$0xFFFFFFF0]  }
0x1dd: {  	v10 =	vmul.f32 v21, v33;
	v21 =	vshrl.u32 v30, $0x3;
	v19 =	vmul.f32 v19, v6;
	[tilespmem:s3+$0x40] =	vst v36;
	v14 =	vld.idx.msk [tilespmem:v14+s20+$0x0], $0xffff  }
0x1de: {  	v29 =	vunpack.i.u.bf16.f32 v34;
	v30 =	vunpack.i.l.bf16.f32 v34;
	v34 =	vmul.f32 v24, v4;
	v26 =	vld.idx.msk [tilespmem:v26+s20+$0x0], $0xffff  }
0x1df: {  	v24 =	vmul.f32 v35, v6;
	[tilespmem:s3+$0xFFFFFF40] =	vst v22;
	v22 =	vshll.u32 v21, v1;
	v21 =	vmul.f32 v30, v28  }
0x1e0: {  	v6 =	vmovc v28;
	v30 =	vmul.f32 v32, v7;
	v32 =	vunpack.i.u.bf16.f32 v31;
	v31 =	vunpack.i.l.bf16.f32 v31;
	v35 =	vld [tilespmem:s10+$0xFFFFFF90];
	[tilespmem:s11+$0x20] =	vst v19  }
0x1e1: {  	v38 =	vmul.f32 v20, v8;
	v19 =	vadd.s32 $0x3, v22;
	v31 =	vmul.f32 v31, v11;
	[tilespmem:s11+$0x30] =	vst v24  }
0x1e2: {  	v20 =	vunpack.i.l.bf16.f32 v17;
	v29 =	vmul.f32 v29, v6;
	[tilespmem:s3+$0xFFFFFF50] =	vst v30;
	v30 =	vunpack.i.u.bf16.f32 v27;
	v36 =	vld [tilespmem:s10+$0x70];
	s10 =	smov.u32 s16  }
0x1e3: {  	v13 =	vunpack.i.l.bf16.f32 v13;
	v37 =	vunpack.i.l.bf16.f32 v27;
	v24 =	vmul.f32 v20, v14;
	[tilespmem:s11+$0xFFFFFFA0] =	vst v38  }
.Ltmp3:
0x1e4: {  	v22 =	vmul.f32 v13, v26;
	v28 =	vmul.f32 v25, v26;
	v13 =	vunpack.i.u.bf16.f32 v17;
	v8 =	vmovc v26;
	v27 =	vld [tilespmem:s16+$0xFFFFFFE0];
	[tilespmem:s11+$0xA0] =	vst v34;
	(pc) =	sbr.rel @p1 .LBB2_9-.Ltmp3, $4  }
0x1e5: {  	v26 =	vmul.f32 v37, v18;
	v20 =	vmul.f32 v13, v14;
	[tilespmem:s3+$0xC0] =	vst v31;
	v13 =	vunpack.i.u.bf16.f32 v35  }
0x1e6: {  	v17 =	vmul.f32 v32, v11;
	v25 =	vunpack.i.l.bf16.f32 v35;
	[tilespmem:s3+$0x10] =	vst v29;
	v29 =	vmul.f32 v30, v18  }
0x1e7: {  	v18 =	vbroadcast v19, $0x0;
	v25 =	vmul.f32 v25, v5;
	[tilespmem:s11+$0xFFFFFFE0] =	vst v26;
	v30 =	vunpack.i.u.bf16.f32 v36  }
0x1e8: {  	s16 =	sadd.s32 $0x100, s16;
	v19 =	vmul.f32 v23, v33;
	v23 =	vmul.f32 v13, v5;
	v5 =	vmovc v33;
	v26 =	vld [tilespmem:s10+$0xFFFFFFB0];
	[tilespmem:s11+$0xFFFFFFF0] =	vst v29;
	v29 =	vunpack.i.l.bf16.f32 v36  }
0x1e9: {  	[tilespmem:s12+$0xFFFFFF90] =	vst v28  }
0x1ea: {  	[tilespmem:s12+$0x0] =	vst v21  }
0x1eb: {  	[tilespmem:s12+$0x80] =	vst v24  }
0x1ec: {  	[tilespmem:s12+$0xFFFFFF80] =	vst v22  }
0x1ed: {  	[tilespmem:s11+$0xFFFFFF20] =	vst v25  }
0x1ee: {  	v4 =	vmul.f32 v12, v4;
	[tilespmem:s12+$0x90] =	vst v20  }
0x1ef: {  	v12 =	vmul.f32 v30, v3;
	v3 =	vmul.f32 v29, v3;
	[tilespmem:s12+$0xD0] =	vst v17  }
0x1f0: {  	[tilespmem:s11+$0xB0] =	vst v4;
	v4 =	vld.idx.msk [tilespmem:v18+s20+$0x0], $0xffff  }
0x1f1: {  	[tilespmem:s11+$0xE0] =	vst v3;
	v3 =	vmul.f32 v16, v9  }
0x1f2: {  	v2 =	vmul.f32 v15, v2;
	[tilespmem:s11+$0xF0] =	vst v12  }
0x1f3: {  	[tilespmem:s12+$0x50] =	vst v3  }
0x1f4: {  	[tilespmem:s11+$0x70] =	vst v2;
	v2 =	vunpack.i.l.bf16.f32 v27;
	v12 =	vld [tilespmem:s10+$0x30]  }
0x1f5: {  	[tilespmem:s12+$0xFFFFFF10] =	vst v10;
	v13 =	vld [tilespmem:s10+$0xFFFFFFD0];
	v3 =	vunpack.i.u.bf16.f32 v27;
	v2 =	vmul.f32 v2, v4  }
0x1f6: {  	[tilespmem:s11+$0xFFFFFF30] =	vst v23;
	v3 =	vmul.f32 v3, v4  }
0x1f7: {  	v15 =	vunpack.i.l.bf16.f32 v26;
	[tilespmem:s12+$0xFFFFFFC0] =	vst v2;
	v2 =	vld [tilespmem:s10+$0x10]  }
0x1f8: {  	v15 =	vmul.f32 v15, v7;
	[tilespmem:s12+$0xFFFFFFD0] =	vst v3;
	v3 =	vunpack.i.u.bf16.f32 v26  }
0x1f9: {  	[tilespmem:s12+$0xFFFFFF00] =	vst v19;
	v3 =	vmul.f32 v3, v7;
	v7 =	vld [tilespmem:s10+$0x50];
	v10 =	vunpack.i.l.bf16.f32 v12  }
0x1fa: {  	v16 =	vunpack.i.u.bf16.f32 v13;
	[tilespmem:s12+$0xFFFFFF60] =	vst v15;
	v15 =	vld [tilespmem:s10+$0xFFFFFFF0];
	v10 =	vmul.f32 v10, v9  }
0x1fb: {  	v13 =	vunpack.i.l.bf16.f32 v13;
	[tilespmem:s12+$0xFFFFFF70] =	vst v3;
	v3 =	vmul.f32 v16, v8  }
0x1fc: {  	v8 =	vmul.f32 v13, v8;
	[tilespmem:s12+$0x60] =	vst v10;
	v16 =	vunpack.i.l.bf16.f32 v2;
	v2 =	vunpack.i.u.bf16.f32 v2  }
0x1fd: {  	[tilespmem:s12+$0xFFFFFFB0] =	vst v3;
	v3 =	vld [tilespmem:s10+$0x70];
	v2 =	vmul.f32 v2, v6  }
0x1fe: {  	[tilespmem:s12+$0xFFFFFFA0] =	vst v8;
	v10 =	vmul.f32 v16, v6;
	v6 =	vunpack.i.l.bf16.f32 v7  }
0x1ff: {  	v6 =	vmul.f32 v6, v14;
	[tilespmem:s12+$0x30] =	vst v2;
	v2 =	vunpack.i.l.bf16.f32 v15  }
0x200: {  	v13 =	vunpack.i.u.bf16.f32 v15;
	[tilespmem:s12+$0x20] =	vst v10;
	v10 =	vld [tilespmem:s10+$0xFFFFFF90];
	v2 =	vmul.f32 v2, v4  }
0x201: {  	v7 =	vunpack.i.u.bf16.f32 v7;
	[tilespmem:s12+$0xA0] =	vst v6;
	v4 =	vmul.f32 v13, v4  }
0x202: {  	v6 =	vmul.f32 v7, v14;
	[tilespmem:s12+$0xFFFFFFE0] =	vst v2;
	v2 =	vunpack.i.u.bf16.f32 v3  }
0x203: {  	[tilespmem:s12+$0xFFFFFFF0] =	vst v4;
	v3 =	vunpack.i.l.bf16.f32 v3;
	v2 =	vmul.f32 v2, v11  }
0x204: {  	[tilespmem:s12+$0xB0] =	vst v6;
	v6 =	vunpack.i.u.bf16.f32 v12;
	v3 =	vmul.f32 v3, v11  }
0x205: {  	v6 =	vmul.f32 v6, v9;
	v4 =	vunpack.i.l.bf16.f32 v10;
	[tilespmem:s12+$0xF0] =	vst v2  }
0x206: {  	s3 =	smul.u32 $0x140, s14;
	p1 =	seq.s32 s7, $0x3D;
	v4 =	vmul.f32 v4, v5;
	v2 =	vunpack.i.u.bf16.f32 v10;
	[tilespmem:s12+$0xE0] =	vst v3  }
0x207: {  	s9 =	sor.u32 @!p1 $0x3, s9;
	[tilespmem:s12+$0x70] =	vst v6;
	v2 =	vmul.f32 v2, v5  }
0x208: {  	s3 =	sshra.s32 s3, $0x2;
	s9 =	simm.s32 @p1 $0xF7;
	[tilespmem:s12+$0xFFFFFF20] =	vst v4  }
0x209: {  	s4 =	simm.s32 @!p1 $0x50;
	s3 =	sadd.s32 $0x4E20, s3;
	s10 =	smul.u32 $0x50, s9;
	[tilespmem:s12+$0xFFFFFF30] =	vst v2  }
0x20a: {  	[spmem:s1] =	stream.indirect.scatter.add.f32 [tilespmem:s31], [sflag:$0x5], $0x40, s3, s22, $0xb8;
	[tilespmem:$0x1F0A0] =	vst v63  }
0x20b: {  	s6 =	simm.s32 @!p1 $0xFE60;
	s21 =	sadd.s32 $0xFFFFFFF8, s10;
	s3 =	sadd.s32 @!p1 $0x1E0, s8  }
0x20c: {  	[tilespmem:s6], [sflag:$0x3] =	stream.indirect.gather @!p1 [hbm4b:s17+s4], $0x20, s3, s4, $0xb8;
	[tilespmem:$0x1F0A0] =	vst v63  }
0x20d: {  	s13 =	sadd.s32 $0xC, s21;
	s12 =	sadd.s32 $0x8, s21;
	_ =	swait.ge [sflag:s28], $0xA00  }
0x20e: {  	s11 =	sadd.s32 $0xD, s21;
	v5 =	vmov s13;
	v4 =	vmov s12;
	[sflag:s28] =	ssyncset.done $0x0  }
0x20f: {  	v3 =	vmov s11;
	v5 =	vshrl.u32 v5, $0x3;
	v4 =	vshrl.u32 v4, $0x3;
	s6 =	sadd.s32 $0x9, s21;
	[sflag:s28] =	ssyncadd.s32 $0xFFFFF600  }
0x210: {  	v5 =	vshll.u32 v5, v1;
	v4 =	vshll.u32 v4, v1;
	v2 =	vmov s6;
	_ =	swait.ge [sflag:s2], $0x1400  }
0x211: {  	v5 =	vadd.s32 $0x4, v5;
	v4 =	vbroadcast v4, $0x0;
	v2 =	vshrl.u32 v2, $0x3;
	[sflag:s2] =	ssyncset.done $0x0  }
0x212: {  	v3 =	vshrl.u32 v3, $0x3;
	v5 =	vbroadcast v5, $0x0;
	s3 =	simm.s32 $0x108E0;
	v2 =	vshll.u32 v2, v1;
	[sflag:s2] =	ssyncadd.s32 $0xFFFFEC00  }
0x213: {  	v3 =	vshll.u32 v3, v1;
	v2 =	vadd.s32 $0x1, v2;
	v6 =	vld [tilespmem:s3+$0xFFFFFFC0]  }
0x214: {  	s14 =	sadd.s32 $0xA, s21;
	s15 =	sadd.s32 $0xF, s21;
	v3 =	vadd.s32 $0x5, v3;
	v2 =	vbroadcast v2, $0x0;
	v9 =	vld [tilespmem:s3+$0x20]  }
0x215: {  	s16 =	sadd.s32 $0xE, s21;
	v7 =	vmov s14;
	v8 =	vmov s15;
	v3 =	vbroadcast v3, $0x0;
	v11 =	vld [tilespmem:s3+$0xFFFFFFA0]  }
0x216: {  	v8 =	vshrl.u32 v8, $0x3;
	v7 =	vshrl.u32 v7, $0x3;
	v10 =	vmov s16;
	v12 =	vld [tilespmem:s3+$0xFFFFFF80]  }
0x217: {  	v8 =	vshll.u32 v8, v1;
	v7 =	vshll.u32 v7, v1;
	v10 =	vshrl.u32 v10, $0x3;
	s4 =	sadd.s32 $0xB, s21;
	v13 =	vld.idx.msk [tilespmem:v4+s20+$0x0], $0xffff  }
0x218: {  	v8 =	vadd.s32 $0x7, v8;
	v7 =	vadd.s32 $0x2, v7;
	v17 =	vld.idx.msk [tilespmem:v5+s20+$0x0], $0xffff;
	v5 =	vmov s4;
	s4 =	sadd.s32 $0x0, s10  }
0x219: {  	v10 =	vshll.u32 v10, v1;
	v7 =	vbroadcast v7, $0x0;
	v15 =	vld [tilespmem:s3+$0x0];
	v5 =	vshrl.u32 v5, $0x3;
	s13 =	sadd.s32 $0xA, s4;
	s21 =	sadd.s32 $0xB, s4  }
0x21a: {  	v5 =	vshll.u32 v5, v1;
	v25 =	vmov s13;
	v26 =	vmov s21;
	v14 =	vld.idx.msk [tilespmem:v2+s20+$0x0], $0xffff  }
0x21b: {  	v2 =	vld.idx.msk [tilespmem:v3+s20+$0x0], $0xffff;
	v3 =	vbroadcast v8, $0x0;
	v8 =	vadd.s32 $0x6, v10;
	v20 =	vunpack.i.l.bf16.f32 v12  }
0x21c: {  	s15 =	sadd.s32 $0xC, s4;
	v8 =	vbroadcast v8, $0x0;
	v12 =	vunpack.i.u.bf16.f32 v12;
	v20 =	vmul.f32 v20, v13  }
0x21d: {  	s12 =	simm.s32 $0x12760;
	s16 =	sadd.s32 $0xD, s4;
	v28 =	vmov s15;
	v5 =	vadd.s32 $0x3, v5;
	v10 =	vld [tilespmem:s3+$0x40];
	v22 =	vmul.f32 v12, v13  }
0x21e: {  	v29 =	vmov s16;
	v25 =	vshrl.u32 v25, $0x3;
	v5 =	vbroadcast v5, $0x0;
	[tilespmem:s12+$0xFFFFFF00] =	vst v20  }
0x21f: {  	v19 =	vld [tilespmem:s3+$0x60];
	v26 =	vshrl.u32 v26, $0x3;
	v16 =	vunpack.i.u.bf16.f32 v6;
	v18 =	vunpack.i.l.bf16.f32 v11;
	[tilespmem:s12+$0xFFFFFF10] =	vst v22  }
0x220: {  	v4 =	vunpack.i.l.bf16.f32 v9;
	v11 =	vunpack.i.u.bf16.f32 v11;
	v12 =	vunpack.i.l.bf16.f32 v15;
	v61 =	vld [tilespmem:s3+$0xFFFFFF90]  }
0x221: {  	v6 =	vunpack.i.l.bf16.f32 v6;
	v9 =	vunpack.i.u.bf16.f32 v9;
	v12 =	vmul.f32 v12, v17;
	v3 =	vld.idx.msk [tilespmem:v3+s20+$0x0], $0xffff  }
0x222: {  	v21 =	vmul.f32 v4, v2;
	v11 =	vmul.f32 v11, v14;
	v23 =	vunpack.i.l.bf16.f32 v10;
	v4 =	vld.idx.msk [tilespmem:v8+s20+$0x0], $0xffff  }
0x223: {  	v10 =	vunpack.i.u.bf16.f32 v10;
	v9 =	vmul.f32 v9, v2;
	v8 =	vmul.f32 v18, v14;
	v18 =	vld.idx.msk [tilespmem:v7+s20+$0x0], $0xffff  }
0x224: {  	s18 =	sadd.s32 $0x9, s4;
	[tilespmem:s12+$0x0] =	vst v12;
	v12 =	vshrl.u32 v28, $0x3;
	v32 =	vld.idx.msk [tilespmem:v5+s20+$0x0], $0xffff;
	v5 =	vshrl.u32 v29, $0x3;
	v7 =	vunpack.i.u.bf16.f32 v15  }
0x225: {  	v24 =	vld [tilespmem:s3+$0xFFFFFFE0];
	[tilespmem:s12+$0x40] =	vst v21;
	v21 =	vmov s18;
	s18 =	sadd.s32 $0x8, s4;
	v5 =	vshll.u32 v5, v1;
	v7 =	vmul.f32 v7, v17  }
0x226: {  	v15 =	vunpack.i.l.bf16.f32 v19;
	[tilespmem:s12+$0xFFFFFF50] =	vst v11;
	v30 =	vmov s18;
	v5 =	vadd.s32 $0x5, v5  }
0x227: {  	s11 =	simm.s32 $0x109E0;
	v21 =	vshrl.u32 v21, $0x3;
	v5 =	vbroadcast v5, $0x0;
	[tilespmem:s12+$0x10] =	vst v7;
	v7 =	vshrl.u32 v30, $0x3  }
0x228: {  	[tilespmem:s12+$0xFFFFFF40] =	vst v8;
	v30 =	vld [tilespmem:s11+$0xFFFFFFA0];
	v63 =	vunpack.i.u.bf16.f32 v61;
	v15 =	vmul.f32 v15, v3;
	v6 =	vmul.f32 v6, v18  }
0x229: {  	v8 =	vmul.f32 v23, v4;
	v11 =	vmul.f32 v16, v18;
	v16 =	vunpack.i.u.bf16.f32 v19;
	v19 =	vld [tilespmem:s3+$0xFFFFFFB0]  }
0x22a: {  	v10 =	vmul.f32 v10, v4;
	v23 =	vunpack.i.u.bf16.f32 v24;
	[tilespmem:s12+$0xFFFFFF80] =	vst v6;
	v6 =	vshll.u32 v21, v1  }
0x22b: {  	v27 =	vld [tilespmem:s11+$0xFFFFFFC0];
	[tilespmem:s12+$0x50] =	vst v9;
	v24 =	vunpack.i.l.bf16.f32 v24;
	v16 =	vmul.f32 v16, v3;
	v6 =	vadd.s32 $0x1, v6  }
0x22c: {  	s21 =	sadd.s32 $0xF, s4;
	s4 =	sadd.s32 $0xE, s4;
	v7 =	vshll.u32 v7, v1;
	v9 =	vmul.f32 v24, v32;
	v24 =	vld [tilespmem:s3+$0x30];
	[tilespmem:s12+$0xFFFFFF90] =	vst v11;
	v6 =	vbroadcast v6, $0x0  }
0x22d: {  	v34 =	vld [tilespmem:s11+$0xFFFFFF80];
	v23 =	vmul.f32 v23, v32;
	v11 =	vmov s21;
	[tilespmem:s12+$0x90] =	vst v10;
	v10 =	vmov s4  }
0x22e: {  	v29 =	vld [tilespmem:s3+$0xFFFFFFD0];
	v11 =	vshrl.u32 v11, $0x3;
	v22 =	vunpack.i.l.bf16.f32 v30;
	v31 =	vunpack.i.u.bf16.f32 v19  }
0x22f: {  	v33 =	vld [tilespmem:s3+$0x10];
	[tilespmem:s12+$0x80] =	vst v8;
	v11 =	vshll.u32 v11, v1;
	v19 =	vunpack.i.l.bf16.f32 v19;
	v21 =	vmul.f32 v31, v14  }
0x230: {  	v28 =	vld [tilespmem:s3+$0x50];
	v8 =	vmul.f32 v19, v14;
	v31 =	vbroadcast v7, $0x0;
	v7 =	vshll.u32 v12, v1  }
0x231: {  	[tilespmem:s12+$0xC0] =	vst v15;
	v14 =	vld [tilespmem:s11+$0x20];
	v19 =	vunpack.i.u.bf16.f32 v27;
	v15 =	vunpack.i.u.bf16.f32 v24;
	v7 =	vadd.s32 $0x4, v7  }
0x232: {  	v27 =	vunpack.i.l.bf16.f32 v27;
	v35 =	vbroadcast v7, $0x0;
	v7 =	vld.idx.msk [tilespmem:v6+s20+$0x0], $0xffff;
	v6 =	vshrl.u32 v10, $0x3  }
0x233: {  	[tilespmem:s12+$0xFFFFFFC0] =	vst v9;
	v9 =	vld.idx.msk [tilespmem:v5+s20+$0x0], $0xffff;
	v36 =	vunpack.i.l.bf16.f32 v29;
	v10 =	vadd.s32 $0x7, v11;
	v5 =	vshll.u32 v6, v1  }
0x234: {  	v37 =	vld [tilespmem:s11+$0x0];
	v10 =	vbroadcast v10, $0x0;
	v6 =	vshll.u32 v25, v1;
	v11 =	vadd.s32 $0x6, v5  }
0x235: {  	v38 =	vld [tilespmem:s11+$0x60];
	[tilespmem:s12+$0xFFFFFFD0] =	vst v23;
	v12 =	vunpack.i.u.bf16.f32 v28;
	v6 =	vadd.s32 $0x2, v6;
	v23 =	vbroadcast v11, $0x0  }
0x236: {  	[tilespmem:s12+$0xD0] =	vst v16;
	v25 =	vunpack.i.u.bf16.f32 v29;
	v16 =	vunpack.i.u.bf16.f32 v14;
	v5 =	vld.idx.msk [tilespmem:v31+s20+$0x0], $0xffff;
	v31 =	vbroadcast v6, $0x0  }
0x237: {  	[tilespmem:s12+$0xFFFFFF60] =	vst v8;
	v8 =	vunpack.i.l.bf16.f32 v14;
	v14 =	vmul.f32 v25, v18;
	v25 =	vunpack.i.u.bf16.f32 v30;
	v30 =	vld [tilespmem:s3+$0xFFFFFFF0]  }
0x238: {  	v20 =	vld [tilespmem:s11+$0x40];
	[tilespmem:s12+$0xFFFFFF70] =	vst v21;
	v21 =	vunpack.i.l.bf16.f32 v33;
	v28 =	vunpack.i.l.bf16.f32 v28;
	v8 =	vmul.f32 v8, v9  }
0x239: {  	s14 =	simm.s32 $0x12960;
	v60 =	vmul.f32 v28, v4;
	v11 =	vunpack.i.l.bf16.f32 v24;
	v6 =	vld.idx.msk [tilespmem:v35+s20+$0x0], $0xffff;
	[tilespmem:s12+$0xFFFFFFB0] =	vst v14;
	v22 =	vmul.f32 v22, v7  }
0x23a: {  	v29 =	vunpack.i.l.bf16.f32 v34;
	v18 =	vmul.f32 v36, v18;
	v59 =	vmul.f32 v11, v2;
	[tilespmem:s14+$0x40] =	vst v8;
	v11 =	vld.idx.msk [tilespmem:v10+s20+$0x0], $0xffff  }
0x23b: {  	v24 =	vunpack.i.u.bf16.f32 v33;
	v10 =	vunpack.i.u.bf16.f32 v34;
	[tilespmem:s14+$0xFFFFFF40] =	vst v22;
	v22 =	vshll.u32 v26, v1;
	v14 =	vld.idx.msk [tilespmem:v23+s20+$0x0], $0xffff  }
0x23c: {  	[tilespmem:s12+$0xFFFFFFA0] =	vst v18;
	v26 =	vunpack.i.l.bf16.f32 v38;
	v18 =	vunpack.i.l.bf16.f32 v30;
	v23 =	vmul.f32 v21, v17;
	v8 =	vld.idx.msk [tilespmem:v31+s20+$0x0], $0xffff  }
0x23d: {  	[tilespmem:s12+$0xA0] =	vst v60;
	v10 =	vmul.f32 v10, v5;
	v21 =	vunpack.i.l.bf16.f32 v37;
	v17 =	vmul.f32 v24, v17  }
0x23e: {  	v31 =	vunpack.i.u.bf16.f32 v37;
	v24 =	vmul.f32 v25, v7;
	v21 =	vmul.f32 v21, v6;
	[tilespmem:s12+$0x20] =	vst v23  }
0x23f: {  	v62 =	vld [tilespmem:s3+$0x70];
	v23 =	vadd.s32 $0x3, v22;
	[tilespmem:s12+$0x30] =	vst v17;
	v17 =	vmul.f32 v31, v6;
	v31 =	vunpack.i.u.bf16.f32 v30  }
0x240: {  	[tilespmem:s12+$0x60] =	vst v59;
	v22 =	vunpack.i.l.bf16.f32 v20;
	v26 =	vmul.f32 v26, v11;
	v31 =	vmul.f32 v31, v32  }
0x241: {  	v25 =	vunpack.i.u.bf16.f32 v38;
	[tilespmem:s14+$0xFFFFFF50] =	vst v24;
	v24 =	vmul.f32 v22, v14;
	v22 =	vmul.f32 v27, v8;
	v27 =	vld [tilespmem:s11+$0xFFFFFFE0]  }
0x242: {  	[tilespmem:s14+$0x10] =	vst v17;
	v17 =	vmul.f32 v25, v11;
	v28 =	vmul.f32 v19, v8;
	v19 =	vunpack.i.u.bf16.f32 v20  }
0x243: {  	v25 =	vunpack.i.l.bf16.f32 v61;
	[tilespmem:s14+$0xC0] =	vst v26;
	v20 =	vmul.f32 v19, v14;
	v19 =	vmul.f32 v18, v32  }
0x244: {  	v30 =	vunpack.i.u.bf16.f32 v62;
	v25 =	vmul.f32 v25, v13;
	[tilespmem:s12+$0xFFFFFFF0] =	vst v31;
	v18 =	vbroadcast v23, $0x0  }
0x245: {  	s15 =	simm.s32 $0x8;
	s16 =	simm.s32 $0x10AE0;
	s3 =	simm.s32 $0x12960;
	v26 =	vld [tilespmem:s11+$0xFFFFFFB0];
	v23 =	vmul.f32 v63, v13;
	[tilespmem:s12+$0xFFFFFFE0] =	vst v19;
	v19 =	vmul.f32 v29, v5;
	v29 =	vunpack.i.l.bf16.f32 v62  }
.LBB2_11:
0x246: {  	s4 =	sadd.s32 s15, s10;
	s15 =	sadd.s32 $0x8, s15;
	[tilespmem:s14+$0xFFFFFF90] =	vst v28;
	v28 =	vunpack.i.u.bf16.f32 v27;
	v16 =	vmul.f32 v16, v9;
	s3 =	sadd.s32 $0x200, s3;
	v15 =	vmul.f32 v15, v2;
	v2 =	vmovc v9  }
0x247: {  	v9 =	vunpack.i.l.bf16.f32 v27;
	v12 =	vmul.f32 v12, v4;
	v4 =	vmovc v14;
	s6 =	sadd.s32 $0x9, s4;
	s13 =	sadd.s32 $0xA, s4;
	v13 =	vld [tilespmem:s16+$0xFFFFFFC0];
	s18 =	sadd.s32 $0xB, s4;
	[tilespmem:s14+$0x0] =	vst v21;
	v21 =	vmul.f32 v30, v3  }
0x248: {  	v14 =	vmov s6;
	v27 =	vmov s13;
	v30 =	vmov s18;
	s6 =	sadd.s32 $0xC, s4;
	s13 =	sadd.s32 $0xD, s4;
	s18 =	sadd.s32 $0xE, s4;
	[tilespmem:s14+$0x80] =	vst v24  }
0x249: {  	s21 =	sadd.s32 $0x8, s4;
	p2 =	slt.u32 s15, $0x48;
	s4 =	sadd.s32 $0xF, s4;
	v24 =	vmov s6;
	v31 =	vmov s13;
	[tilespmem:s12+$0xB0] =	vst v12;
	v12 =	vmul.f32 v29, v3;
	v3 =	vmovc v11  }
0x24a: {  	v11 =	vmov s21;
	v29 =	vmov s4;
	v32 =	vunpack.i.u.bf16.f32 v26;
	v18 =	vld.idx.msk [tilespmem:v18+s20+$0x0], $0xffff;
	[tilespmem:s12+$0xF0] =	vst v21  }
0x24b: {  	v14 =	vshrl.u32 v14, $0x3;
	v21 =	vshrl.u32 v31, $0x3;
	v26 =	vunpack.i.l.bf16.f32 v26;
	[tilespmem:s14+$0xFFFFFF80] =	vst v22  }
0x24c: {  	v14 =	vshll.u32 v14, v1;
	v21 =	vshll.u32 v21, v1;
	v22 =	vmul.f32 v32, v7;
	[tilespmem:s12+$0xE0] =	vst v12  }
0x24d: {  	v12 =	vadd.s32 $0x1, v14;
	v14 =	vadd.s32 $0x5, v21;
	v21 =	vmul.f32 v26, v7;
	v26 =	vld [tilespmem:s11+$0xFFFFFFD0];
	[tilespmem:s12+$0xFFFFFF20] =	vst v25  }
0x24e: {  	v7 =	vbroadcast v12, $0x0;
	v25 =	vunpack.i.u.bf16.f32 v13;
	v12 =	vmov s18;
	v31 =	vld [tilespmem:s16+$0x20];
	[tilespmem:s12+$0x70] =	vst v15  }
0x24f: {  	v11 =	vshrl.u32 v11, $0x3;
	v14 =	vbroadcast v14, $0x0;
	v15 =	vshrl.u32 v27, $0x3;
	v32 =	vld [tilespmem:s16+$0xFFFFFFA0];
	[tilespmem:s14+$0x90] =	vst v20  }
0x250: {  	v11 =	vshll.u32 v11, v1;
	v20 =	vshrl.u32 v24, $0x3;
	v9 =	vmul.f32 v9, v18;
	v24 =	vld [tilespmem:s11+$0x50];
	[tilespmem:s12+$0xFFFFFF30] =	vst v23;
	s12 =	smov.u32 s14;
	s14 =	smov.u32 s3  }
0x251: {  	v11 =	vbroadcast v11, $0x0;
	v20 =	vshll.u32 v20, v1;
	v23 =	vmul.f32 v28, v18;
	v27 =	vld [tilespmem:s11+$0x10];
	[tilespmem:s12+$0x50] =	vst v16  }
0x252: {  	v16 =	vadd.s32 $0x4, v20;
	v20 =	vshrl.u32 v29, $0x3;
	[tilespmem:s12+$0xFFFFFFC0] =	vst v9;
	v28 =	vld [tilespmem:s11+$0x30]  }
0x253: {  	v16 =	vbroadcast v16, $0x0;
	v9 =	vshll.u32 v20, v1;
	v29 =	vld [tilespmem:s16+$0xFFFFFF80];
	[tilespmem:s12+$0xFFFFFF00] =	vst v19  }
0x254: {  	v12 =	vshrl.u32 v12, $0x3;
	v20 =	vunpack.i.l.bf16.f32 v26;
	v19 =	vadd.s32 $0x7, v9;
	v7 =	vld.idx.msk [tilespmem:v7+s20+$0x0], $0xffff;
	[tilespmem:s12+$0xFFFFFFD0] =	vst v23  }
0x255: {  	v19 =	vbroadcast v19, $0x0;
	v9 =	vld.idx.msk [tilespmem:v14+s20+$0x0], $0xffff;
	v14 =	vshll.u32 v12, v1;
	v12 =	vunpack.i.u.bf16.f32 v24;
	[tilespmem:s12+$0xD0] =	vst v17  }
0x256: {  	v15 =	vshll.u32 v15, v1;
	v14 =	vadd.s32 $0x6, v14;
	v17 =	vld [tilespmem:s16+$0x40];
	[tilespmem:s12+$0xFFFFFF10] =	vst v10;
	v10 =	vunpack.i.u.bf16.f32 v26  }
0x257: {  	v33 =	vld.idx.msk [tilespmem:v11+s20+$0x0], $0xffff;
	v11 =	vadd.s32 $0x2, v15;
	v14 =	vbroadcast v14, $0x0;
	[tilespmem:s12+$0xFFFFFF60] =	vst v21;
	v21 =	vunpack.i.l.bf16.f32 v28  }
0x258: {  	v15 =	vunpack.i.u.bf16.f32 v28;
	v23 =	vunpack.i.l.bf16.f32 v29;
	v26 =	vbroadcast v11, $0x0;
	v34 =	vld [tilespmem:s16+$0x0];
	[tilespmem:s12+$0xFFFFFF70] =	vst v22  }
0x259: {  	v35 =	vunpack.i.u.bf16.f32 v27;
	v22 =	vunpack.i.l.bf16.f32 v32;
	v21 =	vmul.f32 v21, v2;
	v28 =	vld.idx.msk [tilespmem:v16+s20+$0x0], $0xffff  }
0x25a: {  	v10 =	vmul.f32 v10, v8;
	v11 =	vunpack.i.l.bf16.f32 v31;
	v16 =	vunpack.i.u.bf16.f32 v31;
	v31 =	vld [tilespmem:s16+$0x60]  }
0x25b: {  	v32 =	vunpack.i.u.bf16.f32 v32;
	v36 =	vmul.f32 v11, v9;
	v11 =	vld.idx.msk [tilespmem:v19+s20+$0x0], $0xffff;
	v19 =	vunpack.i.l.bf16.f32 v27;
	[tilespmem:s12+$0x60] =	vst v21  }
0x25c: {  	v24 =	vunpack.i.l.bf16.f32 v24;
	v22 =	vmul.f32 v22, v7;
	v21 =	vunpack.i.u.bf16.f32 v29;
	[tilespmem:s12+$0xFFFFFFB0] =	vst v10;
	v27 =	vld [tilespmem:s11+$0xFFFFFFF0]  }
0x25d: {  	v10 =	vmul.f32 v21, v33;
	v21 =	vshrl.u32 v30, $0x3;
	v19 =	vmul.f32 v19, v6;
	[tilespmem:s3+$0x40] =	vst v36;
	v14 =	vld.idx.msk [tilespmem:v14+s20+$0x0], $0xffff  }
0x25e: {  	v29 =	vunpack.i.u.bf16.f32 v34;
	v30 =	vunpack.i.l.bf16.f32 v34;
	v34 =	vmul.f32 v24, v4;
	v26 =	vld.idx.msk [tilespmem:v26+s20+$0x0], $0xffff  }
0x25f: {  	v24 =	vmul.f32 v35, v6;
	[tilespmem:s3+$0xFFFFFF40] =	vst v22;
	v22 =	vshll.u32 v21, v1;
	v21 =	vmul.f32 v30, v28  }
0x260: {  	v6 =	vmovc v28;
	v30 =	vmul.f32 v32, v7;
	v32 =	vunpack.i.u.bf16.f32 v31;
	v31 =	vunpack.i.l.bf16.f32 v31;
	v35 =	vld [tilespmem:s11+$0xFFFFFF90];
	[tilespmem:s12+$0x20] =	vst v19  }
0x261: {  	v38 =	vmul.f32 v20, v8;
	v19 =	vadd.s32 $0x3, v22;
	v31 =	vmul.f32 v31, v11;
	[tilespmem:s12+$0x30] =	vst v24  }
0x262: {  	v20 =	vunpack.i.l.bf16.f32 v17;
	v29 =	vmul.f32 v29, v6;
	[tilespmem:s3+$0xFFFFFF50] =	vst v30;
	v30 =	vunpack.i.u.bf16.f32 v27;
	v36 =	vld [tilespmem:s11+$0x70];
	s11 =	smov.u32 s16  }
0x263: {  	v13 =	vunpack.i.l.bf16.f32 v13;
	v37 =	vunpack.i.l.bf16.f32 v27;
	v24 =	vmul.f32 v20, v14;
	[tilespmem:s12+$0xFFFFFFA0] =	vst v38  }
.Ltmp4:
0x264: {  	v22 =	vmul.f32 v13, v26;
	v28 =	vmul.f32 v25, v26;
	v13 =	vunpack.i.u.bf16.f32 v17;
	v8 =	vmovc v26;
	v27 =	vld [tilespmem:s16+$0xFFFFFFE0];
	[tilespmem:s12+$0xA0] =	vst v34;
	(pc) =	sbr.rel @p2 .LBB2_11-.Ltmp4, $4  }
0x265: {  	v26 =	vmul.f32 v37, v18;
	v20 =	vmul.f32 v13, v14;
	[tilespmem:s3+$0xC0] =	vst v31;
	v13 =	vunpack.i.u.bf16.f32 v35  }
0x266: {  	v17 =	vmul.f32 v32, v11;
	v25 =	vunpack.i.l.bf16.f32 v35;
	[tilespmem:s3+$0x10] =	vst v29;
	v29 =	vmul.f32 v30, v18  }
0x267: {  	v18 =	vbroadcast v19, $0x0;
	v25 =	vmul.f32 v25, v5;
	[tilespmem:s12+$0xFFFFFFE0] =	vst v26;
	v30 =	vunpack.i.u.bf16.f32 v36  }
0x268: {  	s16 =	sadd.s32 $0x100, s16;
	v19 =	vmul.f32 v23, v33;
	v23 =	vmul.f32 v13, v5;
	v5 =	vmovc v33;
	v26 =	vld [tilespmem:s11+$0xFFFFFFB0];
	[tilespmem:s12+$0xFFFFFFF0] =	vst v29;
	v29 =	vunpack.i.l.bf16.f32 v36  }
0x269: {  	[tilespmem:s14+$0xFFFFFF90] =	vst v28  }
0x26a: {  	[tilespmem:s14+$0x0] =	vst v21  }
0x26b: {  	[tilespmem:s14+$0x80] =	vst v24  }
0x26c: {  	[tilespmem:s14+$0xFFFFFF80] =	vst v22  }
0x26d: {  	[tilespmem:s12+$0xFFFFFF20] =	vst v25  }
0x26e: {  	[tilespmem:s14+$0x90] =	vst v20  }
0x26f: {  	[tilespmem:s14+$0xD0] =	vst v17  }
0x270: {  	[tilespmem:s14+$0xFFFFFF10] =	vst v10  }
0x271: {  	v4 =	vmul.f32 v12, v4;
	v48 =	vld.idx.msk [tilespmem:v18+s20+$0x0], $0xffff;
	[tilespmem:s12+$0xFFFFFF30] =	vst v23  }
0x272: {  	v47 =	vmul.f32 v30, v3;
	v3 =	vmul.f32 v29, v3;
	[tilespmem:s14+$0xFFFFFF00] =	vst v19  }
0x273: {  	v2 =	vmul.f32 v15, v2;
	v13 =	vld [tilespmem:s11+$0xFFFFFFD0];
	[tilespmem:s12+$0xB0] =	vst v4  }
0x274: {  	[tilespmem:s12+$0xE0] =	vst v3;
	v3 =	vmul.f32 v16, v9  }
0x275: {  	v51 =	vld [tilespmem:s11+$0x50];
	[tilespmem:s12+$0x70] =	vst v2;
	v2 =	vunpack.i.l.bf16.f32 v27  }
0x276: {  	[tilespmem:s14+$0x50] =	vst v3;
	v3 =	vunpack.i.u.bf16.f32 v27;
	v2 =	vmul.f32 v2, v48  }
0x277: {  	[tilespmem:s12+$0xF0] =	vst v47;
	v50 =	vunpack.i.l.bf16.f32 v26;
	v49 =	vld [tilespmem:s11+$0x30];
	v3 =	vmul.f32 v3, v48  }
0x278: {  	v15 =	vmul.f32 v50, v7;
	v53 =	vunpack.i.u.bf16.f32 v13;
	v13 =	vunpack.i.l.bf16.f32 v13;
	[tilespmem:s14+$0xFFFFFFC0] =	vst v2;
	v2 =	vld [tilespmem:s11+$0x10]  }
0x279: {  	[tilespmem:s14+$0xFFFFFFD0] =	vst v3;
	v3 =	vunpack.i.u.bf16.f32 v26;
	v58 =	vmul.f32 v13, v8  }
0x27a: {  	[tilespmem:s14+$0xFFFFFF60] =	vst v15;
	v3 =	vmul.f32 v3, v7;
	v7 =	vunpack.i.u.bf16.f32 v51  }
0x27b: {  	v54 =	vld [tilespmem:s11+$0xFFFFFFF0];
	[tilespmem:s14+$0xFFFFFFA0] =	vst v58;
	v61 =	vmul.f32 v7, v14  }
0x27c: {  	v52 =	vunpack.i.l.bf16.f32 v49;
	[tilespmem:s14+$0xFFFFFF70] =	vst v3;
	v3 =	vmul.f32 v53, v8  }
0x27d: {  	v10 =	vmul.f32 v52, v9;
	[tilespmem:s14+$0xB0] =	vst v61;
	v55 =	vunpack.i.l.bf16.f32 v2;
	v2 =	vunpack.i.u.bf16.f32 v2  }
0x27e: {  	[tilespmem:s14+$0xFFFFFFB0] =	vst v3;
	v3 =	vld [tilespmem:s11+$0x70];
	v2 =	vmul.f32 v2, v6  }
0x27f: {  	v59 =	vld [tilespmem:s11+$0xFFFFFF90];
	v57 =	vunpack.i.l.bf16.f32 v51;
	[tilespmem:s14+$0x60] =	vst v10;
	v56 =	vmul.f32 v55, v6  }
0x280: {  	v6 =	vmul.f32 v57, v14;
	[tilespmem:s14+$0x30] =	vst v2;
	v2 =	vunpack.i.l.bf16.f32 v54  }
0x281: {  	v60 =	vunpack.i.u.bf16.f32 v54;
	[tilespmem:s14+$0x20] =	vst v56;
	v2 =	vmul.f32 v2, v48  }
0x282: {  	v63 =	vunpack.i.u.bf16.f32 v49;
	v4 =	vmul.f32 v60, v48;
	[tilespmem:s14+$0xA0] =	vst v6  }
0x283: {  	v6 =	vmul.f32 v63, v9;
	[tilespmem:s14+$0xFFFFFFE0] =	vst v2;
	v2 =	vunpack.i.u.bf16.f32 v3  }
0x284: {  	v62 =	vunpack.i.l.bf16.f32 v59;
	[tilespmem:s14+$0xFFFFFFF0] =	vst v4;
	v2 =	vmul.f32 v2, v11  }
0x285: {  	s3 =	smul.u32 $0x140, s9;
	v4 =	vmul.f32 v62, v5;
	[tilespmem:s14+$0x70] =	vst v6;
	v3 =	vunpack.i.l.bf16.f32 v3  }
.Ltmp5:
0x286: {  	v3 =	vmul.f32 v3, v11;
	[tilespmem:s14+$0xF0] =	vst v2;
	v2 =	vunpack.i.u.bf16.f32 v59;
	(pc) =	sbr.rel @p1 .LBB2_14-.Ltmp5, $4  }
0x287: {  	[tilespmem:s14+$0xFFFFFF20] =	vst v4;
	v2 =	vmul.f32 v2, v5  }
0x288: {  	s3 =	sshra.s32 s3, $0x2;
	[tilespmem:s14+$0xE0] =	vst v3  }
0x289: {  	s3 =	sadd.s32 $0x4E20, s3;
	[tilespmem:s14+$0xFFFFFF30] =	vst v2  }
0x28a: {  	[spmem:s1] =	stream.indirect.scatter.add.f32 [tilespmem:s19], [sflag:$0x6], $0x40, s3, s22, $0xb8;
	[tilespmem:$0x1F0A0] =	vst v63  }
.Ltmp6:
0x28b: {  	(pc) =	sbr.rel .LBB2_4-.Ltmp6, $3  }
0x28c: {  	_ =	sdelay $0x1  }
0x28d: {  	s3 =	sadd.s32 $0x230, s8;
	s7 =	sadd.s32 $0x1, s7;
	s5 =	sadd.s32 $0x140, s5  }
0x28e: {  	[tilespmem:s29], [sflag:$0x4] =	stream.indirect.gather [hbm4b:s17+s22], $0x20, s3, s22, $0xb8;
	[tilespmem:$0x1F0A0] =	vst v63  }
.LBB2_14:
0x28f: {  	s3 =	simm.s32 $0x4D81  }
0x290: {  	s9 =	simm.s32 $0x4D82;
	s10 =	simm.s32 $0x4D83;
	v2 =	vmov s3  }
0x291: {  	s11 =	simm.s32 $0x4D87;
	_ =	swait.ge [sflag:s30], $0xA00;
	v3 =	vmov s9;
	v4 =	vmov s10;
	v2 =	vshrl.u32 v2, $0x3  }
0x292: {  	v5 =	vmov s11;
	[sflag:s30] =	ssyncset.done $0x0;
	v3 =	vshrl.u32 v3, $0x3;
	v2 =	vshll.u32 v2, v1  }
0x293: {  	v5 =	vshrl.u32 v5, $0x3;
	[sflag:s30] =	ssyncadd.s32 $0xFFFFF600;
	v3 =	vshll.u32 v3, v1;
	v2 =	vadd.s32 $0x1, v2  }
0x294: {  	v5 =	vshll.u32 v5, v1;
	_ =	swait.ge [sflag:s26], $0x1400;
	v3 =	vadd.s32 $0x2, v3;
	v2 =	vbroadcast v2, $0x0  }
0x295: {  	s12 =	simm.s32 $0x4D84;
	s4 =	simm.s32 $0x4D89;
	v4 =	vshrl.u32 v4, $0x3;
	v5 =	vadd.s32 $0x7, v5;
	[sflag:s26] =	ssyncset.done $0x0;
	v3 =	vbroadcast v3, $0x0  }
0x296: {  	s5 =	simm.s32 $0x4D85;
	s7 =	simm.s32 $0xEAE0;
	v6 =	vmov s12;
	v4 =	vshll.u32 v4, v1;
	v5 =	vbroadcast v5, $0x0;
	[sflag:s26] =	ssyncadd.s32 $0xFFFFEC00  }
0x297: {  	s16 =	simm.s32 $0x4D8C;
	s18 =	simm.s32 $0x4D86;
	v8 =	vmov s4;
	v11 =	vmov s5;
	v4 =	vadd.s32 $0x3, v4;
	v14 =	vld [tilespmem:s7+$0x60]  }
0x298: {  	v12 =	vmov s16;
	v13 =	vmov s18;
	v4 =	vbroadcast v4, $0x0;
	v15 =	vld [tilespmem:s7+$0xFFFFFF80]  }
0x299: {  	v6 =	vshrl.u32 v6, $0x3;
	v11 =	vshrl.u32 v11, $0x3;
	v13 =	vshrl.u32 v13, $0x3;
	v19 =	vld [tilespmem:s7+$0xFFFFFFE0]  }
0x29a: {  	v8 =	vshrl.u32 v8, $0x3;
	v6 =	vshll.u32 v6, v1;
	v11 =	vshll.u32 v11, v1;
	v7 =	vld.idx.msk [tilespmem:v2+s20+$0x0], $0xffff  }
0x29b: {  	s14 =	simm.s32 $0x4D8A;
	v13 =	vshll.u32 v13, v1;
	v8 =	vshll.u32 v8, v1;
	v6 =	vadd.s32 $0x4, v6;
	v9 =	vld.idx.msk [tilespmem:v3+s20+$0x0], $0xffff  }
0x29c: {  	v11 =	vadd.s32 $0x5, v11;
	v6 =	vbroadcast v6, $0x0;
	v3 =	vmov s14;
	v5 =	vld.idx.msk [tilespmem:v5+s20+$0x0], $0xffff  }
0x29d: {  	s13 =	simm.s32 $0x4D80;
	s15 =	simm.s32 $0x4D8B;
	v13 =	vadd.s32 $0x6, v13;
	v8 =	vadd.s32 $0x1, v8;
	v16 =	vshrl.u32 v3, $0x3;
	v3 =	vld [tilespmem:s7+$0xFFFFFFA0]  }
0x29e: {  	v13 =	vbroadcast v13, $0x0;
	v2 =	vmov s13;
	v10 =	vld.idx.msk [tilespmem:v4+s20+$0x0], $0xffff;
	v4 =	vmov s15  }
0x29f: {  	v11 =	vbroadcast v11, $0x0;
	v2 =	vshrl.u32 v2, $0x3;
	v17 =	vshrl.u32 v4, $0x3;
	v4 =	vld [tilespmem:s7+$0xFFFFFFC0]  }
0x2a0: {  	v22 =	vld [tilespmem:s7+$0x20];
	v20 =	vunpack.i.l.bf16.f32 v14;
	v18 =	vshll.u32 v2, v1;
	v2 =	vbroadcast v8, $0x0  }
0x2a1: {  	v24 =	vld [tilespmem:s7+$0x40];
	v14 =	vunpack.i.u.bf16.f32 v14;
	v8 =	vbroadcast v18, $0x0;
	v20 =	vmul.f32 v20, v5  }
0x2a2: {  	s5 =	simm.s32 $0x11360;
	v6 =	vld.idx.msk [tilespmem:v6+s20+$0x0], $0xffff;
	v14 =	vmul.f32 v14, v5;
	v23 =	vunpack.i.u.bf16.f32 v3;
	v3 =	vunpack.i.l.bf16.f32 v3  }
0x2a3: {  	v12 =	vshrl.u32 v12, $0x3;
	v18 =	vld [tilespmem:s7+$0x0];
	[tilespmem:s5+$0xC0] =	vst v20;
	v3 =	vmul.f32 v3, v7  }
0x2a4: {  	v25 =	vunpack.i.u.bf16.f32 v4;
	v26 =	vunpack.i.l.bf16.f32 v4;
	v4 =	vld.idx.msk [tilespmem:v13+s20+$0x0], $0xffff;
	[tilespmem:s5+$0xD0] =	vst v14;
	v14 =	vmul.f32 v23, v7  }
0x2a5: {  	v12 =	vshll.u32 v12, v1;
	v20 =	vld.idx.msk [tilespmem:v11+s20+$0x0], $0xffff;
	v11 =	vunpack.i.u.bf16.f32 v19;
	v13 =	vmul.f32 v26, v9;
	[tilespmem:s5+$0xFFFFFF40] =	vst v3  }
0x2a6: {  	v12 =	vadd.s32 $0x4, v12;
	v21 =	vunpack.i.u.bf16.f32 v15;
	v27 =	vld [tilespmem:s7+$0x70];
	v11 =	vmul.f32 v11, v10;
	[tilespmem:s5+$0xFFFFFF50] =	vst v14  }
0x2a7: {  	v15 =	vunpack.i.l.bf16.f32 v15;
	v19 =	vunpack.i.l.bf16.f32 v19;
	v3 =	vld.idx.msk [tilespmem:v8+s20+$0x0], $0xffff;
	v8 =	vmul.f32 v25, v9;
	[tilespmem:s5+$0xFFFFFF80] =	vst v13  }
0x2a8: {  	v23 =	vunpack.i.u.bf16.f32 v18;
	v18 =	vunpack.i.l.bf16.f32 v18;
	v13 =	vmul.f32 v19, v10;
	[tilespmem:s5+$0xFFFFFFD0] =	vst v11  }
0x2a9: {  	v58 =	vunpack.i.u.bf16.f32 v22;
	v22 =	vunpack.i.l.bf16.f32 v22;
	[tilespmem:s5+$0xFFFFFF90] =	vst v8;
	v8 =	vmul.f32 v18, v6  }
0x2aa: {  	v14 =	vunpack.i.u.bf16.f32 v24;
	v24 =	vunpack.i.l.bf16.f32 v24;
	v59 =	vld [tilespmem:s7+$0xFFFFFFB0];
	v18 =	vmul.f32 v23, v6;
	[tilespmem:s5+$0xFFFFFFC0] =	vst v13  }
0x2ab: {  	v16 =	vshll.u32 v16, v1;
	v17 =	vshll.u32 v17, v1;
	v11 =	vmul.f32 v24, v4;
	v19 =	vld [tilespmem:s7+$0xFFFFFFD0];
	[tilespmem:s5+$0x0] =	vst v8  }
0x2ac: {  	v14 =	vmul.f32 v14, v4;
	v13 =	vmul.f32 v22, v20;
	v61 =	vld [tilespmem:s7+$0xFFFFFFF0];
	v23 =	vunpack.i.u.bf16.f32 v27;
	[tilespmem:s5+$0x10] =	vst v18  }
0x2ad: {  	v16 =	vadd.s32 $0x2, v16;
	v22 =	vmul.f32 v58, v20;
	[tilespmem:s5+$0x80] =	vst v11;
	v23 =	vmul.f32 v23, v5  }
0x2ae: {  	v60 =	vunpack.i.l.bf16.f32 v27;
	[tilespmem:s5+$0x90] =	vst v14;
	v15 =	vmul.f32 v15, v3;
	v21 =	vmul.f32 v21, v3  }
0x2af: {  	[tilespmem:s5+$0x40] =	vst v13;
	v5 =	vmul.f32 v60, v5;
	v8 =	vunpack.i.u.bf16.f32 v59;
	v25 =	vunpack.i.l.bf16.f32 v59  }
0x2b0: {  	v18 =	vld [tilespmem:s7+$0x10];
	[tilespmem:s5+$0xF0] =	vst v23;
	v23 =	vmul.f32 v25, v7;
	v62 =	vmul.f32 v8, v7;
	v8 =	vunpack.i.l.bf16.f32 v19  }
0x2b1: {  	[tilespmem:s5+$0x50] =	vst v22;
	v63 =	vld [tilespmem:s7+$0x50];
	v7 =	vunpack.i.u.bf16.f32 v19;
	v13 =	vunpack.i.l.bf16.f32 v61;
	v19 =	vmul.f32 v8, v9  }
0x2b2: {  	v22 =	vld [tilespmem:s7+$0x30];
	v9 =	vmul.f32 v7, v9;
	v8 =	vbroadcast v16, $0x0;
	v7 =	vunpack.i.u.bf16.f32 v61  }
0x2b3: {  	v17 =	vadd.s32 $0x3, v17;
	[tilespmem:s5+$0xFFFFFF00] =	vst v15;
	v13 =	vmul.f32 v13, v10;
	v11 =	vmul.f32 v7, v10  }
0x2b4: {  	s21 =	simm.s32 $0x4D8F;
	[tilespmem:s5+$0xFFFFFF10] =	vst v21;
	v7 =	vbroadcast v17, $0x0;
	v10 =	vbroadcast v12, $0x0  }
0x2b5: {  	[tilespmem:s5+$0xFFFFFF60] =	vst v23;
	v12 =	vmov s21;
	v14 =	vunpack.i.u.bf16.f32 v18;
	v15 =	vunpack.i.l.bf16.f32 v18  }
0x2b6: {  	[tilespmem:s5+$0xFFFFFF70] =	vst v62;
	v18 =	vld [tilespmem:s7+$0xFFFFFF90];
	v12 =	vshrl.u32 v12, $0x3;
	v16 =	vmul.f32 v15, v6;
	v14 =	vmul.f32 v14, v6  }
0x2b7: {  	v15 =	vunpack.i.l.bf16.f32 v22;
	[tilespmem:s5+$0xFFFFFFA0] =	vst v19;
	v19 =	vunpack.i.u.bf16.f32 v63;
	v6 =	vshll.u32 v12, v1  }
0x2b8: {  	s8 =	simm.s32 $0x0;
	s3 =	simm.s32 $0x8;
	[tilespmem:s5+$0xFFFFFFB0] =	vst v9;
	v12 =	vunpack.i.u.bf16.f32 v22;
	v15 =	vmul.f32 v15, v20;
	v6 =	vadd.s32 $0x7, v6  }
0x2b9: {  	s9 =	simm.s32 $0x4D88;
	s12 =	simm.s32 $0x7;
	s11 =	rddreg [dreg:$0xe];
	v12 =	vmul.f32 v12, v20;
	v20 =	vunpack.i.l.bf16.f32 v63;
	v17 =	vbroadcast v6, $0x0  }
.LBB2_15:
0x2ba: {  	s4 =	sadd.s32 $0x4D89, s3;
	v21 =	vmov s9;
	v9 =	vld.idx.msk [tilespmem:v2+s20+$0x0], $0xffff;
	[tilespmem:s5+$0xFFFFFFE0] =	vst v13;
	v2 =	vmul.f32 v20, v4;
	v4 =	vmul.f32 v19, v4  }
0x2bb: {  	v13 =	vmov s4;
	s4 =	sadd.s32 $0x4D8A, s3;
	v8 =	vld.idx.msk [tilespmem:v8+s20+$0x0], $0xffff;
	v6 =	vunpack.i.u.bf16.f32 v18;
	v18 =	vunpack.i.l.bf16.f32 v18;
	[tilespmem:s5+$0xFFFFFFF0] =	vst v11  }
0x2bc: {  	s6 =	sadd.s32 $0x4D8D, s8;
	v11 =	vmov s4;
	s4 =	sadd.s32 $0x4D8B, s3;
	v7 =	vld.idx.msk [tilespmem:v7+s20+$0x0], $0xffff;
	v18 =	vmul.f32 v18, v3;
	v3 =	vmul.f32 v6, v3;
	[tilespmem:s5+$0x20] =	vst v16  }
0x2bd: {  	s7 =	sadd.s32 $0x100, s7;
	v16 =	vmov s4;
	s4 =	sadd.s32 $0x4D8C, s3;
	v6 =	vld.idx.msk [tilespmem:v10+s20+$0x0], $0xffff;
	v10 =	vmov s6;
	s6 =	sadd.s32 $0x4D8E, s8;
	[tilespmem:s5+$0x30] =	vst v14  }
0x2be: {  	s8 =	smov.u32 s3;
	v14 =	vmov s4;
	v10 =	vshrl.u32 v10, $0x3;
	v19 =	vmov s6;
	v20 =	vld [tilespmem:s7+$0x60];
	[tilespmem:s5+$0x60] =	vst v15  }
0x2bf: {  	v15 =	vshrl.u32 v21, $0x3;
	v10 =	vshll.u32 v10, v1;
	v19 =	vshrl.u32 v19, $0x3;
	v17 =	vld.idx.msk [tilespmem:v17+s20+$0x0], $0xffff;
	[tilespmem:s5+$0x70] =	vst v12  }
0x2c0: {  	v12 =	vshrl.u32 v13, $0x3;
	v13 =	vld [tilespmem:s7+$0xFFFFFF80];
	v10 =	vadd.s32 $0x5, v10;
	v19 =	vshll.u32 v19, v1;
	[tilespmem:s5+$0xA0] =	vst v2  }
0x2c1: {  	v11 =	vshrl.u32 v11, $0x3;
	v21 =	vld [tilespmem:s7+$0xFFFFFFA0];
	v10 =	vbroadcast v10, $0x0;
	v2 =	vadd.s32 $0x6, v19;
	[tilespmem:s5+$0xB0] =	vst v4  }
0x2c2: {  	v4 =	vshll.u32 v12, v1;
	v12 =	vshrl.u32 v16, $0x3;
	v16 =	vld [tilespmem:s7+$0xFFFFFFC0];
	v19 =	vbroadcast v2, $0x0;
	[tilespmem:s5+$0xE0] =	vst v5  }
0x2c3: {  	v2 =	vadd.s32 $0x1, v4;
	v5 =	vshrl.u32 v14, $0x3;
	v4 =	vshll.u32 v15, v1;
	v14 =	vld [tilespmem:s7+$0xFFFFFFE0];
	[tilespmem:s5+$0xFFFFFF20] =	vst v18  }
0x2c4: {  	v2 =	vbroadcast v2, $0x0;
	v15 =	vbroadcast v4, $0x0;
	v4 =	vunpack.i.l.bf16.f32 v20;
	v18 =	vld [tilespmem:s7+$0x0];
	[tilespmem:s5+$0xFFFFFF30] =	vst v3  }
0x2c5: {  	v3 =	vunpack.i.u.bf16.f32 v20;
	v4 =	vmul.f32 v4, v17;
	v22 =	vunpack.i.u.bf16.f32 v13;
	v23 =	vld [tilespmem:s7+$0x20]  }
0x2c6: {  	s5 =	sadd.s32 $0x200, s5;
	v13 =	vunpack.i.l.bf16.f32 v13;
	v3 =	vmul.f32 v3, v17;
	v20 =	vunpack.i.u.bf16.f32 v21;
	v24 =	vld [tilespmem:s7+$0x40]  }
0x2c7: {  	v21 =	vunpack.i.l.bf16.f32 v21;
	v25 =	vunpack.i.u.bf16.f32 v16;
	v16 =	vunpack.i.l.bf16.f32 v16;
	v26 =	vld.idx.msk [tilespmem:v10+s20+$0x0], $0xffff;
	[tilespmem:s5+$0xC0] =	vst v4  }
0x2c8: {  	v10 =	vmul.f32 v21, v9;
	v21 =	vunpack.i.u.bf16.f32 v14;
	v14 =	vunpack.i.l.bf16.f32 v14;
	v4 =	vld.idx.msk [tilespmem:v19+s20+$0x0], $0xffff;
	[tilespmem:s5+$0xD0] =	vst v3  }
0x2c9: {  	v19 =	vmul.f32 v20, v9;
	v20 =	vunpack.i.u.bf16.f32 v18;
	v18 =	vunpack.i.l.bf16.f32 v18;
	v27 =	vld [tilespmem:s7+$0x70]  }
0x2ca: {  	v3 =	vld.idx.msk [tilespmem:v15+s20+$0x0], $0xffff;
	[tilespmem:s5+$0xFFFFFF40] =	vst v10;
	v10 =	vmul.f32 v16, v8;
	v15 =	vunpack.i.u.bf16.f32 v23;
	v16 =	vunpack.i.l.bf16.f32 v23  }
0x2cb: {  	[tilespmem:s5+$0xFFFFFF50] =	vst v19;
	v19 =	vmul.f32 v25, v8;
	v23 =	vunpack.i.u.bf16.f32 v24;
	v24 =	vunpack.i.l.bf16.f32 v24  }
0x2cc: {  	v11 =	vshll.u32 v11, v1;
	v25 =	vld [tilespmem:s7+$0xFFFFFFB0];
	[tilespmem:s5+$0xFFFFFF80] =	vst v10;
	v10 =	vmul.f32 v14, v7;
	v14 =	vmul.f32 v21, v7  }
0x2cd: {  	v12 =	vshll.u32 v12, v1;
	v18 =	vmul.f32 v18, v6;
	[tilespmem:s5+$0xFFFFFF90] =	vst v19;
	v19 =	vmul.f32 v20, v6  }
0x2ce: {  	v15 =	vmul.f32 v15, v26;
	v20 =	vld [tilespmem:s7+$0xFFFFFFD0];
	[tilespmem:s5+$0xFFFFFFC0] =	vst v10;
	v10 =	vmul.f32 v16, v26;
	v16 =	vunpack.i.u.bf16.f32 v27  }
0x2cf: {  	v21 =	vunpack.i.l.bf16.f32 v27;
	[tilespmem:s5+$0xFFFFFFD0] =	vst v14;
	v14 =	vmul.f32 v24, v4;
	v16 =	vmul.f32 v16, v17  }
0x2d0: {  	v24 =	vshll.u32 v5, v1;
	v27 =	vmul.f32 v13, v3;
	v13 =	vld [tilespmem:s7+$0xFFFFFFF0];
	[tilespmem:s5+$0x0] =	vst v18;
	v18 =	vmul.f32 v23, v4  }
0x2d1: {  	v22 =	vmul.f32 v22, v3;
	v5 =	vunpack.i.u.bf16.f32 v25;
	v23 =	vunpack.i.l.bf16.f32 v25;
	[tilespmem:s5+$0xF0] =	vst v16  }
0x2d2: {  	v11 =	vadd.s32 $0x2, v11;
	v16 =	vmul.f32 v23, v9;
	v9 =	vmul.f32 v5, v9;
	[tilespmem:s5+$0x10] =	vst v19  }
0x2d3: {  	v5 =	vmul.f32 v21, v17;
	v19 =	vunpack.i.u.bf16.f32 v20;
	v20 =	vunpack.i.l.bf16.f32 v20;
	v23 =	vld [tilespmem:s7+$0x10];
	[tilespmem:s5+$0x40] =	vst v10  }
0x2d4: {  	v10 =	vadd.s32 $0x3, v12;
	v12 =	vmul.f32 v20, v8;
	v19 =	vmul.f32 v19, v8;
	[tilespmem:s5+$0x50] =	vst v15  }
0x2d5: {  	v8 =	vbroadcast v11, $0x0;
	v11 =	vunpack.i.u.bf16.f32 v13;
	v13 =	vunpack.i.l.bf16.f32 v13;
	v15 =	vld [tilespmem:s7+$0x30];
	[tilespmem:s5+$0x80] =	vst v14  }
0x2d6: {  	s4 =	sadd.s32 $0x4D8F, s3;
	s3 =	sadd.s32 $0x8, s3;
	v14 =	vadd.s32 $0x4, v24;
	v13 =	vmul.f32 v13, v7;
	v11 =	vmul.f32 v11, v7;
	[tilespmem:s5+$0x90] =	vst v18  }
0x2d7: {  	p1 =	slt.u32 s3, $0x48;
	v7 =	vbroadcast v10, $0x0;
	v10 =	vbroadcast v14, $0x0;
	[tilespmem:s5+$0xFFFFFF00] =	vst v27;
	v20 =	vld [tilespmem:s7+$0x50]  }
.Ltmp7:
0x2d8: {  	v14 =	vmov s4;
	[tilespmem:s5+$0xFFFFFF10] =	vst v22;
	v17 =	vunpack.i.u.bf16.f32 v23;
	v21 =	vunpack.i.l.bf16.f32 v23;
	(pc) =	sbr.rel @p1 .LBB2_15-.Ltmp7, $4  }
0x2d9: {  	v22 =	vshrl.u32 v14, $0x3;
	v18 =	vld [tilespmem:s7+$0xFFFFFF90];
	[tilespmem:s5+$0xFFFFFF60] =	vst v16;
	v16 =	vmul.f32 v21, v6;
	v14 =	vmul.f32 v17, v6  }
0x2da: {  	v6 =	vshll.u32 v22, v1;
	[tilespmem:s5+$0xFFFFFF70] =	vst v9;
	v9 =	vunpack.i.u.bf16.f32 v15;
	v15 =	vunpack.i.l.bf16.f32 v15  }
0x2db: {  	v6 =	vadd.s32 $0x7, v6;
	[tilespmem:s5+$0xFFFFFFA0] =	vst v12;
	v15 =	vmul.f32 v15, v26;
	v12 =	vmul.f32 v9, v26  }
0x2dc: {  	s9 =	sadd.s32 $0x4D88, s8;
	v17 =	vbroadcast v6, $0x0;
	[tilespmem:s5+$0xFFFFFFB0] =	vst v19;
	v19 =	vunpack.i.u.bf16.f32 v20;
	v20 =	vunpack.i.l.bf16.f32 v20  }
0x2dd: {  	_ =	sdelay $0x1  }
0x2de: {  	[tilespmem:s5+$0xFFFFFFE0] =	vst v13  }
0x2df: {  	[tilespmem:s5+$0xFFFFFFF0] =	vst v11  }
0x2e0: {  	s3 =	sadd.s32 $0x100, s7;
	[tilespmem:s5+$0x20] =	vst v16;
	v2 =	vld.idx.msk [tilespmem:v2+s20+$0x0], $0xffff  }
0x2e1: {  	v11 =	vmov s9;
	[tilespmem:s5+$0x30] =	vst v14;
	v9 =	vld [tilespmem:s3+$0x60]  }
0x2e2: {  	v13 =	vmul.f32 v20, v4;
	v4 =	vmul.f32 v19, v4;
	s4 =	sadd.s32 $0x4D8D, s8;
	[tilespmem:s5+$0x60] =	vst v15;
	v6 =	vld.idx.msk [tilespmem:v17+s20+$0x0], $0xffff;
	v14 =	vunpack.i.l.bf16.f32 v18  }
0x2e3: {  	s16 =	sadd.s32 $0x4D8E, s8;
	[tilespmem:s5+$0x70] =	vst v12;
	v15 =	vunpack.i.u.bf16.f32 v18;
	v16 =	vmov s4;
	v12 =	vld [tilespmem:s3+$0xFFFFFFA0];
	v14 =	vmul.f32 v14, v3  }
0x2e4: {  	v3 =	vmul.f32 v15, v3;
	v15 =	vshrl.u32 v16, $0x3;
	v16 =	vmov s16;
	[tilespmem:s5+$0xB0] =	vst v4;
	v4 =	vld [tilespmem:s3+$0xFFFFFFC0]  }
0x2e5: {  	v8 =	vld.idx.msk [tilespmem:v8+s20+$0x0], $0xffff;
	v11 =	vshrl.u32 v11, $0x3;
	[tilespmem:s5+$0xA0] =	vst v13;
	v13 =	vshll.u32 v15, v1;
	v15 =	vshrl.u32 v16, $0x3  }
0x2e6: {  	[tilespmem:s5+$0xE0] =	vst v5;
	v13 =	vadd.s32 $0x5, v13;
	v15 =	vshll.u32 v15, v1;
	v16 =	vunpack.i.l.bf16.f32 v9  }
0x2e7: {  	[tilespmem:s5+$0xFFFFFF20] =	vst v14;
	v13 =	vbroadcast v13, $0x0;
	v5 =	vunpack.i.u.bf16.f32 v9;
	v9 =	vmul.f32 v16, v6;
	v16 =	vld [tilespmem:s3+$0xFFFFFFE0]  }
0x2e8: {  	v7 =	vld.idx.msk [tilespmem:v7+s20+$0x0], $0xffff;
	s18 =	sadd.s32 $0x200, s5;
	[tilespmem:s5+$0xFFFFFF30] =	vst v3;
	v14 =	vadd.s32 $0x6, v15;
	v15 =	vunpack.i.l.bf16.f32 v12;
	v5 =	vmul.f32 v5, v6  }
0x2e9: {  	v15 =	vmul.f32 v15, v2;
	v3 =	vunpack.i.l.bf16.f32 v4;
	[tilespmem:s18+$0xC0] =	vst v9;
	v9 =	vbroadcast v14, $0x0;
	v14 =	vld [tilespmem:s3+$0x0]  }
0x2ea: {  	v10 =	vld.idx.msk [tilespmem:v10+s20+$0x0], $0xffff;
	v12 =	vunpack.i.u.bf16.f32 v12;
	v3 =	vmul.f32 v3, v8;
	[tilespmem:s18+$0xD0] =	vst v5;
	v5 =	vshll.u32 v11, v1  }
0x2eb: {  	v4 =	vunpack.i.u.bf16.f32 v4;
	v11 =	vmul.f32 v12, v2;
	[tilespmem:s18+$0xFFFFFF40] =	vst v15;
	v12 =	vld [tilespmem:s3+$0x70];
	v5 =	vbroadcast v5, $0x0  }
0x2ec: {  	v4 =	vmul.f32 v4, v8;
	v15 =	vld [tilespmem:s3+$0x20];
	[tilespmem:s18+$0xFFFFFF80] =	vst v3;
	v17 =	vunpack.i.l.bf16.f32 v16  }
0x2ed: {  	[tilespmem:s18+$0xFFFFFF50] =	vst v11;
	v11 =	vld.idx.msk [tilespmem:v13+s20+$0x0], $0xffff;
	v13 =	vunpack.i.u.bf16.f32 v16;
	v3 =	vmul.f32 v17, v7  }
0x2ee: {  	[tilespmem:s18+$0xFFFFFF90] =	vst v4;
	v16 =	vld [tilespmem:s3+$0x40];
	v13 =	vmul.f32 v13, v7;
	v17 =	vunpack.i.l.bf16.f32 v14  }
0x2ef: {  	v14 =	vunpack.i.u.bf16.f32 v14;
	v4 =	vld.idx.msk [tilespmem:v9+s20+$0x0], $0xffff;
	v9 =	vmul.f32 v17, v10;
	[tilespmem:s18+$0xFFFFFFC0] =	vst v3  }
0x2f0: {  	v3 =	vunpack.i.u.bf16.f32 v12;
	v17 =	vld [tilespmem:s3+$0xFFFFFF80];
	[tilespmem:s18+$0xFFFFFFD0] =	vst v13;
	v14 =	vmul.f32 v14, v10  }
0x2f1: {  	v13 =	vunpack.i.l.bf16.f32 v15;
	v3 =	vmul.f32 v3, v6;
	v5 =	vld.idx.msk [tilespmem:v5+s20+$0x0], $0xffff;
	[tilespmem:s18+$0x0] =	vst v9  }
0x2f2: {  	v13 =	vmul.f32 v13, v11;
	v9 =	vunpack.i.u.bf16.f32 v15;
	v15 =	vld [tilespmem:s3+$0xFFFFFFB0];
	[tilespmem:s18+$0x10] =	vst v14  }
0x2f3: {  	[tilespmem:s18+$0xF0] =	vst v3;
	v3 =	vunpack.i.l.bf16.f32 v16;
	v9 =	vmul.f32 v9, v11  }
0x2f4: {  	v14 =	vunpack.i.u.bf16.f32 v16;
	v16 =	vld [tilespmem:s3+$0xFFFFFFD0];
	[tilespmem:s18+$0x40] =	vst v13;
	v3 =	vmul.f32 v3, v4  }
0x2f5: {  	v13 =	vunpack.i.l.bf16.f32 v17;
	v14 =	vmul.f32 v14, v4;
	[tilespmem:s18+$0x50] =	vst v9  }
0x2f6: {  	v9 =	vunpack.i.u.bf16.f32 v17;
	v17 =	vld [tilespmem:s3+$0xFFFFFFF0];
	v13 =	vmul.f32 v13, v5;
	[tilespmem:s18+$0x80] =	vst v3  }
0x2f7: {  	v3 =	vmul.f32 v9, v5;
	v9 =	vunpack.i.l.bf16.f32 v15;
	[tilespmem:s18+$0x90] =	vst v14  }
0x2f8: {  	v14 =	vunpack.i.u.bf16.f32 v15;
	v15 =	vld [tilespmem:s3+$0x10];
	v9 =	vmul.f32 v9, v2;
	[tilespmem:s18+$0xFFFFFF00] =	vst v13  }
0x2f9: {  	v2 =	vmul.f32 v14, v2;
	v13 =	vunpack.i.l.bf16.f32 v16;
	[tilespmem:s18+$0xFFFFFF10] =	vst v3  }
0x2fa: {  	v14 =	vld [tilespmem:s3+$0x30];
	v3 =	vunpack.i.u.bf16.f32 v16;
	v13 =	vmul.f32 v13, v8;
	[tilespmem:s18+$0xFFFFFF60] =	vst v9  }
0x2fb: {  	v3 =	vmul.f32 v3, v8;
	v8 =	vunpack.i.l.bf16.f32 v17;
	[tilespmem:s18+$0xFFFFFF70] =	vst v2  }
0x2fc: {  	v2 =	vunpack.i.u.bf16.f32 v17;
	v9 =	vld [tilespmem:s3+$0x50];
	v8 =	vmul.f32 v8, v7;
	[tilespmem:s18+$0xFFFFFFA0] =	vst v13  }
0x2fd: {  	v2 =	vmul.f32 v2, v7;
	v7 =	vunpack.i.l.bf16.f32 v15;
	[tilespmem:s18+$0xFFFFFFB0] =	vst v3  }
0x2fe: {  	v3 =	vunpack.i.u.bf16.f32 v15;
	v7 =	vmul.f32 v7, v10;
	[tilespmem:s18+$0xFFFFFFE0] =	vst v8  }
0x2ff: {  	v8 =	vld [tilespmem:s3+$0xFFFFFF90];
	v3 =	vmul.f32 v3, v10;
	v10 =	vunpack.i.l.bf16.f32 v14;
	[tilespmem:s18+$0xFFFFFFF0] =	vst v2  }
0x300: {  	v2 =	vunpack.i.u.bf16.f32 v14;
	v10 =	vmul.f32 v10, v11;
	[tilespmem:s18+$0x20] =	vst v7  }
0x301: {  	v2 =	vmul.f32 v2, v11;
	v7 =	vunpack.i.l.bf16.f32 v9;
	[tilespmem:s18+$0x30] =	vst v3  }
0x302: {  	v3 =	vunpack.i.u.bf16.f32 v9;
	v7 =	vmul.f32 v7, v4;
	[tilespmem:s18+$0x60] =	vst v10  }
0x303: {  	v9 =	vunpack.i.l.bf16.f32 v12;
	v3 =	vmul.f32 v3, v4;
	[tilespmem:s18+$0x70] =	vst v2  }
0x304: {  	v2 =	vmul.f32 v9, v6;
	v4 =	vunpack.i.l.bf16.f32 v8;
	[tilespmem:s18+$0xA0] =	vst v7  }
0x305: {  	s21 =	simm.s32 $0x4DD1;
	v6 =	vunpack.i.u.bf16.f32 v8;
	[tilespmem:s18+$0xB0] =	vst v3;
	v4 =	vmul.f32 v4, v5  }
0x306: {  	[tilespmem:s18+$0xE0] =	vst v2;
	v2 =	vmov s21;
	v3 =	vmul.f32 v6, v5  }
0x307: {  	s7 =	simm.s32 $0x4DD7;
	v2 =	vshrl.u32 v2, $0x3;
	[tilespmem:s18+$0xFFFFFF20] =	vst v4  }
0x308: {  	s6 =	simm.s32 $0x9BA0;
	v5 =	vmov s7;
	v2 =	vshll.u32 v2, v1;
	[tilespmem:s18+$0xFFFFFF30] =	vst v3  }
0x309: {  	v5 =	vshrl.u32 v5, $0x3;
	v2 =	vadd.s32 $0x1, v2;
	[spmem:s1] =	stream.indirect.scatter.add.f32 [tilespmem:s31], [sflag:$0x5], $0x40, s6, s22, $0xb8;
	[tilespmem:$0x1F0A0] =	vst v63  }
0x30a: {  	s4 =	simm.s32 $0x4DD2;
	v5 =	vshll.u32 v5, v1;
	v2 =	vbroadcast v2, $0x0;
	_ =	swait.ge [sflag:s0], $0xA00  }
0x30b: {  	v3 =	vmov s4;
	v5 =	vadd.s32 $0x7, v5;
	[sflag:s0] =	ssyncset.done $0x0  }
0x30c: {  	s5 =	simm.s32 $0x4DD3;
	v3 =	vshrl.u32 v3, $0x3;
	v5 =	vbroadcast v5, $0x0;
	[sflag:s0] =	ssyncadd.s32 $0xFFFFF600  }
0x30d: {  	v4 =	vmov s5;
	v3 =	vshll.u32 v3, v1;
	_ =	swait.ge [sflag:s2], $0x1400  }
0x30e: {  	s15 =	simm.s32 $0x4DD5;
	v4 =	vshrl.u32 v4, $0x3;
	v3 =	vadd.s32 $0x2, v3;
	[sflag:s2] =	ssyncset.done $0x0  }
0x30f: {  	s16 =	simm.s32 $0x4DDC;
	v11 =	vmov s15;
	v4 =	vshll.u32 v4, v1;
	v3 =	vbroadcast v3, $0x0;
	[sflag:s2] =	ssyncadd.s32 $0xFFFFEC00  }
0x310: {  	s8 =	simm.s32 $0x4DD4;
	v12 =	vmov s16;
	v11 =	vshrl.u32 v11, $0x3;
	s7 =	simm.s32 $0xF4E0;
	v4 =	vadd.s32 $0x3, v4;
	v7 =	vld.idx.msk [tilespmem:v2+s20+$0x0], $0xffff  }
0x311: {  	s10 =	simm.s32 $0x4DD9;
	v11 =	vshll.u32 v11, v1;
	v6 =	vmov s8;
	v4 =	vbroadcast v4, $0x0;
	v14 =	vld [tilespmem:s7+$0x60]  }
0x312: {  	v11 =	vadd.s32 $0x5, v11;
	v8 =	vmov s10;
	v6 =	vshrl.u32 v6, $0x3;
	v5 =	vld.idx.msk [tilespmem:v5+s20+$0x0], $0xffff  }
0x313: {  	v11 =	vbroadcast v11, $0x0;
	v8 =	vshrl.u32 v8, $0x3;
	v6 =	vshll.u32 v6, v1;
	s18 =	simm.s32 $0x4DD6;
	v15 =	vld [tilespmem:s7+$0xFFFFFF80]  }
0x314: {  	s13 =	simm.s32 $0x4DDA;
	v8 =	vshll.u32 v8, v1;
	v6 =	vadd.s32 $0x4, v6;
	v13 =	vmov s18;
	v19 =	vld [tilespmem:s7+$0xFFFFFFE0]  }
0x315: {  	v6 =	vbroadcast v6, $0x0;
	v13 =	vshrl.u32 v13, $0x3;
	v9 =	vld.idx.msk [tilespmem:v3+s20+$0x0], $0xffff;
	v3 =	vmov s13  }
0x316: {  	s9 =	simm.s32 $0x4DD0;
	s14 =	simm.s32 $0x4DDB;
	v8 =	vadd.s32 $0x1, v8;
	v13 =	vshll.u32 v13, v1;
	v16 =	vshrl.u32 v3, $0x3;
	v3 =	vld [tilespmem:s7+$0xFFFFFFA0]  }
0x317: {  	v13 =	vadd.s32 $0x6, v13;
	v2 =	vmov s9;
	v10 =	vld.idx.msk [tilespmem:v4+s20+$0x0], $0xffff;
	v4 =	vmov s14  }
0x318: {  	v13 =	vbroadcast v13, $0x0;
	v2 =	vshrl.u32 v2, $0x3;
	v17 =	vshrl.u32 v4, $0x3;
	v4 =	vld [tilespmem:s7+$0xFFFFFFC0]  }
0x319: {  	v22 =	vld [tilespmem:s7+$0x20];
	v18 =	vshll.u32 v2, v1;
	v2 =	vbroadcast v8, $0x0;
	v20 =	vunpack.i.l.bf16.f32 v14  }
0x31a: {  	v24 =	vld [tilespmem:s7+$0x40];
	v8 =	vbroadcast v18, $0x0;
	v14 =	vunpack.i.u.bf16.f32 v14;
	v20 =	vmul.f32 v20, v5  }
0x31b: {  	s5 =	simm.s32 $0x12760;
	v6 =	vld.idx.msk [tilespmem:v6+s20+$0x0], $0xffff;
	v14 =	vmul.f32 v14, v5;
	v23 =	vunpack.i.u.bf16.f32 v3;
	v3 =	vunpack.i.l.bf16.f32 v3  }
0x31c: {  	v12 =	vshrl.u32 v12, $0x3;
	v18 =	vld [tilespmem:s7+$0x0];
	[tilespmem:s5+$0xC0] =	vst v20;
	v3 =	vmul.f32 v3, v7  }
0x31d: {  	v12 =	vshll.u32 v12, v1;
	v26 =	vunpack.i.l.bf16.f32 v4;
	v20 =	vld.idx.msk [tilespmem:v11+s20+$0x0], $0xffff;
	[tilespmem:s5+$0xD0] =	vst v14;
	v14 =	vmul.f32 v23, v7  }
0x31e: {  	v25 =	vunpack.i.u.bf16.f32 v4;
	v11 =	vunpack.i.u.bf16.f32 v19;
	v4 =	vld.idx.msk [tilespmem:v13+s20+$0x0], $0xffff;
	v13 =	vmul.f32 v26, v9;
	[tilespmem:s5+$0xFFFFFF40] =	vst v3  }
0x31f: {  	v12 =	vadd.s32 $0x4, v12;
	v16 =	vshll.u32 v16, v1;
	v27 =	vld [tilespmem:s7+$0x70];
	v11 =	vmul.f32 v11, v10;
	[tilespmem:s5+$0xFFFFFF50] =	vst v14  }
0x320: {  	v17 =	vshll.u32 v17, v1;
	v19 =	vunpack.i.l.bf16.f32 v19;
	v3 =	vld.idx.msk [tilespmem:v8+s20+$0x0], $0xffff;
	v8 =	vmul.f32 v25, v9;
	[tilespmem:s5+$0xFFFFFF80] =	vst v13  }
0x321: {  	v23 =	vunpack.i.u.bf16.f32 v18;
	v18 =	vunpack.i.l.bf16.f32 v18;
	v13 =	vmul.f32 v19, v10;
	[tilespmem:s5+$0xFFFFFFD0] =	vst v11  }
0x322: {  	v21 =	vunpack.i.u.bf16.f32 v15;
	v15 =	vunpack.i.l.bf16.f32 v15;
	[tilespmem:s5+$0xFFFFFF90] =	vst v8;
	v8 =	vmul.f32 v18, v6  }
0x323: {  	v58 =	vunpack.i.u.bf16.f32 v22;
	v22 =	vunpack.i.l.bf16.f32 v22;
	v59 =	vld [tilespmem:s7+$0xFFFFFFB0];
	v18 =	vmul.f32 v23, v6;
	[tilespmem:s5+$0xFFFFFFC0] =	vst v13  }
0x324: {  	v14 =	vunpack.i.u.bf16.f32 v24;
	v24 =	vunpack.i.l.bf16.f32 v24;
	v13 =	vmul.f32 v22, v20;
	v19 =	vld [tilespmem:s7+$0xFFFFFFD0];
	[tilespmem:s5+$0x0] =	vst v8  }
0x325: {  	v22 =	vmul.f32 v58, v20;
	v11 =	vmul.f32 v24, v4;
	v23 =	vunpack.i.u.bf16.f32 v27;
	v61 =	vld [tilespmem:s7+$0xFFFFFFF0];
	[tilespmem:s5+$0x10] =	vst v18  }
0x326: {  	v14 =	vmul.f32 v14, v4;
	v60 =	vunpack.i.l.bf16.f32 v27;
	v23 =	vmul.f32 v23, v5;
	[tilespmem:s5+$0x40] =	vst v13  }
0x327: {  	v16 =	vadd.s32 $0x2, v16;
	v5 =	vmul.f32 v60, v5;
	[tilespmem:s5+$0x50] =	vst v22;
	v15 =	vmul.f32 v15, v3  }
0x328: {  	[tilespmem:s5+$0x80] =	vst v11;
	v21 =	vmul.f32 v21, v3;
	v8 =	vunpack.i.u.bf16.f32 v59;
	v25 =	vunpack.i.l.bf16.f32 v59  }
0x329: {  	v18 =	vld [tilespmem:s7+$0x10];
	[tilespmem:s5+$0xF0] =	vst v23;
	v23 =	vmul.f32 v25, v7;
	v62 =	vmul.f32 v8, v7;
	v8 =	vunpack.i.l.bf16.f32 v19  }
0x32a: {  	[tilespmem:s5+$0x90] =	vst v14;
	v22 =	vld [tilespmem:s7+$0x30];
	v7 =	vunpack.i.u.bf16.f32 v19;
	v13 =	vunpack.i.l.bf16.f32 v61;
	v19 =	vmul.f32 v8, v9  }
0x32b: {  	v63 =	vld [tilespmem:s7+$0x50];
	v9 =	vmul.f32 v7, v9;
	v8 =	vbroadcast v16, $0x0;
	v7 =	vunpack.i.u.bf16.f32 v61  }
0x32c: {  	v17 =	vadd.s32 $0x3, v17;
	v13 =	vmul.f32 v13, v10;
	v11 =	vmul.f32 v7, v10  }
0x32d: {  	s21 =	simm.s32 $0x4DDF;
	[tilespmem:s5+$0xFFFFFF00] =	vst v15;
	v7 =	vbroadcast v17, $0x0;
	v10 =	vbroadcast v12, $0x0  }
0x32e: {  	[tilespmem:s5+$0xFFFFFF10] =	vst v21;
	v12 =	vmov s21;
	v14 =	vunpack.i.u.bf16.f32 v18;
	v15 =	vunpack.i.l.bf16.f32 v18  }
0x32f: {  	[tilespmem:s5+$0xFFFFFF60] =	vst v23;
	v18 =	vld [tilespmem:s7+$0xFFFFFF90];
	v12 =	vshrl.u32 v12, $0x3;
	v16 =	vmul.f32 v15, v6;
	v14 =	vmul.f32 v14, v6  }
0x330: {  	v15 =	vunpack.i.l.bf16.f32 v22;
	[tilespmem:s5+$0xFFFFFFA0] =	vst v19;
	v19 =	vunpack.i.u.bf16.f32 v63;
	v6 =	vshll.u32 v12, v1  }
0x331: {  	[tilespmem:s5+$0xFFFFFF70] =	vst v62;
	v12 =	vunpack.i.u.bf16.f32 v22;
	v15 =	vmul.f32 v15, v20;
	v6 =	vadd.s32 $0x7, v6  }
0x332: {  	s3 =	simm.s32 $0x8;
	s8 =	simm.s32 $0x0;
	s9 =	simm.s32 $0x4DD8;
	[tilespmem:s5+$0xFFFFFFB0] =	vst v9;
	v12 =	vmul.f32 v12, v20;
	v20 =	vunpack.i.l.bf16.f32 v63;
	v17 =	vbroadcast v6, $0x0  }
.LBB2_17:
0x333: {  	s4 =	sadd.s32 $0x4DD9, s3;
	v21 =	vmov s9;
	v9 =	vld.idx.msk [tilespmem:v2+s20+$0x0], $0xffff;
	[tilespmem:s5+$0xFFFFFFE0] =	vst v13;
	v2 =	vmul.f32 v20, v4;
	v4 =	vmul.f32 v19, v4  }
0x334: {  	v13 =	vmov s4;
	s4 =	sadd.s32 $0x4DDA, s3;
	v8 =	vld.idx.msk [tilespmem:v8+s20+$0x0], $0xffff;
	v6 =	vunpack.i.u.bf16.f32 v18;
	v18 =	vunpack.i.l.bf16.f32 v18;
	[tilespmem:s5+$0xFFFFFFF0] =	vst v11  }
0x335: {  	s6 =	sadd.s32 $0x4DDD, s8;
	v11 =	vmov s4;
	s4 =	sadd.s32 $0x4DDB, s3;
	v7 =	vld.idx.msk [tilespmem:v7+s20+$0x0], $0xffff;
	v18 =	vmul.f32 v18, v3;
	v3 =	vmul.f32 v6, v3;
	[tilespmem:s5+$0x20] =	vst v16  }
0x336: {  	s7 =	sadd.s32 $0x100, s7;
	v16 =	vmov s4;
	s4 =	sadd.s32 $0x4DDC, s3;
	v6 =	vld.idx.msk [tilespmem:v10+s20+$0x0], $0xffff;
	v10 =	vmov s6;
	s6 =	sadd.s32 $0x4DDE, s8;
	[tilespmem:s5+$0x30] =	vst v14  }
0x337: {  	s8 =	smov.u32 s3;
	v14 =	vmov s4;
	v10 =	vshrl.u32 v10, $0x3;
	v19 =	vmov s6;
	v20 =	vld [tilespmem:s7+$0x60];
	[tilespmem:s5+$0x60] =	vst v15  }
0x338: {  	v15 =	vshrl.u32 v21, $0x3;
	v10 =	vshll.u32 v10, v1;
	v19 =	vshrl.u32 v19, $0x3;
	v17 =	vld.idx.msk [tilespmem:v17+s20+$0x0], $0xffff;
	[tilespmem:s5+$0x70] =	vst v12  }
0x339: {  	v12 =	vshrl.u32 v13, $0x3;
	v13 =	vld [tilespmem:s7+$0xFFFFFF80];
	v10 =	vadd.s32 $0x5, v10;
	v19 =	vshll.u32 v19, v1;
	[tilespmem:s5+$0xA0] =	vst v2  }
0x33a: {  	v11 =	vshrl.u32 v11, $0x3;
	v21 =	vld [tilespmem:s7+$0xFFFFFFA0];
	v10 =	vbroadcast v10, $0x0;
	v2 =	vadd.s32 $0x6, v19;
	[tilespmem:s5+$0xB0] =	vst v4  }
0x33b: {  	v4 =	vshll.u32 v12, v1;
	v12 =	vshrl.u32 v16, $0x3;
	v16 =	vld [tilespmem:s7+$0xFFFFFFC0];
	v19 =	vbroadcast v2, $0x0;
	[tilespmem:s5+$0xE0] =	vst v5  }
0x33c: {  	v2 =	vadd.s32 $0x1, v4;
	v5 =	vshrl.u32 v14, $0x3;
	v4 =	vshll.u32 v15, v1;
	v14 =	vld [tilespmem:s7+$0xFFFFFFE0];
	[tilespmem:s5+$0xFFFFFF20] =	vst v18  }
0x33d: {  	v2 =	vbroadcast v2, $0x0;
	v15 =	vbroadcast v4, $0x0;
	v4 =	vunpack.i.l.bf16.f32 v20;
	v18 =	vld [tilespmem:s7+$0x0];
	[tilespmem:s5+$0xFFFFFF30] =	vst v3  }
0x33e: {  	v3 =	vunpack.i.u.bf16.f32 v20;
	v4 =	vmul.f32 v4, v17;
	v22 =	vunpack.i.u.bf16.f32 v13;
	v23 =	vld [tilespmem:s7+$0x20]  }
0x33f: {  	s5 =	sadd.s32 $0x200, s5;
	v13 =	vunpack.i.l.bf16.f32 v13;
	v3 =	vmul.f32 v3, v17;
	v20 =	vunpack.i.u.bf16.f32 v21;
	v24 =	vld [tilespmem:s7+$0x40]  }
0x340: {  	v21 =	vunpack.i.l.bf16.f32 v21;
	v25 =	vunpack.i.u.bf16.f32 v16;
	v16 =	vunpack.i.l.bf16.f32 v16;
	v26 =	vld.idx.msk [tilespmem:v10+s20+$0x0], $0xffff;
	[tilespmem:s5+$0xC0] =	vst v4  }
0x341: {  	v10 =	vmul.f32 v21, v9;
	v21 =	vunpack.i.u.bf16.f32 v14;
	v14 =	vunpack.i.l.bf16.f32 v14;
	v4 =	vld.idx.msk [tilespmem:v19+s20+$0x0], $0xffff;
	[tilespmem:s5+$0xD0] =	vst v3  }
0x342: {  	v19 =	vmul.f32 v20, v9;
	v20 =	vunpack.i.u.bf16.f32 v18;
	v18 =	vunpack.i.l.bf16.f32 v18;
	v27 =	vld [tilespmem:s7+$0x70]  }
0x343: {  	v3 =	vld.idx.msk [tilespmem:v15+s20+$0x0], $0xffff;
	[tilespmem:s5+$0xFFFFFF40] =	vst v10;
	v10 =	vmul.f32 v16, v8;
	v15 =	vunpack.i.u.bf16.f32 v23;
	v16 =	vunpack.i.l.bf16.f32 v23  }
0x344: {  	[tilespmem:s5+$0xFFFFFF50] =	vst v19;
	v19 =	vmul.f32 v25, v8;
	v23 =	vunpack.i.u.bf16.f32 v24;
	v24 =	vunpack.i.l.bf16.f32 v24  }
0x345: {  	v11 =	vshll.u32 v11, v1;
	v25 =	vld [tilespmem:s7+$0xFFFFFFB0];
	[tilespmem:s5+$0xFFFFFF80] =	vst v10;
	v10 =	vmul.f32 v14, v7;
	v14 =	vmul.f32 v21, v7  }
0x346: {  	v12 =	vshll.u32 v12, v1;
	v18 =	vmul.f32 v18, v6;
	[tilespmem:s5+$0xFFFFFF90] =	vst v19;
	v19 =	vmul.f32 v20, v6  }
0x347: {  	v15 =	vmul.f32 v15, v26;
	v20 =	vld [tilespmem:s7+$0xFFFFFFD0];
	[tilespmem:s5+$0xFFFFFFC0] =	vst v10;
	v10 =	vmul.f32 v16, v26;
	v16 =	vunpack.i.u.bf16.f32 v27  }
0x348: {  	v21 =	vunpack.i.l.bf16.f32 v27;
	[tilespmem:s5+$0xFFFFFFD0] =	vst v14;
	v14 =	vmul.f32 v24, v4;
	v16 =	vmul.f32 v16, v17  }
0x349: {  	v24 =	vshll.u32 v5, v1;
	v27 =	vmul.f32 v13, v3;
	v13 =	vld [tilespmem:s7+$0xFFFFFFF0];
	[tilespmem:s5+$0x0] =	vst v18;
	v18 =	vmul.f32 v23, v4  }
0x34a: {  	v22 =	vmul.f32 v22, v3;
	v5 =	vunpack.i.u.bf16.f32 v25;
	v23 =	vunpack.i.l.bf16.f32 v25;
	[tilespmem:s5+$0xF0] =	vst v16  }
0x34b: {  	v11 =	vadd.s32 $0x2, v11;
	v16 =	vmul.f32 v23, v9;
	v9 =	vmul.f32 v5, v9;
	[tilespmem:s5+$0x10] =	vst v19  }
0x34c: {  	v5 =	vmul.f32 v21, v17;
	v19 =	vunpack.i.u.bf16.f32 v20;
	v20 =	vunpack.i.l.bf16.f32 v20;
	v23 =	vld [tilespmem:s7+$0x10];
	[tilespmem:s5+$0x40] =	vst v10  }
0x34d: {  	v10 =	vadd.s32 $0x3, v12;
	v12 =	vmul.f32 v20, v8;
	v19 =	vmul.f32 v19, v8;
	[tilespmem:s5+$0x50] =	vst v15  }
0x34e: {  	v8 =	vbroadcast v11, $0x0;
	v11 =	vunpack.i.u.bf16.f32 v13;
	v13 =	vunpack.i.l.bf16.f32 v13;
	v15 =	vld [tilespmem:s7+$0x30];
	[tilespmem:s5+$0x80] =	vst v14  }
0x34f: {  	s4 =	sadd.s32 $0x4DDF, s3;
	s3 =	sadd.s32 $0x8, s3;
	v14 =	vadd.s32 $0x4, v24;
	v13 =	vmul.f32 v13, v7;
	v11 =	vmul.f32 v11, v7;
	[tilespmem:s5+$0x90] =	vst v18  }
0x350: {  	p1 =	slt.u32 s3, $0x48;
	v7 =	vbroadcast v10, $0x0;
	v10 =	vbroadcast v14, $0x0;
	[tilespmem:s5+$0xFFFFFF00] =	vst v27;
	v20 =	vld [tilespmem:s7+$0x50]  }
.Ltmp8:
0x351: {  	v14 =	vmov s4;
	[tilespmem:s5+$0xFFFFFF10] =	vst v22;
	v17 =	vunpack.i.u.bf16.f32 v23;
	v21 =	vunpack.i.l.bf16.f32 v23;
	(pc) =	sbr.rel @p1 .LBB2_17-.Ltmp8, $4  }
0x352: {  	v22 =	vshrl.u32 v14, $0x3;
	v18 =	vld [tilespmem:s7+$0xFFFFFF90];
	[tilespmem:s5+$0xFFFFFF60] =	vst v16;
	v16 =	vmul.f32 v21, v6;
	v14 =	vmul.f32 v17, v6  }
0x353: {  	v6 =	vshll.u32 v22, v1;
	[tilespmem:s5+$0xFFFFFF70] =	vst v9;
	v9 =	vunpack.i.u.bf16.f32 v15;
	v15 =	vunpack.i.l.bf16.f32 v15  }
0x354: {  	v6 =	vadd.s32 $0x7, v6;
	[tilespmem:s5+$0xFFFFFFA0] =	vst v12;
	v15 =	vmul.f32 v15, v26;
	v12 =	vmul.f32 v9, v26  }
0x355: {  	s9 =	sadd.s32 $0x4DD8, s8;
	v17 =	vbroadcast v6, $0x0;
	[tilespmem:s5+$0xFFFFFFB0] =	vst v19;
	v19 =	vunpack.i.u.bf16.f32 v20;
	v20 =	vunpack.i.l.bf16.f32 v20  }
0x356: {  	_ =	sdelay $0x1  }
0x357: {  	[tilespmem:s5+$0xFFFFFFE0] =	vst v13  }
0x358: {  	[tilespmem:s5+$0xFFFFFFF0] =	vst v11  }
0x359: {  	s3 =	sadd.s32 $0x100, s7;
	[tilespmem:s5+$0x20] =	vst v16;
	v2 =	vld.idx.msk [tilespmem:v2+s20+$0x0], $0xffff  }
0x35a: {  	[tilespmem:s5+$0x30] =	vst v14;
	v9 =	vld [tilespmem:s3+$0x60]  }
0x35b: {  	v54 =	vmov s9;
	v55 =	vmul.f32 v20, v4;
	v56 =	vmul.f32 v19, v4;
	s4 =	sadd.s32 $0x4DDD, s8;
	[tilespmem:s5+$0x60] =	vst v15;
	v6 =	vld.idx.msk [tilespmem:v17+s20+$0x0], $0xffff  }
0x35c: {  	s8 =	sadd.s32 $0x4DDE, s8;
	[tilespmem:s5+$0x70] =	vst v12;
	v57 =	vunpack.i.l.bf16.f32 v18;
	v58 =	vunpack.i.u.bf16.f32 v18;
	v59 =	vmov s4;
	v60 =	vld [tilespmem:s3+$0xFFFFFFA0]  }
0x35d: {  	v8 =	vld.idx.msk [tilespmem:v8+s20+$0x0], $0xffff;
	[tilespmem:s5+$0xE0] =	vst v5;
	v62 =	vmov s8;
	v14 =	vmul.f32 v57, v3;
	v61 =	vshrl.u32 v59, $0x3  }
0x35e: {  	v21 =	vld [tilespmem:s3+$0xFFFFFFC0];
	v3 =	vmul.f32 v58, v3;
	[tilespmem:s5+$0xA0] =	vst v55;
	v20 =	vshrl.u32 v62, $0x3;
	v63 =	vshll.u32 v61, v1  }
0x35f: {  	v10 =	vld.idx.msk [tilespmem:v10+s20+$0x0], $0xffff;
	[tilespmem:s5+$0xB0] =	vst v56;
	v15 =	vshll.u32 v20, v1;
	v13 =	vadd.s32 $0x5, v63;
	v22 =	vunpack.i.l.bf16.f32 v9  }
0x360: {  	v29 =	vld [tilespmem:s3+$0x0];
	[tilespmem:s5+$0xFFFFFF20] =	vst v14;
	v13 =	vbroadcast v13, $0x0;
	v23 =	vunpack.i.u.bf16.f32 v9;
	v24 =	vmul.f32 v22, v6  }
0x361: {  	s9 =	sadd.s32 $0x200, s5;
	v25 =	vld [tilespmem:s3+$0xFFFFFFE0];
	v26 =	vadd.s32 $0x6, v15;
	[tilespmem:s5+$0xFFFFFF30] =	vst v3;
	v27 =	vunpack.i.l.bf16.f32 v60;
	v5 =	vmul.f32 v23, v6  }
0x362: {  	v7 =	vld.idx.msk [tilespmem:v7+s20+$0x0], $0xffff;
	v28 =	vbroadcast v26, $0x0;
	v12 =	vunpack.i.u.bf16.f32 v60;
	v15 =	vmul.f32 v27, v2;
	[tilespmem:s9+$0xC0] =	vst v24  }
0x363: {  	v33 =	vld [tilespmem:s3+$0x20];
	v3 =	vunpack.i.l.bf16.f32 v21;
	v31 =	vmul.f32 v12, v2;
	[tilespmem:s9+$0xD0] =	vst v5  }
0x364: {  	v11 =	vshrl.u32 v54, $0x3;
	v4 =	vunpack.i.u.bf16.f32 v21;
	v3 =	vmul.f32 v3, v8;
	[tilespmem:s9+$0xFFFFFF40] =	vst v15;
	v32 =	vld [tilespmem:s3+$0x70]  }
0x365: {  	v37 =	vld [tilespmem:s3+$0x40];
	v30 =	vshll.u32 v11, v1;
	v38 =	vunpack.i.l.bf16.f32 v29;
	v4 =	vmul.f32 v4, v8;
	[tilespmem:s9+$0xFFFFFF50] =	vst v31  }
0x366: {  	v34 =	vunpack.i.l.bf16.f32 v25;
	v40 =	vmul.f32 v38, v10;
	v5 =	vbroadcast v30, $0x0;
	[tilespmem:s9+$0xFFFFFF80] =	vst v3;
	v35 =	vld.idx.msk [tilespmem:v13+s20+$0x0], $0xffff  }
0x367: {  	v14 =	vunpack.i.u.bf16.f32 v29;
	v3 =	vmul.f32 v34, v7;
	[tilespmem:s9+$0xFFFFFF90] =	vst v4;
	v44 =	vld [tilespmem:s3+$0xFFFFFFB0]  }
0x368: {  	v36 =	vunpack.i.u.bf16.f32 v25;
	v14 =	vmul.f32 v14, v10;
	[tilespmem:s9+$0x0] =	vst v40;
	v39 =	vld.idx.msk [tilespmem:v28+s20+$0x0], $0xffff  }
0x369: {  	v13 =	vmul.f32 v36, v7;
	[tilespmem:s9+$0xFFFFFFC0] =	vst v3;
	v3 =	vunpack.i.u.bf16.f32 v32  }
0x36a: {  	v42 =	vunpack.i.l.bf16.f32 v33;
	[tilespmem:s9+$0x10] =	vst v14;
	v3 =	vmul.f32 v3, v6  }
0x36b: {  	v41 =	vld [tilespmem:s3+$0xFFFFFF80];
	v43 =	vunpack.i.u.bf16.f32 v33;
	[tilespmem:s9+$0xFFFFFFD0] =	vst v13;
	v13 =	vmul.f32 v42, v35  }
0x36c: {  	v45 =	vunpack.i.u.bf16.f32 v37;
	v5 =	vld.idx.msk [tilespmem:v5+s20+$0x0], $0xffff;
	v9 =	vmul.f32 v43, v35;
	[tilespmem:s9+$0xF0] =	vst v3  }
0x36d: {  	v49 =	vld [tilespmem:s3+$0xFFFFFFF0];
	v50 =	vunpack.i.l.bf16.f32 v44;
	v14 =	vmul.f32 v45, v39;
	[tilespmem:s9+$0x40] =	vst v13  }
0x36e: {  	v46 =	vld [tilespmem:s3+$0xFFFFFFD0];
	v51 =	vunpack.i.u.bf16.f32 v44;
	[tilespmem:s9+$0x50] =	vst v9;
	v9 =	vmul.f32 v50, v2  }
0x36f: {  	v3 =	vunpack.i.l.bf16.f32 v37;
	[tilespmem:s9+$0x90] =	vst v14;
	v2 =	vmul.f32 v51, v2  }
0x370: {  	v47 =	vunpack.i.l.bf16.f32 v41;
	v3 =	vmul.f32 v3, v39;
	[tilespmem:s9+$0xFFFFFF60] =	vst v9  }
0x371: {  	v48 =	vunpack.i.u.bf16.f32 v41;
	v52 =	vld [tilespmem:s3+$0x10];
	v13 =	vmul.f32 v47, v5;
	[tilespmem:s9+$0xFFFFFF70] =	vst v2  }
0x372: {  	v54 =	vld [tilespmem:s3+$0x30];
	v2 =	vunpack.i.u.bf16.f32 v49;
	[tilespmem:s9+$0x80] =	vst v3;
	v3 =	vmul.f32 v48, v5  }
0x373: {  	v53 =	vunpack.i.l.bf16.f32 v46;
	v2 =	vmul.f32 v2, v7;
	[tilespmem:s9+$0xFFFFFF00] =	vst v13  }
0x374: {  	v13 =	vmul.f32 v53, v8;
	[tilespmem:s9+$0xFFFFFF10] =	vst v3;
	v3 =	vunpack.i.u.bf16.f32 v46  }
0x375: {  	v55 =	vunpack.i.l.bf16.f32 v49;
	[tilespmem:s9+$0xFFFFFFF0] =	vst v2;
	v3 =	vmul.f32 v3, v8  }
0x376: {  	v57 =	vunpack.i.l.bf16.f32 v52;
	v56 =	vld [tilespmem:s3+$0x50];
	v8 =	vmul.f32 v55, v7;
	[tilespmem:s9+$0xFFFFFFA0] =	vst v13  }
0x377: {  	v7 =	vmul.f32 v57, v10;
	v2 =	vunpack.i.u.bf16.f32 v54;
	[tilespmem:s9+$0xFFFFFFB0] =	vst v3  }
0x378: {  	v58 =	vld [tilespmem:s3+$0xFFFFFF90];
	v2 =	vmul.f32 v2, v35;
	v3 =	vunpack.i.u.bf16.f32 v52;
	[tilespmem:s9+$0xFFFFFFE0] =	vst v8  }
0x379: {  	v59 =	vunpack.i.l.bf16.f32 v54;
	[tilespmem:s9+$0x20] =	vst v7;
	v3 =	vmul.f32 v3, v10  }
0x37a: {  	v61 =	vunpack.i.l.bf16.f32 v32;
	v10 =	vmul.f32 v59, v35;
	[tilespmem:s9+$0x70] =	vst v2  }
0x37b: {  	v60 =	vunpack.i.l.bf16.f32 v56;
	v2 =	vmul.f32 v61, v6;
	[tilespmem:s9+$0x30] =	vst v3  }
0x37c: {  	v7 =	vmul.f32 v60, v39;
	v3 =	vunpack.i.u.bf16.f32 v56;
	[tilespmem:s9+$0x60] =	vst v10  }
0x37d: {  	v62 =	vunpack.i.l.bf16.f32 v58;
	[tilespmem:s9+$0xE0] =	vst v2;
	v3 =	vmul.f32 v3, v39  }
0x37e: {  	v63 =	vunpack.i.u.bf16.f32 v58;
	[tilespmem:s9+$0xA0] =	vst v7;
	v4 =	vmul.f32 v62, v5  }
0x37f: {  	[tilespmem:s9+$0xB0] =	vst v3;
	v3 =	vmul.f32 v63, v5  }
0x380: {  	[tilespmem:s9+$0xFFFFFF20] =	vst v4  }
0x381: {  	s10 =	simm.s32 $0x9BF0;
	[tilespmem:s9+$0xFFFFFF30] =	vst v3  }
0x382: {  	[spmem:s1] =	stream.indirect.scatter.add.f32 [tilespmem:s19], [sflag:$0x6], $0x40, s10, s22, $0xb8;
	[tilespmem:$0x1F0A0] =	vst v63  }
0x383: {  	_ =	swait.ge [sflag:s26], $0x1400  }
0x384: {  	[sflag:s26] =	ssyncset.done $0x0  }
0x385: {  	[sflag:s26] =	ssyncadd.s32 $0xFFFFEC00  }
0x386: {  	_ =	swait.ge [sflag:s2], $0x1400  }
0x387: {  	[sflag:s2] =	ssyncset.done $0x0  }
0x388: {  	[sflag:s2] =	ssyncadd.s32 $0xFFFFEC00  }
0x389: {  	s13 =	stileid.u32;
	s6 =	simm.s32 $0x10;
	[bflag:$0x0] =	sbarrier.arrive $0xFFFF  }
0x38a: {  	s16 =	simm.s32 $0x8;
	s3 =	sshll.u32 s13, $0x6;
	s9 =	rddreg [dreg:$0x7]  }
0x38b: {  	s3 =	sor.u32 $0x1C07, s3;
	s15 =	rddreg [dreg:$0xf];
	s14 =	sshrl.u32 s9, $0x3  }
0x38c: {  	[hbm:s15@s6], [sflag:s3] =	dma.strided [spmem:s14@s16], $0x1380, s30, $0x8   }
0x38d: {  	s7 =	simm.s32 @!p0 $0x8;
	_ =	swait.ge [sflag:s12], $0x1380  }
0x38e: {  	s4 =	sshrl.u32 @!p0 s11, $0x3;
	s5 =	simm.s32 @!p0 $0x1;
	[sflag:s12] =	ssyncset.done $0x0  }
0x38f: {  	s6 =	simm.s32 @!p0 $0x10;
	s8 =	rddreg [dreg:$0x10];
	[sflag:s12] =	ssyncadd.s32 $0xFFFFEC80  }
0x390: {  	[hbm:s8@s6], [sflag:s3] =	dma.strided @!p0 [spmem:s4@s7], $0x80, s5, $0x8   }
0x391: {  	s3 =	simm.s32 @!p0 $0x7  }
0x392: {  	_ =	swait.ge @!p0 [sflag:s3], $0x80  }
0x393: {  	s18 =	rddreg [dreg:$0x12]  }
0x394: {  	s21 =	rddreg [dreg:$0x11];
	s5 =	sadd.s32 $0x1, s18  }
0x395: {  	p1 =	sne.s32 s5, s21  }
.Ltmp9:
0x396: {  	_ = 	snop;
	(pc) =	sbr.rel @p1 .LBB2_1-.Ltmp9, $3  }
0x397: {  	_ =	sdelay $0x1  }
0x398: {  	[sflag:s3] =	ssyncset.done @!p0 $0x0  }
0x399: {  	[sflag:s3] =	ssyncadd.s32 @!p0 $0xFFFFFF80  }
0x39a: {  	_ =	sfence.sel $0x180000  }
0x39b: {  	[bflag:$0x0] =	sbarrier.arrive $0xFFFF  }
0x39c: {  	_ =	strace $0x90000047  }
0x39d: {  	[bflag:$0x2] =	sbarrier.arrive $0xFFFF  }
0x39e: {  	s0 =	rddreg [dreg:$0x4]  }
0x39f: {  	s0 =	sadd.s32 @!p0 $0x100000, s0  }
0x3a0: {  	[sflag:s0] =	ssyncadd.tile.s32 @!p0 $0x1;
	_ =	shalt  }
.Lfunc_end2:
_tile_overlayer_lowered:
.L_overlay_start_2:
0x3a1: {  	(tag) =	ssettag $0x2  }
0x3a2: {  	s0 =	rddreg [dreg:$0x0];
	s2 =	stileid.u32  }
0x3a3: {  	s1 =	rddreg [dreg:$0x1];
	p0 =	sne.s32 s2, $0x0  }
0x3a4: {  	s3 =	rddreg [dreg:$0x2];
	[bflag:$0x3] =	sbarrier.arrive $0xFFFF;
	s2 =	simm.s32 @!p0 $0x1C07  }
0x3a5: {  	[timem:s3], [sflag:s2] =	dma.local @!p0 [hbm:s0], s1  }
0x3a6: {  	s0 =	simm.s32 @!p0 $0x7  }
0x3a7: {  	_ =	swait.ge @!p0 [sflag:s0], s1  }
0x3a8: {  	s1 =	ssub.s32 @!p0 $0x0, s1;
	[sflag:s0] =	ssyncset.done @!p0 $0x0  }
0x3a9: {  	[sflag:s0] =	ssyncadd.s32 @!p0 s1  }
0x3aa: {  	[bflag:$0x3] =	sbarrier.arrive $0xFFFF  }
0x3ab: {  	_ =	shalt  }

</sc_bundles>
